<compile_context>
chip_gen: v7x
topology: tpu7x:2x2x1
jax: 0.10.2.dev20260603
libtpu: 0.0.44.dev20260713+nightly
codegen_flags: <defaults>
</compile_context>

<pallas_src>
import functools

import jax
import jax.numpy as jnp
from jax import lax
from jax.experimental import pallas as pl
from jax.experimental.pallas import tpu as pltpu
from jax.experimental.pallas import tpu_sc as plsc

N = 4 * 2048 * 1024
K_RANK = 7969176
LANES = 16
NT = 16
ROWS = 8192
RPT = ROWS // NT
RPC = 16
PER_TILE = N // NT
CHUNK = RPC * 1024
NCHUNK = PER_TILE // CHUNK
NB = 65536
SLICE = NB // NT
VPS = SLICE // LANES
_mesh = plsc.VectorSubcoreMesh(
    core_axis_name="c", subcore_axis_name="s", num_cores=1)


def _splat(val):
  return jnp.full((LANES,), val, dtype=jnp.int32)


def _sel_body(x_hbm, t_hbm, buf, buf2, histv, slc, acc, tot_v, row_v, meta_v,
              tbuf, sh_tot, sh_sl, sh_meta, sem0, sem1):
  sid = lax.axis_index("s")
  base = sid * RPT
  lane = lax.iota(jnp.int32, LANES)
  ones = jnp.ones((LANES,), jnp.int32)
  c16 = jnp.full((LANES,), 16, jnp.int32)
  zvec = jnp.zeros((LANES,), jnp.int32)

  def zero_hist():
    def zb(i, _):
      histv[pl.ds(i * LANES, LANES)] = zvec
      return 0
    lax.fori_loop(0, NB // LANES, zb, 0, unroll=8)

  def hist_pass(level, bsplat):
    U = 16

    def chunk_slice(c):
      return x_hbm.at[pl.ds(base + c * RPC, RPC), :]

    def start(c, bref, sem):
      pltpu.async_copy(chunk_slice(c), bref, sem)

    def wait(c, bref, sem):
      pltpu.make_async_copy(chunk_slice(c), bref, sem).wait()

    def proc(bref):
      def vec_body(j, _):
        r = lax.shift_right_logical(j, 2)
        off = (j & 3) * (U * LANES)
        vs = [bref[r, pl.ds(off + t * LANES, LANES)] for t in range(U)]
        his = []
        los = []
        for v in vs:
          u = plsc.bitcast(v, jnp.int32)
          his.append(lax.shift_right_logical(u, c16))
          if level:
            los.append(u & 0xFFFF)
        if level == 0:
          for hi in his:
            plsc.addupdate_scatter(histv, [hi], ones)
        else:
          for hi, lo in zip(his, los):
            plsc.addupdate_scatter(histv, [lo], ones, mask=hi == bsplat)
        return 0
      lax.fori_loop(0, CHUNK // LANES // U, vec_body, 0)

    start(0, buf, sem0)
    def pair_body(p, _):
      c0 = 2 * p
      start(c0 + 1, buf2, sem1)
      wait(c0, buf, sem0)
      proc(buf)
      cn = jnp.minimum(c0 + 2, NCHUNK - 2)
      start(cn, buf, sem0)
      wait(c0 + 1, buf2, sem1)
      proc(buf2)
      return 0
    lax.fori_loop(0, NCHUNK // 2, pair_body, 0)
    wait(NCHUNK - 2, buf, sem0)

  def slice_totals():
    def sl_body(s, tv):
      def av(i, a):
        return a + histv[pl.ds(s * SLICE + i * LANES, LANES)]
      accv = lax.fori_loop(0, VPS, av, zvec, unroll=8)
      return tv + jnp.where(lane == s, jnp.sum(accv), 0)
    return lax.fori_loop(0, NT, sl_body, zvec)

  def global_totals():
    def rb(j, g):
      pltpu.sync_copy(sh_tot.at[j], row_v)
      return g + row_v[pl.ds(0, LANES)]
    return lax.fori_loop(0, NT, rb, zvec)

  def drill(ref, kthr):
    def body(i, carry):
      found, bloc, before, run = carry
      v = ref[pl.ds(i * LANES, LANES)]
      pc = plsc.cumsum(v)
      tot = jnp.max(pc)
      cross = jnp.logical_and(found == 0, run + tot >= kthr)
      cnt_lt = jnp.sum(jnp.where(run + pc < kthr, 1, 0))
      pb = run + jnp.sum(jnp.where(lane == cnt_lt, pc - v, 0))
      bloc = jnp.where(cross, i * LANES + cnt_lt, bloc)
      before = jnp.where(cross, pb, before)
      found = jnp.where(cross, 1, found)
      return found, bloc, before, run + tot
    z = jnp.int32(0)
    _, bloc, before, _ = lax.fori_loop(0, VPS, body, (z, z, z, z))
    return bloc, before

  def publish_phase(kthr):
    tv = slice_totals()
    tot_v[pl.ds(0, LANES)] = tv
    pltpu.sync_copy(tot_v, sh_tot.at[sid])
    plsc.subcore_barrier()
    g = global_totals()
    pcs = plsc.cumsum(g)
    s_star = jnp.sum(jnp.where(pcs < kthr, 1, 0))
    before_s = jnp.sum(jnp.where(lane == s_star, pcs - g, 0))
    kp = kthr - before_s
    pltpu.sync_copy(histv.at[pl.ds(s_star * SLICE, SLICE)], sh_sl.at[sid])
    plsc.subcore_barrier()
    return s_star, before_s, kp

  def merge_drill(kp):
    def zb(i, _):
      acc[pl.ds(i * LANES, LANES)] = zvec
      return 0
    lax.fori_loop(0, VPS, zb, 0, unroll=8)
    def mj(j, _):
      pltpu.sync_copy(sh_sl.at[j], slc)
      def av(i, _):
        acc[pl.ds(i * LANES, LANES)] = (
            acc[pl.ds(i * LANES, LANES)] + slc[pl.ds(i * LANES, LANES)])
        return 0
      lax.fori_loop(0, VPS, av, 0, unroll=8)
      return 0
    lax.fori_loop(0, NT, mj, 0)
    return drill(acc, kp)

  zero_hist()
  hist_pass(0, None)
  s1, before_s1, kp1 = publish_phase(jnp.int32(K_RANK + 1))

  @pl.when(sid == 0)
  def _():
    bloc, bef = merge_drill(kp1)
    bin_hi = s1 * SLICE + bloc
    k2w = K_RANK - (before_s1 + bef) + 1
    meta_v[pl.ds(0, LANES)] = _splat(bin_hi)
    meta_v[pl.ds(LANES, LANES)] = _splat(k2w)
    pltpu.sync_copy(meta_v, sh_meta)

  plsc.subcore_barrier()
  pltpu.sync_copy(sh_meta, meta_v)
  bsplat = meta_v[pl.ds(0, LANES)]
  k2 = jnp.max(meta_v[pl.ds(LANES, LANES)])

  zero_hist()
  hist_pass(1, bsplat)
  s2, _, kp2 = publish_phase(k2)

  @pl.when(sid == 0)
  def _():
    bloc2, _ = merge_drill(kp2)
    bin_lo = s2 * SLICE + bloc2
    b_hi = jnp.max(bsplat)
    mbits = lax.shift_left(b_hi, 16) | bin_lo
    tbuf[pl.ds(0, LANES)] = plsc.bitcast(_splat(mbits), jnp.float32)
    pltpu.sync_copy(tbuf, t_hbm)


_select = functools.partial(
    pl.kernel,
    out_type=jax.ShapeDtypeStruct((LANES,), jnp.float32),
    mesh=_mesh,
    compiler_params=pltpu.CompilerParams(
        needs_layout_passes=False, use_tc_tiling_on_sc=True),
    scratch_types=[
        pltpu.VMEM((RPC, 1024), jnp.float32),
        pltpu.VMEM((RPC, 1024), jnp.float32),
        pltpu.VMEM((NB,), jnp.int32),
        pltpu.VMEM((SLICE,), jnp.int32),
        pltpu.VMEM((SLICE,), jnp.int32),
        pltpu.VMEM((LANES,), jnp.int32),
        pltpu.VMEM((LANES,), jnp.int32),
        pltpu.VMEM((2 * LANES,), jnp.int32),
        pltpu.VMEM((LANES,), jnp.float32),
        pltpu.VMEM_SHARED((NT, LANES), jnp.int32),
        pltpu.VMEM_SHARED((NT, SLICE), jnp.int32),
        pltpu.VMEM_SHARED((2 * LANES,), jnp.int32),
        pltpu.SemaphoreType.DMA,
        pltpu.SemaphoreType.DMA,
    ],
)(_sel_body)


def _fin_body(t_ref, x_ref, o_ref):
  t = t_ref[0, 0]
  xb = x_ref[...]
  o_ref[...] = jnp.where(xb > t, t, xb) / t


_finalize = pl.pallas_call(
    _fin_body,
    grid=(4, 8),
    in_specs=[
        pl.BlockSpec(memory_space=pltpu.SMEM),
        pl.BlockSpec((1, 256, 1024), lambda i, j: (i, j, 0)),
    ],
    out_specs=pl.BlockSpec((1, 256, 1024), lambda i, j: (i, j, 0)),
    out_shape=jax.ShapeDtypeStruct((4, 2048, 1024), jnp.float32),
)


def kernel(x):
  t16 = _select(x.reshape(ROWS, 1024))
  t2 = t16[:1].reshape(1, 1)
  return _finalize(t2, x)

# --- scband reference (transcript-rebuilt; emitter-appended) ---
"""Pipeline reference for scband-pctile-kevin-12781822673551 (READ-ONLY COPY).

The authoritative reference and input builder live on the scoring server;
editing this copy changes nothing except your own understanding.
"""

import jax, jax.numpy as jnp
import numpy as np

PCT = 0.95

def setup_inputs(seed: int = 0) -> dict:
    key = jax.random.key(seed)
    x = jax.random.uniform(key, (4, 2048, 1024), dtype=jnp.float32)
    return {"x": x}

def reference(x):
    nth_pctile = jnp.quantile(x, PCT, method='nearest')
    return jnp.where(x > nth_pctile, nth_pctile, x) / nth_pctile

if __name__ == "__main__":
    import jax
    _d = setup_inputs()
    print(jax.jit(kernel)(*tuple(_d.values())))

</pallas_src>

<mosaic_0001>
#map = affine_map<(d0, d1) -> (0, 0)>
#map1 = affine_map<(d0, d1) -> (0)>
module attributes {stable_mosaic.version = 14 : i64} {
  func.func @_sel_body(%arg0: i32, %arg1: i32, %arg2: memref<8192x1024xf32, #tpu.memory_space<hbm>>, %arg3: memref<16xf32, #tpu.memory_space<hbm>>, %arg4: memref<16x1024xf32, #tpu.memory_space<vmem>>, %arg5: memref<16x1024xf32, #tpu.memory_space<vmem>>, %arg6: memref<65536xi32, #tpu.memory_space<vmem>>, %arg7: memref<4096xi32, #tpu.memory_space<vmem>>, %arg8: memref<4096xi32, #tpu.memory_space<vmem>>, %arg9: memref<16xi32, #tpu.memory_space<vmem>>, %arg10: memref<16xi32, #tpu.memory_space<vmem>>, %arg11: memref<32xi32, #tpu.memory_space<vmem>>, %arg12: memref<16xf32, #tpu.memory_space<vmem>>, %arg13: memref<16x16xi32, #tpu.memory_space<vmem_shared>>, %arg14: memref<16x4096xi32, #tpu.memory_space<vmem_shared>>, %arg15: memref<32xi32, #tpu.memory_space<vmem_shared>>, %arg16: memref<!tpu.dma_semaphore, #tpu.memory_space<semaphore_mem>>, %arg17: memref<!tpu.dma_semaphore, #tpu.memory_space<semaphore_mem>>) attributes {dimension_semantics = [#tpu.dimension_semantics<core_parallel>, #tpu.dimension_semantics<subcore_parallel>], iteration_bounds = array<i64: 1, 16>, scalar_prefetch = 0 : i64, scratch_operands = 14 : i64, tpu.core_type = #tpu.core_type<sc_vector_subcore>, window_params = [{transform_indices = #map}, {transform_indices = #map1}]} {
    %mul3A = arith.constant 512 : i32
    %mul3A_0 = arith.muli %arg1, %mul3A : i32
    %iota3A = tpu.iota {dimensions = array<i32: 0>} : vector<16xi32>
    %broadcast_in_dim3A = arith.constant 1 : i32
    %broadcast_in_dim3A_1 = vector.broadcast %broadcast_in_dim3A : i32 to vector<16xi32>
    %broadcast_in_dim3A_2 = arith.constant 16 : i32
    %broadcast_in_dim3A_3 = vector.broadcast %broadcast_in_dim3A_2 : i32 to vector<16xi32>
    %broadcast_in_dim3A_4 = arith.constant 0 : i32
    %broadcast_in_dim3A_5 = vector.broadcast %broadcast_in_dim3A_4 : i32 to vector<16xi32>
    %scan3A = arith.constant 0 : i32
    %scan3A_6 = arith.constant 0 : i32
    %scan3A_7 = arith.constant 4096 : i32
    %scan3A_8 = arith.addi %scan3A_6, %scan3A_7 : i32
    %scan3A_9 = arith.constant 8 : i32
    %scan3A_10 = scf.for %scan3A_152 = %scan3A_6 to %scan3A_8 step %scan3A_9 iter_args(%scan3A_153 = %scan3A) -> (i32)  : i32 {
      %mul3A_154 = arith.constant 16 : i32
      %mul3A_155 = arith.muli %scan3A_152, %mul3A_154 : i32
      %swap3A_156 = arith.index_cast %mul3A_155 : i32 to index
      %swap3A_157 = tpu.vector_load %arg6[%swap3A_156] {strides = array<i32>} : memref<65536xi32, #tpu.memory_space<vmem>>, vector<16xi32>,
      tpu.vector_store %arg6[%swap3A_156], %broadcast_in_dim3A_5 {strides = array<i32>} : memref<65536xi32, #tpu.memory_space<vmem>>, vector<16xi32>,
      %scan3A_158 = arith.constant 0 : i32
      %scan3A_159 = arith.constant 1 : i32
      %scan3A_160 = arith.addi %scan3A_152, %scan3A_159 : i32
      %mul3A_161 = arith.constant 16 : i32
      %mul3A_162 = arith.muli %scan3A_160, %mul3A_161 : i32
      %swap3A_163 = arith.index_cast %mul3A_162 : i32 to index
      %swap3A_164 = tpu.vector_load %arg6[%swap3A_163] {strides = array<i32>} : memref<65536xi32, #tpu.memory_space<vmem>>, vector<16xi32>,
      tpu.vector_store %arg6[%swap3A_163], %broadcast_in_dim3A_5 {strides = array<i32>} : memref<65536xi32, #tpu.memory_space<vmem>>, vector<16xi32>,
      %scan3A_165 = arith.constant 0 : i32
      %scan3A_166 = arith.constant 2 : i32
      %scan3A_167 = arith.addi %scan3A_152, %scan3A_166 : i32
      %mul3A_168 = arith.constant 16 : i32
      %mul3A_169 = arith.muli %scan3A_167, %mul3A_168 : i32
      %swap3A_170 = arith.index_cast %mul3A_169 : i32 to index
      %swap3A_171 = tpu.vector_load %arg6[%swap3A_170] {strides = array<i32>} : memref<65536xi32, #tpu.memory_space<vmem>>, vector<16xi32>,
      tpu.vector_store %arg6[%swap3A_170], %broadcast_in_dim3A_5 {strides = array<i32>} : memref<65536xi32, #tpu.memory_space<vmem>>, vector<16xi32>,
      %scan3A_172 = arith.constant 0 : i32
      %scan3A_173 = arith.constant 3 : i32
      %scan3A_174 = arith.addi %scan3A_152, %scan3A_173 : i32
      %mul3A_175 = arith.constant 16 : i32
      %mul3A_176 = arith.muli %scan3A_174, %mul3A_175 : i32
      %swap3A_177 = arith.index_cast %mul3A_176 : i32 to index
      %swap3A_178 = tpu.vector_load %arg6[%swap3A_177] {strides = array<i32>} : memref<65536xi32, #tpu.memory_space<vmem>>, vector<16xi32>,
      tpu.vector_store %arg6[%swap3A_177], %broadcast_in_dim3A_5 {strides = array<i32>} : memref<65536xi32, #tpu.memory_space<vmem>>, vector<16xi32>,
      %scan3A_179 = arith.constant 0 : i32
      %scan3A_180 = arith.constant 4 : i32
      %scan3A_181 = arith.addi %scan3A_152, %scan3A_180 : i32
      %mul3A_182 = arith.constant 16 : i32
      %mul3A_183 = arith.muli %scan3A_181, %mul3A_182 : i32
      %swap3A_184 = arith.index_cast %mul3A_183 : i32 to index
      %swap3A_185 = tpu.vector_load %arg6[%swap3A_184] {strides = array<i32>} : memref<65536xi32, #tpu.memory_space<vmem>>, vector<16xi32>,
      tpu.vector_store %arg6[%swap3A_184], %broadcast_in_dim3A_5 {strides = array<i32>} : memref<65536xi32, #tpu.memory_space<vmem>>, vector<16xi32>,
      %scan3A_186 = arith.constant 0 : i32
      %scan3A_187 = arith.constant 5 : i32
      %scan3A_188 = arith.addi %scan3A_152, %scan3A_187 : i32
      %mul3A_189 = arith.constant 16 : i32
      %mul3A_190 = arith.muli %scan3A_188, %mul3A_189 : i32
      %swap3A_191 = arith.index_cast %mul3A_190 : i32 to index
      %swap3A_192 = tpu.vector_load %arg6[%swap3A_191] {strides = array<i32>} : memref<65536xi32, #tpu.memory_space<vmem>>, vector<16xi32>,
      tpu.vector_store %arg6[%swap3A_191], %broadcast_in_dim3A_5 {strides = array<i32>} : memref<65536xi32, #tpu.memory_space<vmem>>, vector<16xi32>,
      %scan3A_193 = arith.constant 0 : i32
      %scan3A_194 = arith.constant 6 : i32
      %scan3A_195 = arith.addi %scan3A_152, %scan3A_194 : i32
      %mul3A_196 = arith.constant 16 : i32
      %mul3A_197 = arith.muli %scan3A_195, %mul3A_196 : i32
      %swap3A_198 = arith.index_cast %mul3A_197 : i32 to index
      %swap3A_199 = tpu.vector_load %arg6[%swap3A_198] {strides = array<i32>} : memref<65536xi32, #tpu.memory_space<vmem>>, vector<16xi32>,
      tpu.vector_store %arg6[%swap3A_198], %broadcast_in_dim3A_5 {strides = array<i32>} : memref<65536xi32, #tpu.memory_space<vmem>>, vector<16xi32>,
      %scan3A_200 = arith.constant 0 : i32
      %scan3A_201 = arith.constant 7 : i32
      %scan3A_202 = arith.addi %scan3A_152, %scan3A_201 : i32
      %mul3A_203 = arith.constant 16 : i32
      %mul3A_204 = arith.muli %scan3A_202, %mul3A_203 : i32
      %swap3A_205 = arith.index_cast %mul3A_204 : i32 to index
      %swap3A_206 = tpu.vector_load %arg6[%swap3A_205] {strides = array<i32>} : memref<65536xi32, #tpu.memory_space<vmem>>, vector<16xi32>,
      tpu.vector_store %arg6[%swap3A_205], %broadcast_in_dim3A_5 {strides = array<i32>} : memref<65536xi32, #tpu.memory_space<vmem>>, vector<16xi32>,
      %scan3A_207 = arith.constant 0 : i32
      scf.yield %scan3A_207 : i32
    }
    %scan3A_11 = arith.constant 4096 : i32
    %add3A = arith.constant 0 : i32
    %add3A_12 = arith.addi %mul3A_0, %add3A : i32
    %dma_start3A = arith.constant 0 : i32
    %dma_start3A_13 = tpu.memref_slice %arg2[%add3A_12, %dma_start3A] : memref<8192x1024xf32, #tpu.memory_space<hbm>> -> memref<16x1024xf32, #tpu.memory_space<hbm>>
    %dma_start3A_14 = arith.constant 0 : i32
    %dma_start3A_15 = tpu.memref_slice %arg2[%add3A_12, %dma_start3A_14] : memref<8192x1024xf32, #tpu.memory_space<hbm>> -> memref<16x1024xf32, #tpu.memory_space<hbm>>
    tpu.enqueue_dma source(%dma_start3A_15 : memref<16x1024xf32, #tpu.memory_space<hbm>>) target(%arg4 : memref<16x1024xf32, #tpu.memory_space<vmem>>) target_semaphore(%arg16 : memref<!tpu.dma_semaphore, #tpu.memory_space<semaphore_mem>>)
    %scan3A_16 = arith.constant 0 : i32
    %scan3A_17 = arith.constant 0 : i32
    %scan3A_18 = arith.constant 16 : i32
    %scan3A_19 = arith.addi %scan3A_17, %scan3A_18 : i32
    %scan3A_20 = arith.constant 1 : i32
    %scan3A_21 = scf.for %scan3A_152 = %scan3A_17 to %scan3A_19 step %scan3A_20 iter_args(%scan3A_153 = %scan3A_16) -> (i32)  : i32 {
      %mul3A_154 = arith.constant 2 : i32
      %mul3A_155 = arith.muli %mul3A_154, %scan3A_152 : i32
      %add3A_156 = arith.constant 1 : i32
      %add3A_157 = arith.addi %mul3A_155, %add3A_156 : i32
      %mul3A_158 = arith.constant 16 : i32
      %mul3A_159 = arith.muli %add3A_157, %mul3A_158 : i32
      %add3A_160 = arith.addi %mul3A_0, %mul3A_159 : i32
      %dma_start3A_161 = arith.constant 0 : i32
      %dma_start3A_162 = tpu.memref_slice %arg2[%add3A_160, %dma_start3A_161] : memref<8192x1024xf32, #tpu.memory_space<hbm>> -> memref<16x1024xf32, #tpu.memory_space<hbm>>
      %dma_start3A_163 = arith.constant 0 : i32
      %dma_start3A_164 = tpu.memref_slice %arg2[%add3A_160, %dma_start3A_163] : memref<8192x1024xf32, #tpu.memory_space<hbm>> -> memref<16x1024xf32, #tpu.memory_space<hbm>>
      tpu.enqueue_dma source(%dma_start3A_164 : memref<16x1024xf32, #tpu.memory_space<hbm>>) target(%arg5 : memref<16x1024xf32, #tpu.memory_space<vmem>>) target_semaphore(%arg17 : memref<!tpu.dma_semaphore, #tpu.memory_space<semaphore_mem>>)
      %mul3A_165 = arith.constant 16 : i32
      %mul3A_166 = arith.muli %mul3A_155, %mul3A_165 : i32
      %add3A_167 = arith.addi %mul3A_0, %mul3A_166 : i32
      %dma_wait3A_168 = arith.constant 0 : i32
      %dma_wait3A_169 = tpu.memref_slice %arg2[%add3A_167, %dma_wait3A_168] : memref<8192x1024xf32, #tpu.memory_space<hbm>> -> memref<16x1024xf32, #tpu.memory_space<hbm>>
      %dma_wait3A_170 = arith.constant 0 : i32
      %dma_wait3A_171 = tpu.memref_slice %arg2[%add3A_167, %dma_wait3A_170] : memref<8192x1024xf32, #tpu.memory_space<hbm>> -> memref<16x1024xf32, #tpu.memory_space<hbm>>
      tpu.wait_dma2 semaphore(%arg16 : memref<!tpu.dma_semaphore, #tpu.memory_space<semaphore_mem>>) src(%dma_wait3A_171 : memref<16x1024xf32, #tpu.memory_space<hbm>>) dst(%arg4 : memref<16x1024xf32, #tpu.memory_space<vmem>>)
      %scan3A_172 = arith.constant 0 : i32
      %scan3A_173 = arith.constant 0 : i32
      %scan3A_174 = arith.constant 64 : i32
      %scan3A_175 = arith.addi %scan3A_173, %scan3A_174 : i32
      %scan3A_176 = arith.constant 1 : i32
      %scan3A_177 = scf.for %scan3A_206 = %scan3A_173 to %scan3A_175 step %scan3A_176 iter_args(%scan3A_207 = %scan3A_172) -> (i32)  : i32 {
        %shift_right_logical3A = arith.constant 2 : i32
        %shift_right_logical3A_208 = arith.shrui %scan3A_206, %shift_right_logical3A : i32
        %and3A = arith.constant 3 : i32
        %and3A_209 = arith.andi %scan3A_206, %and3A : i32
        %mul3A_210 = arith.constant 256 : i32
        %mul3A_211 = arith.muli %and3A_209, %mul3A_210 : i32
        %add3A_212 = arith.constant 0 : i32
        %add3A_213 = arith.addi %mul3A_211, %add3A_212 : i32
        %get3A_214 = arith.index_cast %shift_right_logical3A_208 : i32 to index
        %get3A_215 = arith.index_cast %add3A_213 : i32 to index
        %get3A_216 = tpu.vector_load %arg4[%get3A_214, %get3A_215] {strides = array<i32>} : memref<16x1024xf32, #tpu.memory_space<vmem>>, vector<16xf32>,
        %add3A_217 = arith.constant 16 : i32
        %add3A_218 = arith.addi %mul3A_211, %add3A_217 : i32
        %get3A_219 = arith.index_cast %shift_right_logical3A_208 : i32 to index
        %get3A_220 = arith.index_cast %add3A_218 : i32 to index
        %get3A_221 = tpu.vector_load %arg4[%get3A_219, %get3A_220] {strides = array<i32>} : memref<16x1024xf32, #tpu.memory_space<vmem>>, vector<16xf32>,
        %add3A_222 = arith.constant 32 : i32
        %add3A_223 = arith.addi %mul3A_211, %add3A_222 : i32
        %get3A_224 = arith.index_cast %shift_right_logical3A_208 : i32 to index
        %get3A_225 = arith.index_cast %add3A_223 : i32 to index
        %get3A_226 = tpu.vector_load %arg4[%get3A_224, %get3A_225] {strides = array<i32>} : memref<16x1024xf32, #tpu.memory_space<vmem>>, vector<16xf32>,
        %add3A_227 = arith.constant 48 : i32
        %add3A_228 = arith.addi %mul3A_211, %add3A_227 : i32
        %get3A_229 = arith.index_cast %shift_right_logical3A_208 : i32 to index
        %get3A_230 = arith.index_cast %add3A_228 : i32 to index
        %get3A_231 = tpu.vector_load %arg4[%get3A_229, %get3A_230] {strides = array<i32>} : memref<16x1024xf32, #tpu.memory_space<vmem>>, vector<16xf32>,
        %add3A_232 = arith.constant 64 : i32
        %add3A_233 = arith.addi %mul3A_211, %add3A_232 : i32
        %get3A_234 = arith.index_cast %shift_right_logical3A_208 : i32 to index
        %get3A_235 = arith.index_cast %add3A_233 : i32 to index
        %get3A_236 = tpu.vector_load %arg4[%get3A_234, %get3A_235] {strides = array<i32>} : memref<16x1024xf32, #tpu.memory_space<vmem>>, vector<16xf32>,
        %add3A_237 = arith.constant 80 : i32
        %add3A_238 = arith.addi %mul3A_211, %add3A_237 : i32
        %get3A_239 = arith.index_cast %shift_right_logical3A_208 : i32 to index
        %get3A_240 = arith.index_cast %add3A_238 : i32 to index
        %get3A_241 = tpu.vector_load %arg4[%get3A_239, %get3A_240] {strides = array<i32>} : memref<16x1024xf32, #tpu.memory_space<vmem>>, vector<16xf32>,
        %add3A_242 = arith.constant 96 : i32
        %add3A_243 = arith.addi %mul3A_211, %add3A_242 : i32
        %get3A_244 = arith.index_cast %shift_right_logical3A_208 : i32 to index
        %get3A_245 = arith.index_cast %add3A_243 : i32 to index
        %get3A_246 = tpu.vector_load %arg4[%get3A_244, %get3A_245] {strides = array<i32>} : memref<16x1024xf32, #tpu.memory_space<vmem>>, vector<16xf32>,
        %add3A_247 = arith.constant 112 : i32
        %add3A_248 = arith.addi %mul3A_211, %add3A_247 : i32
        %get3A_249 = arith.index_cast %shift_right_logical3A_208 : i32 to index
        %get3A_250 = arith.index_cast %add3A_248 : i32 to index
        %get3A_251 = tpu.vector_load %arg4[%get3A_249, %get3A_250] {strides = array<i32>} : memref<16x1024xf32, #tpu.memory_space<vmem>>, vector<16xf32>,
        %add3A_252 = arith.constant 128 : i32
        %add3A_253 = arith.addi %mul3A_211, %add3A_252 : i32
        %get3A_254 = arith.index_cast %shift_right_logical3A_208 : i32 to index
        %get3A_255 = arith.index_cast %add3A_253 : i32 to index
        %get3A_256 = tpu.vector_load %arg4[%get3A_254, %get3A_255] {strides = array<i32>} : memref<16x1024xf32, #tpu.memory_space<vmem>>, vector<16xf32>,
        %add3A_257 = arith.constant 144 : i32
        %add3A_258 = arith.addi %mul3A_211, %add3A_257 : i32
        %get3A_259 = arith.index_cast %shift_right_logical3A_208 : i32 to index
        %get3A_260 = arith.index_cast %add3A_258 : i32 to index
        %get3A_261 = tpu.vector_load %arg4[%get3A_259, %get3A_260] {strides = array<i32>} : memref<16x1024xf32, #tpu.memory_space<vmem>>, vector<16xf32>,
        %add3A_262 = arith.constant 160 : i32
        %add3A_263 = arith.addi %mul3A_211, %add3A_262 : i32
        %get3A_264 = arith.index_cast %shift_right_logical3A_208 : i32 to index
        %get3A_265 = arith.index_cast %add3A_263 : i32 to index
        %get3A_266 = tpu.vector_load %arg4[%get3A_264, %get3A_265] {strides = array<i32>} : memref<16x1024xf32, #tpu.memory_space<vmem>>, vector<16xf32>,
        %add3A_267 = arith.constant 176 : i32
        %add3A_268 = arith.addi %mul3A_211, %add3A_267 : i32
        %get3A_269 = arith.index_cast %shift_right_logical3A_208 : i32 to index
        %get3A_270 = arith.index_cast %add3A_268 : i32 to index
        %get3A_271 = tpu.vector_load %arg4[%get3A_269, %get3A_270] {strides = array<i32>} : memref<16x1024xf32, #tpu.memory_space<vmem>>, vector<16xf32>,
        %add3A_272 = arith.constant 192 : i32
        %add3A_273 = arith.addi %mul3A_211, %add3A_272 : i32
        %get3A_274 = arith.index_cast %shift_right_logical3A_208 : i32 to index
        %get3A_275 = arith.index_cast %add3A_273 : i32 to index
        %get3A_276 = tpu.vector_load %arg4[%get3A_274, %get3A_275] {strides = array<i32>} : memref<16x1024xf32, #tpu.memory_space<vmem>>, vector<16xf32>,
        %add3A_277 = arith.constant 208 : i32
        %add3A_278 = arith.addi %mul3A_211, %add3A_277 : i32
        %get3A_279 = arith.index_cast %shift_right_logical3A_208 : i32 to index
        %get3A_280 = arith.index_cast %add3A_278 : i32 to index
        %get3A_281 = tpu.vector_load %arg4[%get3A_279, %get3A_280] {strides = array<i32>} : memref<16x1024xf32, #tpu.memory_space<vmem>>, vector<16xf32>,
        %add3A_282 = arith.constant 224 : i32
        %add3A_283 = arith.addi %mul3A_211, %add3A_282 : i32
        %get3A_284 = arith.index_cast %shift_right_logical3A_208 : i32 to index
        %get3A_285 = arith.index_cast %add3A_283 : i32 to index
        %get3A_286 = tpu.vector_load %arg4[%get3A_284, %get3A_285] {strides = array<i32>} : memref<16x1024xf32, #tpu.memory_space<vmem>>, vector<16xf32>,
        %add3A_287 = arith.constant 240 : i32
        %add3A_288 = arith.addi %mul3A_211, %add3A_287 : i32
        %get3A_289 = arith.index_cast %shift_right_logical3A_208 : i32 to index
        %get3A_290 = arith.index_cast %add3A_288 : i32 to index
        %get3A_291 = tpu.vector_load %arg4[%get3A_289, %get3A_290] {strides = array<i32>} : memref<16x1024xf32, #tpu.memory_space<vmem>>, vector<16xf32>,
        %bitcast3A = vector.bitcast %get3A_216 : vector<16xf32> to vector<16xi32>
        %shift_right_logical3A_292 = arith.shrui %bitcast3A, %broadcast_in_dim3A_3 : vector<16xi32>
        %bitcast3A_293 = vector.bitcast %get3A_221 : vector<16xf32> to vector<16xi32>
        %shift_right_logical3A_294 = arith.shrui %bitcast3A_293, %broadcast_in_dim3A_3 : vector<16xi32>
        %bitcast3A_295 = vector.bitcast %get3A_226 : vector<16xf32> to vector<16xi32>
        %shift_right_logical3A_296 = arith.shrui %bitcast3A_295, %broadcast_in_dim3A_3 : vector<16xi32>
        %bitcast3A_297 = vector.bitcast %get3A_231 : vector<16xf32> to vector<16xi32>
        %shift_right_logical3A_298 = arith.shrui %bitcast3A_297, %broadcast_in_dim3A_3 : vector<16xi32>
        %bitcast3A_299 = vector.bitcast %get3A_236 : vector<16xf32> to vector<16xi32>
        %shift_right_logical3A_300 = arith.shrui %bitcast3A_299, %broadcast_in_dim3A_3 : vector<16xi32>
        %bitcast3A_301 = vector.bitcast %get3A_241 : vector<16xf32> to vector<16xi32>
        %shift_right_logical3A_302 = arith.shrui %bitcast3A_301, %broadcast_in_dim3A_3 : vector<16xi32>
        %bitcast3A_303 = vector.bitcast %get3A_246 : vector<16xf32> to vector<16xi32>
        %shift_right_logical3A_304 = arith.shrui %bitcast3A_303, %broadcast_in_dim3A_3 : vector<16xi32>
        %bitcast3A_305 = vector.bitcast %get3A_251 : vector<16xf32> to vector<16xi32>
        %shift_right_logical3A_306 = arith.shrui %bitcast3A_305, %broadcast_in_dim3A_3 : vector<16xi32>
        %bitcast3A_307 = vector.bitcast %get3A_256 : vector<16xf32> to vector<16xi32>
        %shift_right_logical3A_308 = arith.shrui %bitcast3A_307, %broadcast_in_dim3A_3 : vector<16xi32>
        %bitcast3A_309 = vector.bitcast %get3A_261 : vector<16xf32> to vector<16xi32>
        %shift_right_logical3A_310 = arith.shrui %bitcast3A_309, %broadcast_in_dim3A_3 : vector<16xi32>
        %bitcast3A_311 = vector.bitcast %get3A_266 : vector<16xf32> to vector<16xi32>
        %shift_right_logical3A_312 = arith.shrui %bitcast3A_311, %broadcast_in_dim3A_3 : vector<16xi32>
        %bitcast3A_313 = vector.bitcast %get3A_271 : vector<16xf32> to vector<16xi32>
        %shift_right_logical3A_314 = arith.shrui %bitcast3A_313, %broadcast_in_dim3A_3 : vector<16xi32>
        %bitcast3A_315 = vector.bitcast %get3A_276 : vector<16xf32> to vector<16xi32>
        %shift_right_logical3A_316 = arith.shrui %bitcast3A_315, %broadcast_in_dim3A_3 : vector<16xi32>
        %bitcast3A_317 = vector.bitcast %get3A_281 : vector<16xf32> to vector<16xi32>
        %shift_right_logical3A_318 = arith.shrui %bitcast3A_317, %broadcast_in_dim3A_3 : vector<16xi32>
        %bitcast3A_319 = vector.bitcast %get3A_286 : vector<16xf32> to vector<16xi32>
        %shift_right_logical3A_320 = arith.shrui %bitcast3A_319, %broadcast_in_dim3A_3 : vector<16xi32>
        %bitcast3A_321 = vector.bitcast %get3A_291 : vector<16xf32> to vector<16xi32>
        %shift_right_logical3A_322 = arith.shrui %bitcast3A_321, %broadcast_in_dim3A_3 : vector<16xi32>
        tpu.vector_store_idx %arg6[%shift_right_logical3A_292], %broadcast_in_dim3A_1 {add = true} : memref<65536xi32, #tpu.memory_space<vmem>>[vector<16xi32>], vector<16xi32>,
        tpu.vector_store_idx %arg6[%shift_right_logical3A_294], %broadcast_in_dim3A_1 {add = true} : memref<65536xi32, #tpu.memory_space<vmem>>[vector<16xi32>], vector<16xi32>,
        tpu.vector_store_idx %arg6[%shift_right_logical3A_296], %broadcast_in_dim3A_1 {add = true} : memref<65536xi32, #tpu.memory_space<vmem>>[vector<16xi32>], vector<16xi32>,
        tpu.vector_store_idx %arg6[%shift_right_logical3A_298], %broadcast_in_dim3A_1 {add = true} : memref<65536xi32, #tpu.memory_space<vmem>>[vector<16xi32>], vector<16xi32>,
        tpu.vector_store_idx %arg6[%shift_right_logical3A_300], %broadcast_in_dim3A_1 {add = true} : memref<65536xi32, #tpu.memory_space<vmem>>[vector<16xi32>], vector<16xi32>,
        tpu.vector_store_idx %arg6[%shift_right_logical3A_302], %broadcast_in_dim3A_1 {add = true} : memref<65536xi32, #tpu.memory_space<vmem>>[vector<16xi32>], vector<16xi32>,
        tpu.vector_store_idx %arg6[%shift_right_logical3A_304], %broadcast_in_dim3A_1 {add = true} : memref<65536xi32, #tpu.memory_space<vmem>>[vector<16xi32>], vector<16xi32>,
        tpu.vector_store_idx %arg6[%shift_right_logical3A_306], %broadcast_in_dim3A_1 {add = true} : memref<65536xi32, #tpu.memory_space<vmem>>[vector<16xi32>], vector<16xi32>,
        tpu.vector_store_idx %arg6[%shift_right_logical3A_308], %broadcast_in_dim3A_1 {add = true} : memref<65536xi32, #tpu.memory_space<vmem>>[vector<16xi32>], vector<16xi32>,
        tpu.vector_store_idx %arg6[%shift_right_logical3A_310], %broadcast_in_dim3A_1 {add = true} : memref<65536xi32, #tpu.memory_space<vmem>>[vector<16xi32>], vector<16xi32>,
        tpu.vector_store_idx %arg6[%shift_right_logical3A_312], %broadcast_in_dim3A_1 {add = true} : memref<65536xi32, #tpu.memory_space<vmem>>[vector<16xi32>], vector<16xi32>,
        tpu.vector_store_idx %arg6[%shift_right_logical3A_314], %broadcast_in_dim3A_1 {add = true} : memref<65536xi32, #tpu.memory_space<vmem>>[vector<16xi32>], vector<16xi32>,
        tpu.vector_store_idx %arg6[%shift_right_logical3A_316], %broadcast_in_dim3A_1 {add = true} : memref<65536xi32, #tpu.memory_space<vmem>>[vector<16xi32>], vector<16xi32>,
        tpu.vector_store_idx %arg6[%shift_right_logical3A_318], %broadcast_in_dim3A_1 {add = true} : memref<65536xi32, #tpu.memory_space<vmem>>[vector<16xi32>], vector<16xi32>,
        tpu.vector_store_idx %arg6[%shift_right_logical3A_320], %broadcast_in_dim3A_1 {add = true} : memref<65536xi32, #tpu.memory_space<vmem>>[vector<16xi32>], vector<16xi32>,
        tpu.vector_store_idx %arg6[%shift_right_logical3A_322], %broadcast_in_dim3A_1 {add = true} : memref<65536xi32, #tpu.memory_space<vmem>>[vector<16xi32>], vector<16xi32>,
        %scan3A_323 = arith.constant 0 : i32
        scf.yield %scan3A_323 : i32
      }
      %scan3A_178 = arith.constant 64 : i32
      %add3A_179 = arith.constant 2 : i32
      %add3A_180 = arith.addi %mul3A_155, %add3A_179 : i32
      %min3A = arith.constant 30 : i32
      %min3A_181 = arith.minsi %add3A_180, %min3A : i32
      %mul3A_182 = arith.constant 16 : i32
      %mul3A_183 = arith.muli %min3A_181, %mul3A_182 : i32
      %add3A_184 = arith.addi %mul3A_0, %mul3A_183 : i32
      %dma_start3A_185 = arith.constant 0 : i32
      %dma_start3A_186 = tpu.memref_slice %arg2[%add3A_184, %dma_start3A_185] : memref<8192x1024xf32, #tpu.memory_space<hbm>> -> memref<16x1024xf32, #tpu.memory_space<hbm>>
      %dma_start3A_187 = arith.constant 0 : i32
      %dma_start3A_188 = tpu.memref_slice %arg2[%add3A_184, %dma_start3A_187] : memref<8192x1024xf32, #tpu.memory_space<hbm>> -> memref<16x1024xf32, #tpu.memory_space<hbm>>
      tpu.enqueue_dma source(%dma_start3A_188 : memref<16x1024xf32, #tpu.memory_space<hbm>>) target(%arg4 : memref<16x1024xf32, #tpu.memory_space<vmem>>) target_semaphore(%arg16 : memref<!tpu.dma_semaphore, #tpu.memory_space<semaphore_mem>>)
      %add3A_189 = arith.constant 1 : i32
      %add3A_190 = arith.addi %mul3A_155, %add3A_189 : i32
      %mul3A_191 = arith.constant 16 : i32
      %mul3A_192 = arith.muli %add3A_190, %mul3A_191 : i32
      %add3A_193 = arith.addi %mul3A_0, %mul3A_192 : i32
      %dma_wait3A_194 = arith.constant 0 : i32
      %dma_wait3A_195 = tpu.memref_slice %arg2[%add3A_193, %dma_wait3A_194] : memref<8192x1024xf32, #tpu.memory_space<hbm>> -> memref<16x1024xf32, #tpu.memory_space<hbm>>
      %dma_wait3A_196 = arith.constant 0 : i32
      %dma_wait3A_197 = tpu.memref_slice %arg2[%add3A_193, %dma_wait3A_196] : memref<8192x1024xf32, #tpu.memory_space<hbm>> -> memref<16x1024xf32, #tpu.memory_space<hbm>>
      tpu.wait_dma2 semaphore(%arg17 : memref<!tpu.dma_semaphore, #tpu.memory_space<semaphore_mem>>) src(%dma_wait3A_197 : memref<16x1024xf32, #tpu.memory_space<hbm>>) dst(%arg5 : memref<16x1024xf32, #tpu.memory_space<vmem>>)
      %scan3A_198 = arith.constant 0 : i32
      %scan3A_199 = arith.constant 0 : i32
      %scan3A_200 = arith.constant 64 : i32
      %scan3A_201 = arith.addi %scan3A_199, %scan3A_200 : i32
      %scan3A_202 = arith.constant 1 : i32
      %scan3A_203 = scf.for %scan3A_206 = %scan3A_199 to %scan3A_201 step %scan3A_202 iter_args(%scan3A_207 = %scan3A_198) -> (i32)  : i32 {
        %shift_right_logical3A = arith.constant 2 : i32
        %shift_right_logical3A_208 = arith.shrui %scan3A_206, %shift_right_logical3A : i32
        %and3A = arith.constant 3 : i32
        %and3A_209 = arith.andi %scan3A_206, %and3A : i32
        %mul3A_210 = arith.constant 256 : i32
        %mul3A_211 = arith.muli %and3A_209, %mul3A_210 : i32
        %add3A_212 = arith.constant 0 : i32
        %add3A_213 = arith.addi %mul3A_211, %add3A_212 : i32
        %get3A_214 = arith.index_cast %shift_right_logical3A_208 : i32 to index
        %get3A_215 = arith.index_cast %add3A_213 : i32 to index
        %get3A_216 = tpu.vector_load %arg5[%get3A_214, %get3A_215] {strides = array<i32>} : memref<16x1024xf32, #tpu.memory_space<vmem>>, vector<16xf32>,
        %add3A_217 = arith.constant 16 : i32
        %add3A_218 = arith.addi %mul3A_211, %add3A_217 : i32
        %get3A_219 = arith.index_cast %shift_right_logical3A_208 : i32 to index
        %get3A_220 = arith.index_cast %add3A_218 : i32 to index
        %get3A_221 = tpu.vector_load %arg5[%get3A_219, %get3A_220] {strides = array<i32>} : memref<16x1024xf32, #tpu.memory_space<vmem>>, vector<16xf32>,
        %add3A_222 = arith.constant 32 : i32
        %add3A_223 = arith.addi %mul3A_211, %add3A_222 : i32
        %get3A_224 = arith.index_cast %shift_right_logical3A_208 : i32 to index
        %get3A_225 = arith.index_cast %add3A_223 : i32 to index
        %get3A_226 = tpu.vector_load %arg5[%get3A_224, %get3A_225] {strides = array<i32>} : memref<16x1024xf32, #tpu.memory_space<vmem>>, vector<16xf32>,
        %add3A_227 = arith.constant 48 : i32
        %add3A_228 = arith.addi %mul3A_211, %add3A_227 : i32
        %get3A_229 = arith.index_cast %shift_right_logical3A_208 : i32 to index
        %get3A_230 = arith.index_cast %add3A_228 : i32 to index
        %get3A_231 = tpu.vector_load %arg5[%get3A_229, %get3A_230] {strides = array<i32>} : memref<16x1024xf32, #tpu.memory_space<vmem>>, vector<16xf32>,
        %add3A_232 = arith.constant 64 : i32
        %add3A_233 = arith.addi %mul3A_211, %add3A_232 : i32
        %get3A_234 = arith.index_cast %shift_right_logical3A_208 : i32 to index
        %get3A_235 = arith.index_cast %add3A_233 : i32 to index
        %get3A_236 = tpu.vector_load %arg5[%get3A_234, %get3A_235] {strides = array<i32>} : memref<16x1024xf32, #tpu.memory_space<vmem>>, vector<16xf32>,
        %add3A_237 = arith.constant 80 : i32
        %add3A_238 = arith.addi %mul3A_211, %add3A_237 : i32
        %get3A_239 = arith.index_cast %shift_right_logical3A_208 : i32 to index
        %get3A_240 = arith.index_cast %add3A_238 : i32 to index
        %get3A_241 = tpu.vector_load %arg5[%get3A_239, %get3A_240] {strides = array<i32>} : memref<16x1024xf32, #tpu.memory_space<vmem>>, vector<16xf32>,
        %add3A_242 = arith.constant 96 : i32
        %add3A_243 = arith.addi %mul3A_211, %add3A_242 : i32
        %get3A_244 = arith.index_cast %shift_right_logical3A_208 : i32 to index
        %get3A_245 = arith.index_cast %add3A_243 : i32 to index
        %get3A_246 = tpu.vector_load %arg5[%get3A_244, %get3A_245] {strides = array<i32>} : memref<16x1024xf32, #tpu.memory_space<vmem>>, vector<16xf32>,
        %add3A_247 = arith.constant 112 : i32
        %add3A_248 = arith.addi %mul3A_211, %add3A_247 : i32
        %get3A_249 = arith.index_cast %shift_right_logical3A_208 : i32 to index
        %get3A_250 = arith.index_cast %add3A_248 : i32 to index
        %get3A_251 = tpu.vector_load %arg5[%get3A_249, %get3A_250] {strides = array<i32>} : memref<16x1024xf32, #tpu.memory_space<vmem>>, vector<16xf32>,
        %add3A_252 = arith.constant 128 : i32
        %add3A_253 = arith.addi %mul3A_211, %add3A_252 : i32
        %get3A_254 = arith.index_cast %shift_right_logical3A_208 : i32 to index
        %get3A_255 = arith.index_cast %add3A_253 : i32 to index
        %get3A_256 = tpu.vector_load %arg5[%get3A_254, %get3A_255] {strides = array<i32>} : memref<16x1024xf32, #tpu.memory_space<vmem>>, vector<16xf32>,
        %add3A_257 = arith.constant 144 : i32
        %add3A_258 = arith.addi %mul3A_211, %add3A_257 : i32
        %get3A_259 = arith.index_cast %shift_right_logical3A_208 : i32 to index
        %get3A_260 = arith.index_cast %add3A_258 : i32 to index
        %get3A_261 = tpu.vector_load %arg5[%get3A_259, %get3A_260] {strides = array<i32>} : memref<16x1024xf32, #tpu.memory_space<vmem>>, vector<16xf32>,
        %add3A_262 = arith.constant 160 : i32
        %add3A_263 = arith.addi %mul3A_211, %add3A_262 : i32
        %get3A_264 = arith.index_cast %shift_right_logical3A_208 : i32 to index
        %get3A_265 = arith.index_cast %add3A_263 : i32 to index
        %get3A_266 = tpu.vector_load %arg5[%get3A_264, %get3A_265] {strides = array<i32>} : memref<16x1024xf32, #tpu.memory_space<vmem>>, vector<16xf32>,
        %add3A_267 = arith.constant 176 : i32
        %add3A_268 = arith.addi %mul3A_211, %add3A_267 : i32
        %get3A_269 = arith.index_cast %shift_right_logical3A_208 : i32 to index
        %get3A_270 = arith.index_cast %add3A_268 : i32 to index
        %get3A_271 = tpu.vector_load %arg5[%get3A_269, %get3A_270] {strides = array<i32>} : memref<16x1024xf32, #tpu.memory_space<vmem>>, vector<16xf32>,
        %add3A_272 = arith.constant 192 : i32
        %add3A_273 = arith.addi %mul3A_211, %add3A_272 : i32
        %get3A_274 = arith.index_cast %shift_right_logical3A_208 : i32 to index
        %get3A_275 = arith.index_cast %add3A_273 : i32 to index
        %get3A_276 = tpu.vector_load %arg5[%get3A_274, %get3A_275] {strides = array<i32>} : memref<16x1024xf32, #tpu.memory_space<vmem>>, vector<16xf32>,
        %add3A_277 = arith.constant 208 : i32
        %add3A_278 = arith.addi %mul3A_211, %add3A_277 : i32
        %get3A_279 = arith.index_cast %shift_right_logical3A_208 : i32 to index
        %get3A_280 = arith.index_cast %add3A_278 : i32 to index
        %get3A_281 = tpu.vector_load %arg5[%get3A_279, %get3A_280] {strides = array<i32>} : memref<16x1024xf32, #tpu.memory_space<vmem>>, vector<16xf32>,
        %add3A_282 = arith.constant 224 : i32
        %add3A_283 = arith.addi %mul3A_211, %add3A_282 : i32
        %get3A_284 = arith.index_cast %shift_right_logical3A_208 : i32 to index
        %get3A_285 = arith.index_cast %add3A_283 : i32 to index
        %get3A_286 = tpu.vector_load %arg5[%get3A_284, %get3A_285] {strides = array<i32>} : memref<16x1024xf32, #tpu.memory_space<vmem>>, vector<16xf32>,
        %add3A_287 = arith.constant 240 : i32
        %add3A_288 = arith.addi %mul3A_211, %add3A_287 : i32
        %get3A_289 = arith.index_cast %shift_right_logical3A_208 : i32 to index
        %get3A_290 = arith.index_cast %add3A_288 : i32 to index
        %get3A_291 = tpu.vector_load %arg5[%get3A_289, %get3A_290] {strides = array<i32>} : memref<16x1024xf32, #tpu.memory_space<vmem>>, vector<16xf32>,
        %bitcast3A = vector.bitcast %get3A_216 : vector<16xf32> to vector<16xi32>
        %shift_right_logical3A_292 = arith.shrui %bitcast3A, %broadcast_in_dim3A_3 : vector<16xi32>
        %bitcast3A_293 = vector.bitcast %get3A_221 : vector<16xf32> to vector<16xi32>
        %shift_right_logical3A_294 = arith.shrui %bitcast3A_293, %broadcast_in_dim3A_3 : vector<16xi32>
        %bitcast3A_295 = vector.bitcast %get3A_226 : vector<16xf32> to vector<16xi32>
        %shift_right_logical3A_296 = arith.shrui %bitcast3A_295, %broadcast_in_dim3A_3 : vector<16xi32>
        %bitcast3A_297 = vector.bitcast %get3A_231 : vector<16xf32> to vector<16xi32>
        %shift_right_logical3A_298 = arith.shrui %bitcast3A_297, %broadcast_in_dim3A_3 : vector<16xi32>
        %bitcast3A_299 = vector.bitcast %get3A_236 : vector<16xf32> to vector<16xi32>
        %shift_right_logical3A_300 = arith.shrui %bitcast3A_299, %broadcast_in_dim3A_3 : vector<16xi32>
        %bitcast3A_301 = vector.bitcast %get3A_241 : vector<16xf32> to vector<16xi32>
        %shift_right_logical3A_302 = arith.shrui %bitcast3A_301, %broadcast_in_dim3A_3 : vector<16xi32>
        %bitcast3A_303 = vector.bitcast %get3A_246 : vector<16xf32> to vector<16xi32>
        %shift_right_logical3A_304 = arith.shrui %bitcast3A_303, %broadcast_in_dim3A_3 : vector<16xi32>
        %bitcast3A_305 = vector.bitcast %get3A_251 : vector<16xf32> to vector<16xi32>
        %shift_right_logical3A_306 = arith.shrui %bitcast3A_305, %broadcast_in_dim3A_3 : vector<16xi32>
        %bitcast3A_307 = vector.bitcast %get3A_256 : vector<16xf32> to vector<16xi32>
        %shift_right_logical3A_308 = arith.shrui %bitcast3A_307, %broadcast_in_dim3A_3 : vector<16xi32>
        %bitcast3A_309 = vector.bitcast %get3A_261 : vector<16xf32> to vector<16xi32>
        %shift_right_logical3A_310 = arith.shrui %bitcast3A_309, %broadcast_in_dim3A_3 : vector<16xi32>
        %bitcast3A_311 = vector.bitcast %get3A_266 : vector<16xf32> to vector<16xi32>
        %shift_right_logical3A_312 = arith.shrui %bitcast3A_311, %broadcast_in_dim3A_3 : vector<16xi32>
        %bitcast3A_313 = vector.bitcast %get3A_271 : vector<16xf32> to vector<16xi32>
        %shift_right_logical3A_314 = arith.shrui %bitcast3A_313, %broadcast_in_dim3A_3 : vector<16xi32>
        %bitcast3A_315 = vector.bitcast %get3A_276 : vector<16xf32> to vector<16xi32>
        %shift_right_logical3A_316 = arith.shrui %bitcast3A_315, %broadcast_in_dim3A_3 : vector<16xi32>
        %bitcast3A_317 = vector.bitcast %get3A_281 : vector<16xf32> to vector<16xi32>
        %shift_right_logical3A_318 = arith.shrui %bitcast3A_317, %broadcast_in_dim3A_3 : vector<16xi32>
        %bitcast3A_319 = vector.bitcast %get3A_286 : vector<16xf32> to vector<16xi32>
        %shift_right_logical3A_320 = arith.shrui %bitcast3A_319, %broadcast_in_dim3A_3 : vector<16xi32>
        %bitcast3A_321 = vector.bitcast %get3A_291 : vector<16xf32> to vector<16xi32>
        %shift_right_logical3A_322 = arith.shrui %bitcast3A_321, %broadcast_in_dim3A_3 : vector<16xi32>
        tpu.vector_store_idx %arg6[%shift_right_logical3A_292], %broadcast_in_dim3A_1 {add = true} : memref<65536xi32, #tpu.memory_space<vmem>>[vector<16xi32>], vector<16xi32>,
        tpu.vector_store_idx %arg6[%shift_right_logical3A_294], %broadcast_in_dim3A_1 {add = true} : memref<65536xi32, #tpu.memory_space<vmem>>[vector<16xi32>], vector<16xi32>,
        tpu.vector_store_idx %arg6[%shift_right_logical3A_296], %broadcast_in_dim3A_1 {add = true} : memref<65536xi32, #tpu.memory_space<vmem>>[vector<16xi32>], vector<16xi32>,
        tpu.vector_store_idx %arg6[%shift_right_logical3A_298], %broadcast_in_dim3A_1 {add = true} : memref<65536xi32, #tpu.memory_space<vmem>>[vector<16xi32>], vector<16xi32>,
        tpu.vector_store_idx %arg6[%shift_right_logical3A_300], %broadcast_in_dim3A_1 {add = true} : memref<65536xi32, #tpu.memory_space<vmem>>[vector<16xi32>], vector<16xi32>,
        tpu.vector_store_idx %arg6[%shift_right_logical3A_302], %broadcast_in_dim3A_1 {add = true} : memref<65536xi32, #tpu.memory_space<vmem>>[vector<16xi32>], vector<16xi32>,
        tpu.vector_store_idx %arg6[%shift_right_logical3A_304], %broadcast_in_dim3A_1 {add = true} : memref<65536xi32, #tpu.memory_space<vmem>>[vector<16xi32>], vector<16xi32>,
        tpu.vector_store_idx %arg6[%shift_right_logical3A_306], %broadcast_in_dim3A_1 {add = true} : memref<65536xi32, #tpu.memory_space<vmem>>[vector<16xi32>], vector<16xi32>,
        tpu.vector_store_idx %arg6[%shift_right_logical3A_308], %broadcast_in_dim3A_1 {add = true} : memref<65536xi32, #tpu.memory_space<vmem>>[vector<16xi32>], vector<16xi32>,
        tpu.vector_store_idx %arg6[%shift_right_logical3A_310], %broadcast_in_dim3A_1 {add = true} : memref<65536xi32, #tpu.memory_space<vmem>>[vector<16xi32>], vector<16xi32>,
        tpu.vector_store_idx %arg6[%shift_right_logical3A_312], %broadcast_in_dim3A_1 {add = true} : memref<65536xi32, #tpu.memory_space<vmem>>[vector<16xi32>], vector<16xi32>,
        tpu.vector_store_idx %arg6[%shift_right_logical3A_314], %broadcast_in_dim3A_1 {add = true} : memref<65536xi32, #tpu.memory_space<vmem>>[vector<16xi32>], vector<16xi32>,
        tpu.vector_store_idx %arg6[%shift_right_logical3A_316], %broadcast_in_dim3A_1 {add = true} : memref<65536xi32, #tpu.memory_space<vmem>>[vector<16xi32>], vector<16xi32>,
        tpu.vector_store_idx %arg6[%shift_right_logical3A_318], %broadcast_in_dim3A_1 {add = true} : memref<65536xi32, #tpu.memory_space<vmem>>[vector<16xi32>], vector<16xi32>,
        tpu.vector_store_idx %arg6[%shift_right_logical3A_320], %broadcast_in_dim3A_1 {add = true} : memref<65536xi32, #tpu.memory_space<vmem>>[vector<16xi32>], vector<16xi32>,
        tpu.vector_store_idx %arg6[%shift_right_logical3A_322], %broadcast_in_dim3A_1 {add = true} : memref<65536xi32, #tpu.memory_space<vmem>>[vector<16xi32>], vector<16xi32>,
        %scan3A_323 = arith.constant 0 : i32
        scf.yield %scan3A_323 : i32
      }
      %scan3A_204 = arith.constant 64 : i32
      %scan3A_205 = arith.constant 0 : i32
      scf.yield %scan3A_205 : i32
    }
    %scan3A_22 = arith.constant 16 : i32
    %add3A_23 = arith.constant 480 : i32
    %add3A_24 = arith.addi %mul3A_0, %add3A_23 : i32
    %dma_wait3A = arith.constant 0 : i32
    %dma_wait3A_25 = tpu.memref_slice %arg2[%add3A_24, %dma_wait3A] : memref<8192x1024xf32, #tpu.memory_space<hbm>> -> memref<16x1024xf32, #tpu.memory_space<hbm>>
    %dma_wait3A_26 = arith.constant 0 : i32
    %dma_wait3A_27 = tpu.memref_slice %arg2[%add3A_24, %dma_wait3A_26] : memref<8192x1024xf32, #tpu.memory_space<hbm>> -> memref<16x1024xf32, #tpu.memory_space<hbm>>
    tpu.wait_dma2 semaphore(%arg16 : memref<!tpu.dma_semaphore, #tpu.memory_space<semaphore_mem>>) src(%dma_wait3A_27 : memref<16x1024xf32, #tpu.memory_space<hbm>>) dst(%arg4 : memref<16x1024xf32, #tpu.memory_space<vmem>>)
    %scan3A_28 = arith.constant 0 : i32
    %scan3A_29 = arith.constant 16 : i32
    %scan3A_30 = arith.addi %scan3A_28, %scan3A_29 : i32
    %scan3A_31 = arith.constant 1 : i32
    %scan3A_32 = scf.for %scan3A_152 = %scan3A_28 to %scan3A_30 step %scan3A_31 iter_args(%scan3A_153 = %broadcast_in_dim3A_5) -> (vector<16xi32>)  : i32 {
      %scan3A_154 = arith.constant 0 : i32
      %scan3A_155 = arith.constant 256 : i32
      %scan3A_156 = arith.addi %scan3A_154, %scan3A_155 : i32
      %scan3A_157 = arith.constant 8 : i32
      %scan3A_158 = scf.for %scan3A_171 = %scan3A_154 to %scan3A_156 step %scan3A_157 iter_args(%scan3A_172 = %broadcast_in_dim3A_5) -> (vector<16xi32>)  : i32 {
        %mul3A_173 = arith.constant 4096 : i32
        %mul3A_174 = arith.muli %scan3A_152, %mul3A_173 : i32
        %mul3A_175 = arith.constant 16 : i32
        %mul3A_176 = arith.muli %scan3A_171, %mul3A_175 : i32
        %add3A_177 = arith.addi %mul3A_174, %mul3A_176 : i32
        %get3A_178 = arith.index_cast %add3A_177 : i32 to index
        %get3A_179 = tpu.vector_load %arg6[%get3A_178] {strides = array<i32>} : memref<65536xi32, #tpu.memory_space<vmem>>, vector<16xi32>,
        %add3A_180 = arith.addi %scan3A_172, %get3A_179 : vector<16xi32>
        %scan3A_181 = arith.constant 1 : i32
        %scan3A_182 = arith.addi %scan3A_171, %scan3A_181 : i32
        %mul3A_183 = arith.constant 4096 : i32
        %mul3A_184 = arith.muli %scan3A_152, %mul3A_183 : i32
        %mul3A_185 = arith.constant 16 : i32
        %mul3A_186 = arith.muli %scan3A_182, %mul3A_185 : i32
        %add3A_187 = arith.addi %mul3A_184, %mul3A_186 : i32
        %get3A_188 = arith.index_cast %add3A_187 : i32 to index
        %get3A_189 = tpu.vector_load %arg6[%get3A_188] {strides = array<i32>} : memref<65536xi32, #tpu.memory_space<vmem>>, vector<16xi32>,
        %add3A_190 = arith.addi %add3A_180, %get3A_189 : vector<16xi32>
        %scan3A_191 = arith.constant 2 : i32
        %scan3A_192 = arith.addi %scan3A_171, %scan3A_191 : i32
        %mul3A_193 = arith.constant 4096 : i32
        %mul3A_194 = arith.muli %scan3A_152, %mul3A_193 : i32
        %mul3A_195 = arith.constant 16 : i32
        %mul3A_196 = arith.muli %scan3A_192, %mul3A_195 : i32
        %add3A_197 = arith.addi %mul3A_194, %mul3A_196 : i32
        %get3A_198 = arith.index_cast %add3A_197 : i32 to index
        %get3A_199 = tpu.vector_load %arg6[%get3A_198] {strides = array<i32>} : memref<65536xi32, #tpu.memory_space<vmem>>, vector<16xi32>,
        %add3A_200 = arith.addi %add3A_190, %get3A_199 : vector<16xi32>
        %scan3A_201 = arith.constant 3 : i32
        %scan3A_202 = arith.addi %scan3A_171, %scan3A_201 : i32
        %mul3A_203 = arith.constant 4096 : i32
        %mul3A_204 = arith.muli %scan3A_152, %mul3A_203 : i32
        %mul3A_205 = arith.constant 16 : i32
        %mul3A_206 = arith.muli %scan3A_202, %mul3A_205 : i32
        %add3A_207 = arith.addi %mul3A_204, %mul3A_206 : i32
        %get3A_208 = arith.index_cast %add3A_207 : i32 to index
        %get3A_209 = tpu.vector_load %arg6[%get3A_208] {strides = array<i32>} : memref<65536xi32, #tpu.memory_space<vmem>>, vector<16xi32>,
        %add3A_210 = arith.addi %add3A_200, %get3A_209 : vector<16xi32>
        %scan3A_211 = arith.constant 4 : i32
        %scan3A_212 = arith.addi %scan3A_171, %scan3A_211 : i32
        %mul3A_213 = arith.constant 4096 : i32
        %mul3A_214 = arith.muli %scan3A_152, %mul3A_213 : i32
        %mul3A_215 = arith.constant 16 : i32
        %mul3A_216 = arith.muli %scan3A_212, %mul3A_215 : i32
        %add3A_217 = arith.addi %mul3A_214, %mul3A_216 : i32
        %get3A_218 = arith.index_cast %add3A_217 : i32 to index
        %get3A_219 = tpu.vector_load %arg6[%get3A_218] {strides = array<i32>} : memref<65536xi32, #tpu.memory_space<vmem>>, vector<16xi32>,
        %add3A_220 = arith.addi %add3A_210, %get3A_219 : vector<16xi32>
        %scan3A_221 = arith.constant 5 : i32
        %scan3A_222 = arith.addi %scan3A_171, %scan3A_221 : i32
        %mul3A_223 = arith.constant 4096 : i32
        %mul3A_224 = arith.muli %scan3A_152, %mul3A_223 : i32
        %mul3A_225 = arith.constant 16 : i32
        %mul3A_226 = arith.muli %scan3A_222, %mul3A_225 : i32
        %add3A_227 = arith.addi %mul3A_224, %mul3A_226 : i32
        %get3A_228 = arith.index_cast %add3A_227 : i32 to index
        %get3A_229 = tpu.vector_load %arg6[%get3A_228] {strides = array<i32>} : memref<65536xi32, #tpu.memory_space<vmem>>, vector<16xi32>,
        %add3A_230 = arith.addi %add3A_220, %get3A_229 : vector<16xi32>
        %scan3A_231 = arith.constant 6 : i32
        %scan3A_232 = arith.addi %scan3A_171, %scan3A_231 : i32
        %mul3A_233 = arith.constant 4096 : i32
        %mul3A_234 = arith.muli %scan3A_152, %mul3A_233 : i32
        %mul3A_235 = arith.constant 16 : i32
        %mul3A_236 = arith.muli %scan3A_232, %mul3A_235 : i32
        %add3A_237 = arith.addi %mul3A_234, %mul3A_236 : i32
        %get3A_238 = arith.index_cast %add3A_237 : i32 to index
        %get3A_239 = tpu.vector_load %arg6[%get3A_238] {strides = array<i32>} : memref<65536xi32, #tpu.memory_space<vmem>>, vector<16xi32>,
        %add3A_240 = arith.addi %add3A_230, %get3A_239 : vector<16xi32>
        %scan3A_241 = arith.constant 7 : i32
        %scan3A_242 = arith.addi %scan3A_171, %scan3A_241 : i32
        %mul3A_243 = arith.constant 4096 : i32
        %mul3A_244 = arith.muli %scan3A_152, %mul3A_243 : i32
        %mul3A_245 = arith.constant 16 : i32
        %mul3A_246 = arith.muli %scan3A_242, %mul3A_245 : i32
        %add3A_247 = arith.addi %mul3A_244, %mul3A_246 : i32
        %get3A_248 = arith.index_cast %add3A_247 : i32 to index
        %get3A_249 = tpu.vector_load %arg6[%get3A_248] {strides = array<i32>} : memref<65536xi32, #tpu.memory_space<vmem>>, vector<16xi32>,
        %add3A_250 = arith.addi %add3A_240, %get3A_249 : vector<16xi32>
        scf.yield %add3A_250 : vector<16xi32>
      }
      %scan3A_159 = arith.constant 256 : i32
      %eq3A_160 = vector.broadcast %scan3A_152 : i32 to vector<16xi32>
      %eq3A_161 = arith.cmpi eq, %iota3A, %eq3A_160 : vector<16xi32>
      %reduce_sum3A_162 = arith.constant true
      %reduce_sum3A_163 = vector.broadcast %reduce_sum3A_162 : i1 to vector<16xi1>
      %reduce_sum3A_164 = tpu.scan <sum>, %scan3A_158 masked %reduce_sum3A_163 : vector<16xi32>, vector<16xi1> -> vector<16xi32>
      %reduce_sum3A_165 = vector.extract %reduce_sum3A_164[15] : i32 from vector<16xi32>
      %jit3A_166 = arith.constant 0 : i32
      %broadcast_in_dim3A_167 = vector.broadcast %reduce_sum3A_165 : i32 to vector<16xi32>
      %broadcast_in_dim3A_168 = vector.broadcast %jit3A_166 : i32 to vector<16xi32>
      %select_n3A_169 = arith.select %eq3A_161, %broadcast_in_dim3A_167, %broadcast_in_dim3A_168 : vector<16xi1>, vector<16xi32>
      %add3A_170 = arith.addi %scan3A_153, %select_n3A_169 : vector<16xi32>
      scf.yield %add3A_170 : vector<16xi32>
    }
    %scan3A_33 = arith.constant 16 : i32
    %swap3A = arith.constant 0 : index
    %swap3A_34 = tpu.vector_load %arg9[%swap3A] {strides = array<i32>} : memref<16xi32, #tpu.memory_space<vmem>>, vector<16xi32>,
    tpu.vector_store %arg9[%swap3A], %scan3A_32 {strides = array<i32>} : memref<16xi32, #tpu.memory_space<vmem>>, vector<16xi32>,
    "tpu.region"() ({
      %run_scoped3A = tpu.sem_alloc : memref<!tpu.dma_semaphore, #tpu.memory_space<semaphore_mem>>
      %dma_start3A_152 = arith.constant 0 : i32
      %dma_start3A_153 = tpu.memref_slice %arg13[%arg1, %dma_start3A_152] : memref<16x16xi32, #tpu.memory_space<vmem_shared>> -> memref<1x16xi32, #tpu.memory_space<vmem_shared>>
      %dma_start3A_154 = tpu.memref_squeeze %dma_start3A_153 : memref<1x16xi32, #tpu.memory_space<vmem_shared>> -> memref<16xi32, #tpu.memory_space<vmem_shared>>
      %dma_start3A_155 = arith.constant 0 : i32
      %dma_start3A_156 = tpu.memref_slice %arg13[%arg1, %dma_start3A_155] : memref<16x16xi32, #tpu.memory_space<vmem_shared>> -> memref<1x16xi32, #tpu.memory_space<vmem_shared>>
      %dma_start3A_157 = tpu.memref_squeeze %dma_start3A_156 : memref<1x16xi32, #tpu.memory_space<vmem_shared>> -> memref<16xi32, #tpu.memory_space<vmem_shared>>
      tpu.enqueue_dma source(%arg9 : memref<16xi32, #tpu.memory_space<vmem>>) target(%dma_start3A_157 : memref<16xi32, #tpu.memory_space<vmem_shared>>) target_semaphore(%run_scoped3A : memref<!tpu.dma_semaphore, #tpu.memory_space<semaphore_mem>>)
      %dma_wait3A_158 = arith.constant 0 : i32
      %dma_wait3A_159 = tpu.memref_slice %arg13[%arg1, %dma_wait3A_158] : memref<16x16xi32, #tpu.memory_space<vmem_shared>> -> memref<1x16xi32, #tpu.memory_space<vmem_shared>>
      %dma_wait3A_160 = tpu.memref_squeeze %dma_wait3A_159 : memref<1x16xi32, #tpu.memory_space<vmem_shared>> -> memref<16xi32, #tpu.memory_space<vmem_shared>>
      %dma_wait3A_161 = arith.constant 0 : i32
      %dma_wait3A_162 = tpu.memref_slice %arg13[%arg1, %dma_wait3A_161] : memref<16x16xi32, #tpu.memory_space<vmem_shared>> -> memref<1x16xi32, #tpu.memory_space<vmem_shared>>
      %dma_wait3A_163 = tpu.memref_squeeze %dma_wait3A_162 : memref<1x16xi32, #tpu.memory_space<vmem_shared>> -> memref<16xi32, #tpu.memory_space<vmem_shared>>
      tpu.wait_dma2 semaphore(%run_scoped3A : memref<!tpu.dma_semaphore, #tpu.memory_space<semaphore_mem>>) src(%arg9 : memref<16xi32, #tpu.memory_space<vmem>>) dst(%dma_wait3A_163 : memref<16xi32, #tpu.memory_space<vmem_shared>>)
      tpu.yield
    }) : () -> ()
    %barrier3A = arith.constant 0 : index
    tpu.barrier barrier_id(%barrier3A)
    %scan3A_35 = arith.constant 0 : i32
    %scan3A_36 = arith.constant 16 : i32
    %scan3A_37 = arith.addi %scan3A_35, %scan3A_36 : i32
    %scan3A_38 = arith.constant 1 : i32
    %scan3A_39 = scf.for %scan3A_152 = %scan3A_35 to %scan3A_37 step %scan3A_38 iter_args(%scan3A_153 = %broadcast_in_dim3A_5) -> (vector<16xi32>)  : i32 {
      "tpu.region"() ({
        %run_scoped3A = tpu.sem_alloc : memref<!tpu.dma_semaphore, #tpu.memory_space<semaphore_mem>>
        %dma_start3A_157 = arith.constant 0 : i32
        %dma_start3A_158 = tpu.memref_slice %arg13[%scan3A_152, %dma_start3A_157] : memref<16x16xi32, #tpu.memory_space<vmem_shared>> -> memref<1x16xi32, #tpu.memory_space<vmem_shared>>
        %dma_start3A_159 = tpu.memref_squeeze %dma_start3A_158 : memref<1x16xi32, #tpu.memory_space<vmem_shared>> -> memref<16xi32, #tpu.memory_space<vmem_shared>>
        %dma_start3A_160 = arith.constant 0 : i32
        %dma_start3A_161 = tpu.memref_slice %arg13[%scan3A_152, %dma_start3A_160] : memref<16x16xi32, #tpu.memory_space<vmem_shared>> -> memref<1x16xi32, #tpu.memory_space<vmem_shared>>
        %dma_start3A_162 = tpu.memref_squeeze %dma_start3A_161 : memref<1x16xi32, #tpu.memory_space<vmem_shared>> -> memref<16xi32, #tpu.memory_space<vmem_shared>>
        tpu.enqueue_dma source(%dma_start3A_162 : memref<16xi32, #tpu.memory_space<vmem_shared>>) target(%arg10 : memref<16xi32, #tpu.memory_space<vmem>>) target_semaphore(%run_scoped3A : memref<!tpu.dma_semaphore, #tpu.memory_space<semaphore_mem>>)
        %dma_wait3A_163 = arith.constant 0 : i32
        %dma_wait3A_164 = tpu.memref_slice %arg13[%scan3A_152, %dma_wait3A_163] : memref<16x16xi32, #tpu.memory_space<vmem_shared>> -> memref<1x16xi32, #tpu.memory_space<vmem_shared>>
        %dma_wait3A_165 = tpu.memref_squeeze %dma_wait3A_164 : memref<1x16xi32, #tpu.memory_space<vmem_shared>> -> memref<16xi32, #tpu.memory_space<vmem_shared>>
        %dma_wait3A_166 = arith.constant 0 : i32
        %dma_wait3A_167 = tpu.memref_slice %arg13[%scan3A_152, %dma_wait3A_166] : memref<16x16xi32, #tpu.memory_space<vmem_shared>> -> memref<1x16xi32, #tpu.memory_space<vmem_shared>>
        %dma_wait3A_168 = tpu.memref_squeeze %dma_wait3A_167 : memref<1x16xi32, #tpu.memory_space<vmem_shared>> -> memref<16xi32, #tpu.memory_space<vmem_shared>>
        tpu.wait_dma2 semaphore(%run_scoped3A : memref<!tpu.dma_semaphore, #tpu.memory_space<semaphore_mem>>) src(%dma_wait3A_168 : memref<16xi32, #tpu.memory_space<vmem_shared>>) dst(%arg10 : memref<16xi32, #tpu.memory_space<vmem>>)
        tpu.yield
      }) : () -> ()
      %get3A_154 = arith.constant 0 : index
      %get3A_155 = tpu.vector_load %arg10[%get3A_154] {strides = array<i32>} : memref<16xi32, #tpu.memory_space<vmem>>, vector<16xi32>,
      %add3A_156 = arith.addi %scan3A_153, %get3A_155 : vector<16xi32>
      scf.yield %add3A_156 : vector<16xi32>
    }
    %scan3A_40 = arith.constant 16 : i32
    %broadcast_in_dim3A_41 = arith.constant true
    %broadcast_in_dim3A_42 = vector.broadcast %broadcast_in_dim3A_41 : i1 to vector<16xi1>
    %masked_cumsum3A = tpu.scan <sum>, %scan3A_39 masked %broadcast_in_dim3A_42 : vector<16xi32>, vector<16xi1> -> vector<16xi32>
    %lt3A = arith.constant 7969177 : i32
    %lt3A_43 = vector.broadcast %lt3A : i32 to vector<16xi32>
    %lt3A_44 = arith.cmpi slt, %masked_cumsum3A, %lt3A_43 : vector<16xi32>
    %jit3A = arith.constant 1 : i32
    %jit3A_45 = arith.constant 0 : i32
    %broadcast_in_dim3A_46 = vector.broadcast %jit3A : i32 to vector<16xi32>
    %broadcast_in_dim3A_47 = vector.broadcast %jit3A_45 : i32 to vector<16xi32>
    %select_n3A = arith.select %lt3A_44, %broadcast_in_dim3A_46, %broadcast_in_dim3A_47 : vector<16xi1>, vector<16xi32>
    %reduce_sum3A = arith.constant true
    %reduce_sum3A_48 = vector.broadcast %reduce_sum3A : i1 to vector<16xi1>
    %reduce_sum3A_49 = tpu.scan <sum>, %select_n3A masked %reduce_sum3A_48 : vector<16xi32>, vector<16xi1> -> vector<16xi32>
    %reduce_sum3A_50 = vector.extract %reduce_sum3A_49[15] : i32 from vector<16xi32>
    %eq3A = vector.broadcast %reduce_sum3A_50 : i32 to vector<16xi32>
    %eq3A_51 = arith.cmpi eq, %iota3A, %eq3A : vector<16xi32>
    %sub3A = arith.subi %masked_cumsum3A, %scan3A_39 : vector<16xi32>
    %jit3A_52 = arith.constant 0 : i32
    %broadcast_in_dim3A_53 = vector.broadcast %jit3A_52 : i32 to vector<16xi32>
    %select_n3A_54 = arith.select %eq3A_51, %sub3A, %broadcast_in_dim3A_53 : vector<16xi1>, vector<16xi32>
    %reduce_sum3A_55 = arith.constant true
    %reduce_sum3A_56 = vector.broadcast %reduce_sum3A_55 : i1 to vector<16xi1>
    %reduce_sum3A_57 = tpu.scan <sum>, %select_n3A_54 masked %reduce_sum3A_56 : vector<16xi32>, vector<16xi1> -> vector<16xi32>
    %reduce_sum3A_58 = vector.extract %reduce_sum3A_57[15] : i32 from vector<16xi32>
    %sub3A_59 = arith.constant 7969177 : i32
    %sub3A_60 = arith.subi %sub3A_59, %reduce_sum3A_58 : i32
    %mul3A_61 = arith.constant 4096 : i32
    %mul3A_62 = arith.muli %reduce_sum3A_50, %mul3A_61 : i32
    "tpu.region"() ({
      %run_scoped3A = tpu.sem_alloc : memref<!tpu.dma_semaphore, #tpu.memory_space<semaphore_mem>>
      %dma_start3A_152 = tpu.memref_slice %arg6[%mul3A_62] : memref<65536xi32, #tpu.memory_space<vmem>> -> memref<4096xi32, #tpu.memory_space<vmem>>
      %dma_start3A_153 = arith.constant 0 : i32
      %dma_start3A_154 = tpu.memref_slice %arg14[%arg1, %dma_start3A_153] : memref<16x4096xi32, #tpu.memory_space<vmem_shared>> -> memref<1x4096xi32, #tpu.memory_space<vmem_shared>>
      %dma_start3A_155 = tpu.memref_squeeze %dma_start3A_154 : memref<1x4096xi32, #tpu.memory_space<vmem_shared>> -> memref<4096xi32, #tpu.memory_space<vmem_shared>>
      %dma_start3A_156 = arith.constant 0 : i32
      %dma_start3A_157 = tpu.memref_slice %arg14[%arg1, %dma_start3A_156] : memref<16x4096xi32, #tpu.memory_space<vmem_shared>> -> memref<1x4096xi32, #tpu.memory_space<vmem_shared>>
      %dma_start3A_158 = tpu.memref_squeeze %dma_start3A_157 : memref<1x4096xi32, #tpu.memory_space<vmem_shared>> -> memref<4096xi32, #tpu.memory_space<vmem_shared>>
      %dma_start3A_159 = tpu.memref_slice %arg6[%mul3A_62] : memref<65536xi32, #tpu.memory_space<vmem>> -> memref<4096xi32, #tpu.memory_space<vmem>>
      tpu.enqueue_dma source(%dma_start3A_159 : memref<4096xi32, #tpu.memory_space<vmem>>) target(%dma_start3A_158 : memref<4096xi32, #tpu.memory_space<vmem_shared>>) target_semaphore(%run_scoped3A : memref<!tpu.dma_semaphore, #tpu.memory_space<semaphore_mem>>)
      %dma_wait3A_160 = tpu.memref_slice %arg6[%mul3A_62] : memref<65536xi32, #tpu.memory_space<vmem>> -> memref<4096xi32, #tpu.memory_space<vmem>>
      %dma_wait3A_161 = arith.constant 0 : i32
      %dma_wait3A_162 = tpu.memref_slice %arg14[%arg1, %dma_wait3A_161] : memref<16x4096xi32, #tpu.memory_space<vmem_shared>> -> memref<1x4096xi32, #tpu.memory_space<vmem_shared>>
      %dma_wait3A_163 = tpu.memref_squeeze %dma_wait3A_162 : memref<1x4096xi32, #tpu.memory_space<vmem_shared>> -> memref<4096xi32, #tpu.memory_space<vmem_shared>>
      %dma_wait3A_164 = arith.constant 0 : i32
      %dma_wait3A_165 = tpu.memref_slice %arg14[%arg1, %dma_wait3A_164] : memref<16x4096xi32, #tpu.memory_space<vmem_shared>> -> memref<1x4096xi32, #tpu.memory_space<vmem_shared>>
      %dma_wait3A_166 = tpu.memref_squeeze %dma_wait3A_165 : memref<1x4096xi32, #tpu.memory_space<vmem_shared>> -> memref<4096xi32, #tpu.memory_space<vmem_shared>>
      %dma_wait3A_167 = tpu.memref_slice %arg6[%mul3A_62] : memref<65536xi32, #tpu.memory_space<vmem>> -> memref<4096xi32, #tpu.memory_space<vmem>>
      tpu.wait_dma2 semaphore(%run_scoped3A : memref<!tpu.dma_semaphore, #tpu.memory_space<semaphore_mem>>) src(%dma_wait3A_167 : memref<4096xi32, #tpu.memory_space<vmem>>) dst(%dma_wait3A_166 : memref<4096xi32, #tpu.memory_space<vmem_shared>>)
      tpu.yield
    }) : () -> ()
    %barrier3A_63 = arith.constant 0 : index
    tpu.barrier barrier_id(%barrier3A_63)
    %eq3A_64 = arith.constant 0 : i32
    %eq3A_65 = arith.cmpi eq, %arg1, %eq3A_64 : i32
    %convert_element_type3A = arith.extui %eq3A_65 : i1 to i32
    %cond3A = arith.constant 0 : i32
    %cond3A_66 = arith.cmpi ne, %convert_element_type3A, %cond3A : i32
    scf.if %cond3A_66 {
      %scan3A_152 = arith.constant 0 : i32
      %scan3A_153 = arith.constant 0 : i32
      %scan3A_154 = arith.constant 256 : i32
      %scan3A_155 = arith.addi %scan3A_153, %scan3A_154 : i32
      %scan3A_156 = arith.constant 8 : i32
      %scan3A_157 = scf.for %scan3A_190 = %scan3A_153 to %scan3A_155 step %scan3A_156 iter_args(%scan3A_191 = %scan3A_152) -> (i32)  : i32 {
        %mul3A_192 = arith.constant 16 : i32
        %mul3A_193 = arith.muli %scan3A_190, %mul3A_192 : i32
        %swap3A_194 = arith.index_cast %mul3A_193 : i32 to index
        %swap3A_195 = tpu.vector_load %arg8[%swap3A_194] {strides = array<i32>} : memref<4096xi32, #tpu.memory_space<vmem>>, vector<16xi32>,
        tpu.vector_store %arg8[%swap3A_194], %broadcast_in_dim3A_5 {strides = array<i32>} : memref<4096xi32, #tpu.memory_space<vmem>>, vector<16xi32>,
        %scan3A_196 = arith.constant 0 : i32
        %scan3A_197 = arith.constant 1 : i32
        %scan3A_198 = arith.addi %scan3A_190, %scan3A_197 : i32
        %mul3A_199 = arith.constant 16 : i32
        %mul3A_200 = arith.muli %scan3A_198, %mul3A_199 : i32
        %swap3A_201 = arith.index_cast %mul3A_200 : i32 to index
        %swap3A_202 = tpu.vector_load %arg8[%swap3A_201] {strides = array<i32>} : memref<4096xi32, #tpu.memory_space<vmem>>, vector<16xi32>,
        tpu.vector_store %arg8[%swap3A_201], %broadcast_in_dim3A_5 {strides = array<i32>} : memref<4096xi32, #tpu.memory_space<vmem>>, vector<16xi32>,
        %scan3A_203 = arith.constant 0 : i32
        %scan3A_204 = arith.constant 2 : i32
        %scan3A_205 = arith.addi %scan3A_190, %scan3A_204 : i32
        %mul3A_206 = arith.constant 16 : i32
        %mul3A_207 = arith.muli %scan3A_205, %mul3A_206 : i32
        %swap3A_208 = arith.index_cast %mul3A_207 : i32 to index
        %swap3A_209 = tpu.vector_load %arg8[%swap3A_208] {strides = array<i32>} : memref<4096xi32, #tpu.memory_space<vmem>>, vector<16xi32>,
        tpu.vector_store %arg8[%swap3A_208], %broadcast_in_dim3A_5 {strides = array<i32>} : memref<4096xi32, #tpu.memory_space<vmem>>, vector<16xi32>,
        %scan3A_210 = arith.constant 0 : i32
        %scan3A_211 = arith.constant 3 : i32
        %scan3A_212 = arith.addi %scan3A_190, %scan3A_211 : i32
        %mul3A_213 = arith.constant 16 : i32
        %mul3A_214 = arith.muli %scan3A_212, %mul3A_213 : i32
        %swap3A_215 = arith.index_cast %mul3A_214 : i32 to index
        %swap3A_216 = tpu.vector_load %arg8[%swap3A_215] {strides = array<i32>} : memref<4096xi32, #tpu.memory_space<vmem>>, vector<16xi32>,
        tpu.vector_store %arg8[%swap3A_215], %broadcast_in_dim3A_5 {strides = array<i32>} : memref<4096xi32, #tpu.memory_space<vmem>>, vector<16xi32>,
        %scan3A_217 = arith.constant 0 : i32
        %scan3A_218 = arith.constant 4 : i32
        %scan3A_219 = arith.addi %scan3A_190, %scan3A_218 : i32
        %mul3A_220 = arith.constant 16 : i32
        %mul3A_221 = arith.muli %scan3A_219, %mul3A_220 : i32
        %swap3A_222 = arith.index_cast %mul3A_221 : i32 to index
        %swap3A_223 = tpu.vector_load %arg8[%swap3A_222] {strides = array<i32>} : memref<4096xi32, #tpu.memory_space<vmem>>, vector<16xi32>,
        tpu.vector_store %arg8[%swap3A_222], %broadcast_in_dim3A_5 {strides = array<i32>} : memref<4096xi32, #tpu.memory_space<vmem>>, vector<16xi32>,
        %scan3A_224 = arith.constant 0 : i32
        %scan3A_225 = arith.constant 5 : i32
        %scan3A_226 = arith.addi %scan3A_190, %scan3A_225 : i32
        %mul3A_227 = arith.constant 16 : i32
        %mul3A_228 = arith.muli %scan3A_226, %mul3A_227 : i32
        %swap3A_229 = arith.index_cast %mul3A_228 : i32 to index
        %swap3A_230 = tpu.vector_load %arg8[%swap3A_229] {strides = array<i32>} : memref<4096xi32, #tpu.memory_space<vmem>>, vector<16xi32>,
        tpu.vector_store %arg8[%swap3A_229], %broadcast_in_dim3A_5 {strides = array<i32>} : memref<4096xi32, #tpu.memory_space<vmem>>, vector<16xi32>,
        %scan3A_231 = arith.constant 0 : i32
        %scan3A_232 = arith.constant 6 : i32
        %scan3A_233 = arith.addi %scan3A_190, %scan3A_232 : i32
        %mul3A_234 = arith.constant 16 : i32
        %mul3A_235 = arith.muli %scan3A_233, %mul3A_234 : i32
        %swap3A_236 = arith.index_cast %mul3A_235 : i32 to index
        %swap3A_237 = tpu.vector_load %arg8[%swap3A_236] {strides = array<i32>} : memref<4096xi32, #tpu.memory_space<vmem>>, vector<16xi32>,
        tpu.vector_store %arg8[%swap3A_236], %broadcast_in_dim3A_5 {strides = array<i32>} : memref<4096xi32, #tpu.memory_space<vmem>>, vector<16xi32>,
        %scan3A_238 = arith.constant 0 : i32
        %scan3A_239 = arith.constant 7 : i32
        %scan3A_240 = arith.addi %scan3A_190, %scan3A_239 : i32
        %mul3A_241 = arith.constant 16 : i32
        %mul3A_242 = arith.muli %scan3A_240, %mul3A_241 : i32
        %swap3A_243 = arith.index_cast %mul3A_242 : i32 to index
        %swap3A_244 = tpu.vector_load %arg8[%swap3A_243] {strides = array<i32>} : memref<4096xi32, #tpu.memory_space<vmem>>, vector<16xi32>,
        tpu.vector_store %arg8[%swap3A_243], %broadcast_in_dim3A_5 {strides = array<i32>} : memref<4096xi32, #tpu.memory_space<vmem>>, vector<16xi32>,
        %scan3A_245 = arith.constant 0 : i32
        scf.yield %scan3A_245 : i32
      }
      %scan3A_158 = arith.constant 256 : i32
      %scan3A_159 = arith.constant 0 : i32
      %scan3A_160 = arith.constant 0 : i32
      %scan3A_161 = arith.constant 16 : i32
      %scan3A_162 = arith.addi %scan3A_160, %scan3A_161 : i32
      %scan3A_163 = arith.constant 1 : i32
      %scan3A_164 = scf.for %scan3A_190 = %scan3A_160 to %scan3A_162 step %scan3A_163 iter_args(%scan3A_191 = %scan3A_159) -> (i32)  : i32 {
        "tpu.region"() ({
          %run_scoped3A = tpu.sem_alloc : memref<!tpu.dma_semaphore, #tpu.memory_space<semaphore_mem>>
          %dma_start3A_200 = arith.constant 0 : i32
          %dma_start3A_201 = tpu.memref_slice %arg14[%scan3A_190, %dma_start3A_200] : memref<16x4096xi32, #tpu.memory_space<vmem_shared>> -> memref<1x4096xi32, #tpu.memory_space<vmem_shared>>
          %dma_start3A_202 = tpu.memref_squeeze %dma_start3A_201 : memref<1x4096xi32, #tpu.memory_space<vmem_shared>> -> memref<4096xi32, #tpu.memory_space<vmem_shared>>
          %dma_start3A_203 = arith.constant 0 : i32
          %dma_start3A_204 = tpu.memref_slice %arg14[%scan3A_190, %dma_start3A_203] : memref<16x4096xi32, #tpu.memory_space<vmem_shared>> -> memref<1x4096xi32, #tpu.memory_space<vmem_shared>>
          %dma_start3A_205 = tpu.memref_squeeze %dma_start3A_204 : memref<1x4096xi32, #tpu.memory_space<vmem_shared>> -> memref<4096xi32, #tpu.memory_space<vmem_shared>>
          tpu.enqueue_dma source(%dma_start3A_205 : memref<4096xi32, #tpu.memory_space<vmem_shared>>) target(%arg7 : memref<4096xi32, #tpu.memory_space<vmem>>) target_semaphore(%run_scoped3A : memref<!tpu.dma_semaphore, #tpu.memory_space<semaphore_mem>>)
          %dma_wait3A_206 = arith.constant 0 : i32
          %dma_wait3A_207 = tpu.memref_slice %arg14[%scan3A_190, %dma_wait3A_206] : memref<16x4096xi32, #tpu.memory_space<vmem_shared>> -> memref<1x4096xi32, #tpu.memory_space<vmem_shared>>
          %dma_wait3A_208 = tpu.memref_squeeze %dma_wait3A_207 : memref<1x4096xi32, #tpu.memory_space<vmem_shared>> -> memref<4096xi32, #tpu.memory_space<vmem_shared>>
          %dma_wait3A_209 = arith.constant 0 : i32
          %dma_wait3A_210 = tpu.memref_slice %arg14[%scan3A_190, %dma_wait3A_209] : memref<16x4096xi32, #tpu.memory_space<vmem_shared>> -> memref<1x4096xi32, #tpu.memory_space<vmem_shared>>
          %dma_wait3A_211 = tpu.memref_squeeze %dma_wait3A_210 : memref<1x4096xi32, #tpu.memory_space<vmem_shared>> -> memref<4096xi32, #tpu.memory_space<vmem_shared>>
          tpu.wait_dma2 semaphore(%run_scoped3A : memref<!tpu.dma_semaphore, #tpu.memory_space<semaphore_mem>>) src(%dma_wait3A_211 : memref<4096xi32, #tpu.memory_space<vmem_shared>>) dst(%arg7 : memref<4096xi32, #tpu.memory_space<vmem>>)
          tpu.yield
        }) : () -> ()
        %scan3A_192 = arith.constant 0 : i32
        %scan3A_193 = arith.constant 0 : i32
        %scan3A_194 = arith.constant 256 : i32
        %scan3A_195 = arith.addi %scan3A_193, %scan3A_194 : i32
        %scan3A_196 = arith.constant 8 : i32
        %scan3A_197 = scf.for %scan3A_200 = %scan3A_193 to %scan3A_195 step %scan3A_196 iter_args(%scan3A_201 = %scan3A_192) -> (i32)  : i32 {
          %mul3A_202 = arith.constant 16 : i32
          %mul3A_203 = arith.muli %scan3A_200, %mul3A_202 : i32
          %get3A_204 = arith.index_cast %mul3A_203 : i32 to index
          %get3A_205 = tpu.vector_load %arg8[%get3A_204] {strides = array<i32>} : memref<4096xi32, #tpu.memory_space<vmem>>, vector<16xi32>,
          %mul3A_206 = arith.constant 16 : i32
          %mul3A_207 = arith.muli %scan3A_200, %mul3A_206 : i32
          %get3A_208 = arith.index_cast %mul3A_207 : i32 to index
          %get3A_209 = tpu.vector_load %arg7[%get3A_208] {strides = array<i32>} : memref<4096xi32, #tpu.memory_space<vmem>>, vector<16xi32>,
          %add3A_210 = arith.addi %get3A_205, %get3A_209 : vector<16xi32>
          %mul3A_211 = arith.constant 16 : i32
          %mul3A_212 = arith.muli %scan3A_200, %mul3A_211 : i32
          %swap3A_213 = arith.index_cast %mul3A_212 : i32 to index
          %swap3A_214 = tpu.vector_load %arg8[%swap3A_213] {strides = array<i32>} : memref<4096xi32, #tpu.memory_space<vmem>>, vector<16xi32>,
          tpu.vector_store %arg8[%swap3A_213], %add3A_210 {strides = array<i32>} : memref<4096xi32, #tpu.memory_space<vmem>>, vector<16xi32>,
          %scan3A_215 = arith.constant 0 : i32
          %scan3A_216 = arith.constant 1 : i32
          %scan3A_217 = arith.addi %scan3A_200, %scan3A_216 : i32
          %mul3A_218 = arith.constant 16 : i32
          %mul3A_219 = arith.muli %scan3A_217, %mul3A_218 : i32
          %get3A_220 = arith.index_cast %mul3A_219 : i32 to index
          %get3A_221 = tpu.vector_load %arg8[%get3A_220] {strides = array<i32>} : memref<4096xi32, #tpu.memory_space<vmem>>, vector<16xi32>,
          %mul3A_222 = arith.constant 16 : i32
          %mul3A_223 = arith.muli %scan3A_217, %mul3A_222 : i32
          %get3A_224 = arith.index_cast %mul3A_223 : i32 to index
          %get3A_225 = tpu.vector_load %arg7[%get3A_224] {strides = array<i32>} : memref<4096xi32, #tpu.memory_space<vmem>>, vector<16xi32>,
          %add3A_226 = arith.addi %get3A_221, %get3A_225 : vector<16xi32>
          %mul3A_227 = arith.constant 16 : i32
          %mul3A_228 = arith.muli %scan3A_217, %mul3A_227 : i32
          %swap3A_229 = arith.index_cast %mul3A_228 : i32 to index
          %swap3A_230 = tpu.vector_load %arg8[%swap3A_229] {strides = array<i32>} : memref<4096xi32, #tpu.memory_space<vmem>>, vector<16xi32>,
          tpu.vector_store %arg8[%swap3A_229], %add3A_226 {strides = array<i32>} : memref<4096xi32, #tpu.memory_space<vmem>>, vector<16xi32>,
          %scan3A_231 = arith.constant 0 : i32
          %scan3A_232 = arith.constant 2 : i32
          %scan3A_233 = arith.addi %scan3A_200, %scan3A_232 : i32
          %mul3A_234 = arith.constant 16 : i32
          %mul3A_235 = arith.muli %scan3A_233, %mul3A_234 : i32
          %get3A_236 = arith.index_cast %mul3A_235 : i32 to index
          %get3A_237 = tpu.vector_load %arg8[%get3A_236] {strides = array<i32>} : memref<4096xi32, #tpu.memory_space<vmem>>, vector<16xi32>,
          %mul3A_238 = arith.constant 16 : i32
          %mul3A_239 = arith.muli %scan3A_233, %mul3A_238 : i32
          %get3A_240 = arith.index_cast %mul3A_239 : i32 to index
          %get3A_241 = tpu.vector_load %arg7[%get3A_240] {strides = array<i32>} : memref<4096xi32, #tpu.memory_space<vmem>>, vector<16xi32>,
          %add3A_242 = arith.addi %get3A_237, %get3A_241 : vector<16xi32>
          %mul3A_243 = arith.constant 16 : i32
          %mul3A_244 = arith.muli %scan3A_233, %mul3A_243 : i32
          %swap3A_245 = arith.index_cast %mul3A_244 : i32 to index
          %swap3A_246 = tpu.vector_load %arg8[%swap3A_245] {strides = array<i32>} : memref<4096xi32, #tpu.memory_space<vmem>>, vector<16xi32>,
          tpu.vector_store %arg8[%swap3A_245], %add3A_242 {strides = array<i32>} : memref<4096xi32, #tpu.memory_space<vmem>>, vector<16xi32>,
          %scan3A_247 = arith.constant 0 : i32
          %scan3A_248 = arith.constant 3 : i32
          %scan3A_249 = arith.addi %scan3A_200, %scan3A_248 : i32
          %mul3A_250 = arith.constant 16 : i32
          %mul3A_251 = arith.muli %scan3A_249, %mul3A_250 : i32
          %get3A_252 = arith.index_cast %mul3A_251 : i32 to index
          %get3A_253 = tpu.vector_load %arg8[%get3A_252] {strides = array<i32>} : memref<4096xi32, #tpu.memory_space<vmem>>, vector<16xi32>,
          %mul3A_254 = arith.constant 16 : i32
          %mul3A_255 = arith.muli %scan3A_249, %mul3A_254 : i32
          %get3A_256 = arith.index_cast %mul3A_255 : i32 to index
          %get3A_257 = tpu.vector_load %arg7[%get3A_256] {strides = array<i32>} : memref<4096xi32, #tpu.memory_space<vmem>>, vector<16xi32>,
          %add3A_258 = arith.addi %get3A_253, %get3A_257 : vector<16xi32>
          %mul3A_259 = arith.constant 16 : i32
          %mul3A_260 = arith.muli %scan3A_249, %mul3A_259 : i32
          %swap3A_261 = arith.index_cast %mul3A_260 : i32 to index
          %swap3A_262 = tpu.vector_load %arg8[%swap3A_261] {strides = array<i32>} : memref<4096xi32, #tpu.memory_space<vmem>>, vector<16xi32>,
          tpu.vector_store %arg8[%swap3A_261], %add3A_258 {strides = array<i32>} : memref<4096xi32, #tpu.memory_space<vmem>>, vector<16xi32>,
          %scan3A_263 = arith.constant 0 : i32
          %scan3A_264 = arith.constant 4 : i32
          %scan3A_265 = arith.addi %scan3A_200, %scan3A_264 : i32
          %mul3A_266 = arith.constant 16 : i32
          %mul3A_267 = arith.muli %scan3A_265, %mul3A_266 : i32
          %get3A_268 = arith.index_cast %mul3A_267 : i32 to index
          %get3A_269 = tpu.vector_load %arg8[%get3A_268] {strides = array<i32>} : memref<4096xi32, #tpu.memory_space<vmem>>, vector<16xi32>,
          %mul3A_270 = arith.constant 16 : i32
          %mul3A_271 = arith.muli %scan3A_265, %mul3A_270 : i32
          %get3A_272 = arith.index_cast %mul3A_271 : i32 to index
          %get3A_273 = tpu.vector_load %arg7[%get3A_272] {strides = array<i32>} : memref<4096xi32, #tpu.memory_space<vmem>>, vector<16xi32>,
          %add3A_274 = arith.addi %get3A_269, %get3A_273 : vector<16xi32>
          %mul3A_275 = arith.constant 16 : i32
          %mul3A_276 = arith.muli %scan3A_265, %mul3A_275 : i32
          %swap3A_277 = arith.index_cast %mul3A_276 : i32 to index
          %swap3A_278 = tpu.vector_load %arg8[%swap3A_277] {strides = array<i32>} : memref<4096xi32, #tpu.memory_space<vmem>>, vector<16xi32>,
          tpu.vector_store %arg8[%swap3A_277], %add3A_274 {strides = array<i32>} : memref<4096xi32, #tpu.memory_space<vmem>>, vector<16xi32>,
          %scan3A_279 = arith.constant 0 : i32
          %scan3A_280 = arith.constant 5 : i32
          %scan3A_281 = arith.addi %scan3A_200, %scan3A_280 : i32
          %mul3A_282 = arith.constant 16 : i32
          %mul3A_283 = arith.muli %scan3A_281, %mul3A_282 : i32
          %get3A_284 = arith.index_cast %mul3A_283 : i32 to index
          %get3A_285 = tpu.vector_load %arg8[%get3A_284] {strides = array<i32>} : memref<4096xi32, #tpu.memory_space<vmem>>, vector<16xi32>,
          %mul3A_286 = arith.constant 16 : i32
          %mul3A_287 = arith.muli %scan3A_281, %mul3A_286 : i32
          %get3A_288 = arith.index_cast %mul3A_287 : i32 to index
          %get3A_289 = tpu.vector_load %arg7[%get3A_288] {strides = array<i32>} : memref<4096xi32, #tpu.memory_space<vmem>>, vector<16xi32>,
          %add3A_290 = arith.addi %get3A_285, %get3A_289 : vector<16xi32>
          %mul3A_291 = arith.constant 16 : i32
          %mul3A_292 = arith.muli %scan3A_281, %mul3A_291 : i32
          %swap3A_293 = arith.index_cast %mul3A_292 : i32 to index
          %swap3A_294 = tpu.vector_load %arg8[%swap3A_293] {strides = array<i32>} : memref<4096xi32, #tpu.memory_space<vmem>>, vector<16xi32>,
          tpu.vector_store %arg8[%swap3A_293], %add3A_290 {strides = array<i32>} : memref<4096xi32, #tpu.memory_space<vmem>>, vector<16xi32>,
          %scan3A_295 = arith.constant 0 : i32
          %scan3A_296 = arith.constant 6 : i32
          %scan3A_297 = arith.addi %scan3A_200, %scan3A_296 : i32
          %mul3A_298 = arith.constant 16 : i32
          %mul3A_299 = arith.muli %scan3A_297, %mul3A_298 : i32
          %get3A_300 = arith.index_cast %mul3A_299 : i32 to index
          %get3A_301 = tpu.vector_load %arg8[%get3A_300] {strides = array<i32>} : memref<4096xi32, #tpu.memory_space<vmem>>, vector<16xi32>,
          %mul3A_302 = arith.constant 16 : i32
          %mul3A_303 = arith.muli %scan3A_297, %mul3A_302 : i32
          %get3A_304 = arith.index_cast %mul3A_303 : i32 to index
          %get3A_305 = tpu.vector_load %arg7[%get3A_304] {strides = array<i32>} : memref<4096xi32, #tpu.memory_space<vmem>>, vector<16xi32>,
          %add3A_306 = arith.addi %get3A_301, %get3A_305 : vector<16xi32>
          %mul3A_307 = arith.constant 16 : i32
          %mul3A_308 = arith.muli %scan3A_297, %mul3A_307 : i32
          %swap3A_309 = arith.index_cast %mul3A_308 : i32 to index
          %swap3A_310 = tpu.vector_load %arg8[%swap3A_309] {strides = array<i32>} : memref<4096xi32, #tpu.memory_space<vmem>>, vector<16xi32>,
          tpu.vector_store %arg8[%swap3A_309], %add3A_306 {strides = array<i32>} : memref<4096xi32, #tpu.memory_space<vmem>>, vector<16xi32>,
          %scan3A_311 = arith.constant 0 : i32
          %scan3A_312 = arith.constant 7 : i32
          %scan3A_313 = arith.addi %scan3A_200, %scan3A_312 : i32
          %mul3A_314 = arith.constant 16 : i32
          %mul3A_315 = arith.muli %scan3A_313, %mul3A_314 : i32
          %get3A_316 = arith.index_cast %mul3A_315 : i32 to index
          %get3A_317 = tpu.vector_load %arg8[%get3A_316] {strides = array<i32>} : memref<4096xi32, #tpu.memory_space<vmem>>, vector<16xi32>,
          %mul3A_318 = arith.constant 16 : i32
          %mul3A_319 = arith.muli %scan3A_313, %mul3A_318 : i32
          %get3A_320 = arith.index_cast %mul3A_319 : i32 to index
          %get3A_321 = tpu.vector_load %arg7[%get3A_320] {strides = array<i32>} : memref<4096xi32, #tpu.memory_space<vmem>>, vector<16xi32>,
          %add3A_322 = arith.addi %get3A_317, %get3A_321 : vector<16xi32>
          %mul3A_323 = arith.constant 16 : i32
          %mul3A_324 = arith.muli %scan3A_313, %mul3A_323 : i32
          %swap3A_325 = arith.index_cast %mul3A_324 : i32 to index
          %swap3A_326 = tpu.vector_load %arg8[%swap3A_325] {strides = array<i32>} : memref<4096xi32, #tpu.memory_space<vmem>>, vector<16xi32>,
          tpu.vector_store %arg8[%swap3A_325], %add3A_322 {strides = array<i32>} : memref<4096xi32, #tpu.memory_space<vmem>>, vector<16xi32>,
          %scan3A_327 = arith.constant 0 : i32
          scf.yield %scan3A_327 : i32
        }
        %scan3A_198 = arith.constant 256 : i32
        %scan3A_199 = arith.constant 0 : i32
        scf.yield %scan3A_199 : i32
      }
      %scan3A_165 = arith.constant 16 : i32
      %scan3A_166 = arith.constant 0 : i32
      %scan3A_167 = arith.constant 0 : i32
      %scan3A_168 = arith.constant 0 : i32
      %scan3A_169 = arith.constant 0 : i32
      %scan3A_170 = arith.constant 0 : i32
      %scan3A_171 = arith.constant 256 : i32
      %scan3A_172 = arith.addi %scan3A_170, %scan3A_171 : i32
      %scan3A_173 = arith.constant 1 : i32
      %scan3A_174:4 = scf.for %scan3A_190 = %scan3A_170 to %scan3A_172 step %scan3A_173 iter_args(%scan3A_191 = %scan3A_166, %scan3A_192 = %scan3A_167, %scan3A_193 = %scan3A_168, %scan3A_194 = %scan3A_169) -> (i32, i32, i32, i32)  : i32 {
        %mul3A_195 = arith.constant 16 : i32
        %mul3A_196 = arith.muli %scan3A_190, %mul3A_195 : i32
        %get3A_197 = arith.index_cast %mul3A_196 : i32 to index
        %get3A_198 = tpu.vector_load %arg8[%get3A_197] {strides = array<i32>} : memref<4096xi32, #tpu.memory_space<vmem>>, vector<16xi32>,
        %broadcast_in_dim3A_199 = arith.constant true
        %broadcast_in_dim3A_200 = vector.broadcast %broadcast_in_dim3A_199 : i1 to vector<16xi1>
        %masked_cumsum3A_201 = tpu.scan <sum>, %get3A_198 masked %broadcast_in_dim3A_200 : vector<16xi32>, vector<16xi1> -> vector<16xi32>
        %reduce_max3A_202 = arith.constant true
        %reduce_max3A_203 = vector.broadcast %reduce_max3A_202 : i1 to vector<16xi1>
        %reduce_max3A_204 = arith.constant -2147483648 : i32
        %reduce_max3A_205 = vector.broadcast %reduce_max3A_204 : i32 to vector<16xi32>
        %reduce_max3A_206 = arith.xori %masked_cumsum3A_201, %reduce_max3A_205 : vector<16xi32>
        %reduce_max3A_207 = tpu.scan <max>, %reduce_max3A_206 masked %reduce_max3A_203 : vector<16xi32>, vector<16xi1> -> vector<16xi32>
        %reduce_max3A_208 = arith.xori %reduce_max3A_207, %reduce_max3A_205 : vector<16xi32>
        %reduce_max3A_209 = vector.extract %reduce_max3A_208[15] : i32 from vector<16xi32>
        %eq3A_210 = arith.constant 0 : i32
        %eq3A_211 = arith.cmpi eq, %scan3A_191, %eq3A_210 : i32
        %add3A_212 = arith.addi %scan3A_194, %reduce_max3A_209 : i32
        %ge3A = arith.cmpi sge, %add3A_212, %sub3A_60 : i32
        %and3A = arith.andi %eq3A_211, %ge3A : i1
        %add3A_213 = vector.broadcast %scan3A_194 : i32 to vector<16xi32>
        %add3A_214 = arith.addi %add3A_213, %masked_cumsum3A_201 : vector<16xi32>
        %lt3A_215 = vector.broadcast %sub3A_60 : i32 to vector<16xi32>
        %lt3A_216 = arith.cmpi slt, %add3A_214, %lt3A_215 : vector<16xi32>
        %jit3A_217 = arith.constant 1 : i32
        %jit3A_218 = arith.constant 0 : i32
        %broadcast_in_dim3A_219 = vector.broadcast %jit3A_217 : i32 to vector<16xi32>
        %broadcast_in_dim3A_220 = vector.broadcast %jit3A_218 : i32 to vector<16xi32>
        %select_n3A_221 = arith.select %lt3A_216, %broadcast_in_dim3A_219, %broadcast_in_dim3A_220 : vector<16xi1>, vector<16xi32>
        %reduce_sum3A_222 = arith.constant true
        %reduce_sum3A_223 = vector.broadcast %reduce_sum3A_222 : i1 to vector<16xi1>
        %reduce_sum3A_224 = tpu.scan <sum>, %select_n3A_221 masked %reduce_sum3A_223 : vector<16xi32>, vector<16xi1> -> vector<16xi32>
        %reduce_sum3A_225 = vector.extract %reduce_sum3A_224[15] : i32 from vector<16xi32>
        %eq3A_226 = vector.broadcast %reduce_sum3A_225 : i32 to vector<16xi32>
        %eq3A_227 = arith.cmpi eq, %iota3A, %eq3A_226 : vector<16xi32>
        %sub3A_228 = arith.subi %masked_cumsum3A_201, %get3A_198 : vector<16xi32>
        %jit3A_229 = arith.constant 0 : i32
        %broadcast_in_dim3A_230 = vector.broadcast %jit3A_229 : i32 to vector<16xi32>
        %select_n3A_231 = arith.select %eq3A_227, %sub3A_228, %broadcast_in_dim3A_230 : vector<16xi1>, vector<16xi32>
        %reduce_sum3A_232 = arith.constant true
        %reduce_sum3A_233 = vector.broadcast %reduce_sum3A_232 : i1 to vector<16xi1>
        %reduce_sum3A_234 = tpu.scan <sum>, %select_n3A_231 masked %reduce_sum3A_233 : vector<16xi32>, vector<16xi1> -> vector<16xi32>
        %reduce_sum3A_235 = vector.extract %reduce_sum3A_234[15] : i32 from vector<16xi32>
        %add3A_236 = arith.addi %scan3A_194, %reduce_sum3A_235 : i32
        %mul3A_237 = arith.constant 16 : i32
        %mul3A_238 = arith.muli %scan3A_190, %mul3A_237 : i32
        %add3A_239 = arith.addi %mul3A_238, %reduce_sum3A_225 : i32
        %select_n3A_240 = arith.select %and3A, %add3A_239, %scan3A_192 : i32
        %select_n3A_241 = arith.select %and3A, %add3A_236, %scan3A_193 : i32
        %jit3A_242 = arith.constant 1 : i32
        %select_n3A_243 = arith.select %and3A, %jit3A_242, %scan3A_191 : i32
        %add3A_244 = arith.addi %scan3A_194, %reduce_max3A_209 : i32
        scf.yield %select_n3A_243, %select_n3A_240, %select_n3A_241, %add3A_244 : i32, i32, i32, i32
      }
      %scan3A_175 = arith.constant 256 : i32
      %mul3A_176 = arith.constant 4096 : i32
      %mul3A_177 = arith.muli %reduce_sum3A_50, %mul3A_176 : i32
      %add3A_178 = arith.addi %mul3A_177, %scan3A_174#1 : i32
      %add3A_179 = arith.addi %reduce_sum3A_58, %scan3A_174#2 : i32
      %sub3A_180 = arith.constant 7969176 : i32
      %sub3A_181 = arith.subi %sub3A_180, %add3A_179 : i32
      %add3A_182 = arith.constant 1 : i32
      %add3A_183 = arith.addi %sub3A_181, %add3A_182 : i32
      %broadcast_in_dim3A_184 = vector.broadcast %add3A_178 : i32 to vector<16xi32>
      %swap3A_185 = arith.constant 0 : index
      %swap3A_186 = tpu.vector_load %arg11[%swap3A_185] {strides = array<i32>} : memref<32xi32, #tpu.memory_space<vmem>>, vector<16xi32>,
      tpu.vector_store %arg11[%swap3A_185], %broadcast_in_dim3A_184 {strides = array<i32>} : memref<32xi32, #tpu.memory_space<vmem>>, vector<16xi32>,
      %broadcast_in_dim3A_187 = vector.broadcast %add3A_183 : i32 to vector<16xi32>
      %swap3A_188 = arith.constant 16 : index
      %swap3A_189 = tpu.vector_load %arg11[%swap3A_188] {strides = array<i32>} : memref<32xi32, #tpu.memory_space<vmem>>, vector<16xi32>,
      tpu.vector_store %arg11[%swap3A_188], %broadcast_in_dim3A_187 {strides = array<i32>} : memref<32xi32, #tpu.memory_space<vmem>>, vector<16xi32>,
      "tpu.region"() ({
        %run_scoped3A = tpu.sem_alloc : memref<!tpu.dma_semaphore, #tpu.memory_space<semaphore_mem>>
        tpu.enqueue_dma source(%arg11 : memref<32xi32, #tpu.memory_space<vmem>>) target(%arg15 : memref<32xi32, #tpu.memory_space<vmem_shared>>) target_semaphore(%run_scoped3A : memref<!tpu.dma_semaphore, #tpu.memory_space<semaphore_mem>>)
        tpu.wait_dma2 semaphore(%run_scoped3A : memref<!tpu.dma_semaphore, #tpu.memory_space<semaphore_mem>>) src(%arg11 : memref<32xi32, #tpu.memory_space<vmem>>) dst(%arg15 : memref<32xi32, #tpu.memory_space<vmem_shared>>)
        tpu.yield
      }) : () -> ()
    } else {
    }
    %barrier3A_67 = arith.constant 0 : index
    tpu.barrier barrier_id(%barrier3A_67)
    "tpu.region"() ({
      %run_scoped3A = tpu.sem_alloc : memref<!tpu.dma_semaphore, #tpu.memory_space<semaphore_mem>>
      tpu.enqueue_dma source(%arg15 : memref<32xi32, #tpu.memory_space<vmem_shared>>) target(%arg11 : memref<32xi32, #tpu.memory_space<vmem>>) target_semaphore(%run_scoped3A : memref<!tpu.dma_semaphore, #tpu.memory_space<semaphore_mem>>)
      tpu.wait_dma2 semaphore(%run_scoped3A : memref<!tpu.dma_semaphore, #tpu.memory_space<semaphore_mem>>) src(%arg15 : memref<32xi32, #tpu.memory_space<vmem_shared>>) dst(%arg11 : memref<32xi32, #tpu.memory_space<vmem>>)
      tpu.yield
    }) : () -> ()
    %get3A = arith.constant 0 : index
    %get3A_68 = tpu.vector_load %arg11[%get3A] {strides = array<i32>} : memref<32xi32, #tpu.memory_space<vmem>>, vector<16xi32>,
    %get3A_69 = arith.constant 16 : index
    %get3A_70 = tpu.vector_load %arg11[%get3A_69] {strides = array<i32>} : memref<32xi32, #tpu.memory_space<vmem>>, vector<16xi32>,
    %reduce_max3A = arith.constant true
    %reduce_max3A_71 = vector.broadcast %reduce_max3A : i1 to vector<16xi1>
    %reduce_max3A_72 = arith.constant -2147483648 : i32
    %reduce_max3A_73 = vector.broadcast %reduce_max3A_72 : i32 to vector<16xi32>
    %reduce_max3A_74 = arith.xori %get3A_70, %reduce_max3A_73 : vector<16xi32>
    %reduce_max3A_75 = tpu.scan <max>, %reduce_max3A_74 masked %reduce_max3A_71 : vector<16xi32>, vector<16xi1> -> vector<16xi32>
    %reduce_max3A_76 = arith.xori %reduce_max3A_75, %reduce_max3A_73 : vector<16xi32>
    %reduce_max3A_77 = vector.extract %reduce_max3A_76[15] : i32 from vector<16xi32>
    %scan3A_78 = arith.constant 0 : i32
    %scan3A_79 = arith.constant 0 : i32
    %scan3A_80 = arith.constant 4096 : i32
    %scan3A_81 = arith.addi %scan3A_79, %scan3A_80 : i32
    %scan3A_82 = arith.constant 8 : i32
    %scan3A_83 = scf.for %scan3A_152 = %scan3A_79 to %scan3A_81 step %scan3A_82 iter_args(%scan3A_153 = %scan3A_78) -> (i32)  : i32 {
      %mul3A_154 = arith.constant 16 : i32
      %mul3A_155 = arith.muli %scan3A_152, %mul3A_154 : i32
      %swap3A_156 = arith.index_cast %mul3A_155 : i32 to index
      %swap3A_157 = tpu.vector_load %arg6[%swap3A_156] {strides = array<i32>} : memref<65536xi32, #tpu.memory_space<vmem>>, vector<16xi32>,
      tpu.vector_store %arg6[%swap3A_156], %broadcast_in_dim3A_5 {strides = array<i32>} : memref<65536xi32, #tpu.memory_space<vmem>>, vector<16xi32>,
      %scan3A_158 = arith.constant 0 : i32
      %scan3A_159 = arith.constant 1 : i32
      %scan3A_160 = arith.addi %scan3A_152, %scan3A_159 : i32
      %mul3A_161 = arith.constant 16 : i32
      %mul3A_162 = arith.muli %scan3A_160, %mul3A_161 : i32
      %swap3A_163 = arith.index_cast %mul3A_162 : i32 to index
      %swap3A_164 = tpu.vector_load %arg6[%swap3A_163] {strides = array<i32>} : memref<65536xi32, #tpu.memory_space<vmem>>, vector<16xi32>,
      tpu.vector_store %arg6[%swap3A_163], %broadcast_in_dim3A_5 {strides = array<i32>} : memref<65536xi32, #tpu.memory_space<vmem>>, vector<16xi32>,
      %scan3A_165 = arith.constant 0 : i32
      %scan3A_166 = arith.constant 2 : i32
      %scan3A_167 = arith.addi %scan3A_152, %scan3A_166 : i32
      %mul3A_168 = arith.constant 16 : i32
      %mul3A_169 = arith.muli %scan3A_167, %mul3A_168 : i32
      %swap3A_170 = arith.index_cast %mul3A_169 : i32 to index
      %swap3A_171 = tpu.vector_load %arg6[%swap3A_170] {strides = array<i32>} : memref<65536xi32, #tpu.memory_space<vmem>>, vector<16xi32>,
      tpu.vector_store %arg6[%swap3A_170], %broadcast_in_dim3A_5 {strides = array<i32>} : memref<65536xi32, #tpu.memory_space<vmem>>, vector<16xi32>,
      %scan3A_172 = arith.constant 0 : i32
      %scan3A_173 = arith.constant 3 : i32
      %scan3A_174 = arith.addi %scan3A_152, %scan3A_173 : i32
      %mul3A_175 = arith.constant 16 : i32
      %mul3A_176 = arith.muli %scan3A_174, %mul3A_175 : i32
      %swap3A_177 = arith.index_cast %mul3A_176 : i32 to index
      %swap3A_178 = tpu.vector_load %arg6[%swap3A_177] {strides = array<i32>} : memref<65536xi32, #tpu.memory_space<vmem>>, vector<16xi32>,
      tpu.vector_store %arg6[%swap3A_177], %broadcast_in_dim3A_5 {strides = array<i32>} : memref<65536xi32, #tpu.memory_space<vmem>>, vector<16xi32>,
      %scan3A_179 = arith.constant 0 : i32
      %scan3A_180 = arith.constant 4 : i32
      %scan3A_181 = arith.addi %scan3A_152, %scan3A_180 : i32
      %mul3A_182 = arith.constant 16 : i32
      %mul3A_183 = arith.muli %scan3A_181, %mul3A_182 : i32
      %swap3A_184 = arith.index_cast %mul3A_183 : i32 to index
      %swap3A_185 = tpu.vector_load %arg6[%swap3A_184] {strides = array<i32>} : memref<65536xi32, #tpu.memory_space<vmem>>, vector<16xi32>,
      tpu.vector_store %arg6[%swap3A_184], %broadcast_in_dim3A_5 {strides = array<i32>} : memref<65536xi32, #tpu.memory_space<vmem>>, vector<16xi32>,
      %scan3A_186 = arith.constant 0 : i32
      %scan3A_187 = arith.constant 5 : i32
      %scan3A_188 = arith.addi %scan3A_152, %scan3A_187 : i32
      %mul3A_189 = arith.constant 16 : i32
      %mul3A_190 = arith.muli %scan3A_188, %mul3A_189 : i32
      %swap3A_191 = arith.index_cast %mul3A_190 : i32 to index
      %swap3A_192 = tpu.vector_load %arg6[%swap3A_191] {strides = array<i32>} : memref<65536xi32, #tpu.memory_space<vmem>>, vector<16xi32>,
      tpu.vector_store %arg6[%swap3A_191], %broadcast_in_dim3A_5 {strides = array<i32>} : memref<65536xi32, #tpu.memory_space<vmem>>, vector<16xi32>,
      %scan3A_193 = arith.constant 0 : i32
      %scan3A_194 = arith.constant 6 : i32
      %scan3A_195 = arith.addi %scan3A_152, %scan3A_194 : i32
      %mul3A_196 = arith.constant 16 : i32
      %mul3A_197 = arith.muli %scan3A_195, %mul3A_196 : i32
      %swap3A_198 = arith.index_cast %mul3A_197 : i32 to index
      %swap3A_199 = tpu.vector_load %arg6[%swap3A_198] {strides = array<i32>} : memref<65536xi32, #tpu.memory_space<vmem>>, vector<16xi32>,
      tpu.vector_store %arg6[%swap3A_198], %broadcast_in_dim3A_5 {strides = array<i32>} : memref<65536xi32, #tpu.memory_space<vmem>>, vector<16xi32>,
      %scan3A_200 = arith.constant 0 : i32
      %scan3A_201 = arith.constant 7 : i32
      %scan3A_202 = arith.addi %scan3A_152, %scan3A_201 : i32
      %mul3A_203 = arith.constant 16 : i32
      %mul3A_204 = arith.muli %scan3A_202, %mul3A_203 : i32
      %swap3A_205 = arith.index_cast %mul3A_204 : i32 to index
      %swap3A_206 = tpu.vector_load %arg6[%swap3A_205] {strides = array<i32>} : memref<65536xi32, #tpu.memory_space<vmem>>, vector<16xi32>,
      tpu.vector_store %arg6[%swap3A_205], %broadcast_in_dim3A_5 {strides = array<i32>} : memref<65536xi32, #tpu.memory_space<vmem>>, vector<16xi32>,
      %scan3A_207 = arith.constant 0 : i32
      scf.yield %scan3A_207 : i32
    }
    %scan3A_84 = arith.constant 4096 : i32
    %add3A_85 = arith.constant 0 : i32
    %add3A_86 = arith.addi %mul3A_0, %add3A_85 : i32
    %dma_start3A_87 = arith.constant 0 : i32
    %dma_start3A_88 = tpu.memref_slice %arg2[%add3A_86, %dma_start3A_87] : memref<8192x1024xf32, #tpu.memory_space<hbm>> -> memref<16x1024xf32, #tpu.memory_space<hbm>>
    %dma_start3A_89 = arith.constant 0 : i32
    %dma_start3A_90 = tpu.memref_slice %arg2[%add3A_86, %dma_start3A_89] : memref<8192x1024xf32, #tpu.memory_space<hbm>> -> memref<16x1024xf32, #tpu.memory_space<hbm>>
    tpu.enqueue_dma source(%dma_start3A_90 : memref<16x1024xf32, #tpu.memory_space<hbm>>) target(%arg4 : memref<16x1024xf32, #tpu.memory_space<vmem>>) target_semaphore(%arg16 : memref<!tpu.dma_semaphore, #tpu.memory_space<semaphore_mem>>)
    %scan3A_91 = arith.constant 0 : i32
    %scan3A_92 = arith.constant 0 : i32
    %scan3A_93 = arith.constant 16 : i32
    %scan3A_94 = arith.addi %scan3A_92, %scan3A_93 : i32
    %scan3A_95 = arith.constant 1 : i32
    %scan3A_96 = scf.for %scan3A_152 = %scan3A_92 to %scan3A_94 step %scan3A_95 iter_args(%scan3A_153 = %scan3A_91) -> (i32)  : i32 {
      %mul3A_154 = arith.constant 2 : i32
      %mul3A_155 = arith.muli %mul3A_154, %scan3A_152 : i32
      %add3A_156 = arith.constant 1 : i32
      %add3A_157 = arith.addi %mul3A_155, %add3A_156 : i32
      %mul3A_158 = arith.constant 16 : i32
      %mul3A_159 = arith.muli %add3A_157, %mul3A_158 : i32
      %add3A_160 = arith.addi %mul3A_0, %mul3A_159 : i32
      %dma_start3A_161 = arith.constant 0 : i32
      %dma_start3A_162 = tpu.memref_slice %arg2[%add3A_160, %dma_start3A_161] : memref<8192x1024xf32, #tpu.memory_space<hbm>> -> memref<16x1024xf32, #tpu.memory_space<hbm>>
      %dma_start3A_163 = arith.constant 0 : i32
      %dma_start3A_164 = tpu.memref_slice %arg2[%add3A_160, %dma_start3A_163] : memref<8192x1024xf32, #tpu.memory_space<hbm>> -> memref<16x1024xf32, #tpu.memory_space<hbm>>
      tpu.enqueue_dma source(%dma_start3A_164 : memref<16x1024xf32, #tpu.memory_space<hbm>>) target(%arg5 : memref<16x1024xf32, #tpu.memory_space<vmem>>) target_semaphore(%arg17 : memref<!tpu.dma_semaphore, #tpu.memory_space<semaphore_mem>>)
      %mul3A_165 = arith.constant 16 : i32
      %mul3A_166 = arith.muli %mul3A_155, %mul3A_165 : i32
      %add3A_167 = arith.addi %mul3A_0, %mul3A_166 : i32
      %dma_wait3A_168 = arith.constant 0 : i32
      %dma_wait3A_169 = tpu.memref_slice %arg2[%add3A_167, %dma_wait3A_168] : memref<8192x1024xf32, #tpu.memory_space<hbm>> -> memref<16x1024xf32, #tpu.memory_space<hbm>>
      %dma_wait3A_170 = arith.constant 0 : i32
      %dma_wait3A_171 = tpu.memref_slice %arg2[%add3A_167, %dma_wait3A_170] : memref<8192x1024xf32, #tpu.memory_space<hbm>> -> memref<16x1024xf32, #tpu.memory_space<hbm>>
      tpu.wait_dma2 semaphore(%arg16 : memref<!tpu.dma_semaphore, #tpu.memory_space<semaphore_mem>>) src(%dma_wait3A_171 : memref<16x1024xf32, #tpu.memory_space<hbm>>) dst(%arg4 : memref<16x1024xf32, #tpu.memory_space<vmem>>)
      %scan3A_172 = arith.constant 0 : i32
      %scan3A_173 = arith.constant 0 : i32
      %scan3A_174 = arith.constant 64 : i32
      %scan3A_175 = arith.addi %scan3A_173, %scan3A_174 : i32
      %scan3A_176 = arith.constant 1 : i32
      %scan3A_177 = scf.for %scan3A_206 = %scan3A_173 to %scan3A_175 step %scan3A_176 iter_args(%scan3A_207 = %scan3A_172) -> (i32)  : i32 {
        %shift_right_logical3A = arith.constant 2 : i32
        %shift_right_logical3A_208 = arith.shrui %scan3A_206, %shift_right_logical3A : i32
        %and3A = arith.constant 3 : i32
        %and3A_209 = arith.andi %scan3A_206, %and3A : i32
        %mul3A_210 = arith.constant 256 : i32
        %mul3A_211 = arith.muli %and3A_209, %mul3A_210 : i32
        %add3A_212 = arith.constant 0 : i32
        %add3A_213 = arith.addi %mul3A_211, %add3A_212 : i32
        %get3A_214 = arith.index_cast %shift_right_logical3A_208 : i32 to index
        %get3A_215 = arith.index_cast %add3A_213 : i32 to index
        %get3A_216 = tpu.vector_load %arg4[%get3A_214, %get3A_215] {strides = array<i32>} : memref<16x1024xf32, #tpu.memory_space<vmem>>, vector<16xf32>,
        %add3A_217 = arith.constant 16 : i32
        %add3A_218 = arith.addi %mul3A_211, %add3A_217 : i32
        %get3A_219 = arith.index_cast %shift_right_logical3A_208 : i32 to index
        %get3A_220 = arith.index_cast %add3A_218 : i32 to index
        %get3A_221 = tpu.vector_load %arg4[%get3A_219, %get3A_220] {strides = array<i32>} : memref<16x1024xf32, #tpu.memory_space<vmem>>, vector<16xf32>,
        %add3A_222 = arith.constant 32 : i32
        %add3A_223 = arith.addi %mul3A_211, %add3A_222 : i32
        %get3A_224 = arith.index_cast %shift_right_logical3A_208 : i32 to index
        %get3A_225 = arith.index_cast %add3A_223 : i32 to index
        %get3A_226 = tpu.vector_load %arg4[%get3A_224, %get3A_225] {strides = array<i32>} : memref<16x1024xf32, #tpu.memory_space<vmem>>, vector<16xf32>,
        %add3A_227 = arith.constant 48 : i32
        %add3A_228 = arith.addi %mul3A_211, %add3A_227 : i32
        %get3A_229 = arith.index_cast %shift_right_logical3A_208 : i32 to index
        %get3A_230 = arith.index_cast %add3A_228 : i32 to index
        %get3A_231 = tpu.vector_load %arg4[%get3A_229, %get3A_230] {strides = array<i32>} : memref<16x1024xf32, #tpu.memory_space<vmem>>, vector<16xf32>,
        %add3A_232 = arith.constant 64 : i32
        %add3A_233 = arith.addi %mul3A_211, %add3A_232 : i32
        %get3A_234 = arith.index_cast %shift_right_logical3A_208 : i32 to index
        %get3A_235 = arith.index_cast %add3A_233 : i32 to index
        %get3A_236 = tpu.vector_load %arg4[%get3A_234, %get3A_235] {strides = array<i32>} : memref<16x1024xf32, #tpu.memory_space<vmem>>, vector<16xf32>,
        %add3A_237 = arith.constant 80 : i32
        %add3A_238 = arith.addi %mul3A_211, %add3A_237 : i32
        %get3A_239 = arith.index_cast %shift_right_logical3A_208 : i32 to index
        %get3A_240 = arith.index_cast %add3A_238 : i32 to index
        %get3A_241 = tpu.vector_load %arg4[%get3A_239, %get3A_240] {strides = array<i32>} : memref<16x1024xf32, #tpu.memory_space<vmem>>, vector<16xf32>,
        %add3A_242 = arith.constant 96 : i32
        %add3A_243 = arith.addi %mul3A_211, %add3A_242 : i32
        %get3A_244 = arith.index_cast %shift_right_logical3A_208 : i32 to index
        %get3A_245 = arith.index_cast %add3A_243 : i32 to index
        %get3A_246 = tpu.vector_load %arg4[%get3A_244, %get3A_245] {strides = array<i32>} : memref<16x1024xf32, #tpu.memory_space<vmem>>, vector<16xf32>,
        %add3A_247 = arith.constant 112 : i32
        %add3A_248 = arith.addi %mul3A_211, %add3A_247 : i32
        %get3A_249 = arith.index_cast %shift_right_logical3A_208 : i32 to index
        %get3A_250 = arith.index_cast %add3A_248 : i32 to index
        %get3A_251 = tpu.vector_load %arg4[%get3A_249, %get3A_250] {strides = array<i32>} : memref<16x1024xf32, #tpu.memory_space<vmem>>, vector<16xf32>,
        %add3A_252 = arith.constant 128 : i32
        %add3A_253 = arith.addi %mul3A_211, %add3A_252 : i32
        %get3A_254 = arith.index_cast %shift_right_logical3A_208 : i32 to index
        %get3A_255 = arith.index_cast %add3A_253 : i32 to index
        %get3A_256 = tpu.vector_load %arg4[%get3A_254, %get3A_255] {strides = array<i32>} : memref<16x1024xf32, #tpu.memory_space<vmem>>, vector<16xf32>,
        %add3A_257 = arith.constant 144 : i32
        %add3A_258 = arith.addi %mul3A_211, %add3A_257 : i32
        %get3A_259 = arith.index_cast %shift_right_logical3A_208 : i32 to index
        %get3A_260 = arith.index_cast %add3A_258 : i32 to index
        %get3A_261 = tpu.vector_load %arg4[%get3A_259, %get3A_260] {strides = array<i32>} : memref<16x1024xf32, #tpu.memory_space<vmem>>, vector<16xf32>,
        %add3A_262 = arith.constant 160 : i32
        %add3A_263 = arith.addi %mul3A_211, %add3A_262 : i32
        %get3A_264 = arith.index_cast %shift_right_logical3A_208 : i32 to index
        %get3A_265 = arith.index_cast %add3A_263 : i32 to index
        %get3A_266 = tpu.vector_load %arg4[%get3A_264, %get3A_265] {strides = array<i32>} : memref<16x1024xf32, #tpu.memory_space<vmem>>, vector<16xf32>,
        %add3A_267 = arith.constant 176 : i32
        %add3A_268 = arith.addi %mul3A_211, %add3A_267 : i32
        %get3A_269 = arith.index_cast %shift_right_logical3A_208 : i32 to index
        %get3A_270 = arith.index_cast %add3A_268 : i32 to index
        %get3A_271 = tpu.vector_load %arg4[%get3A_269, %get3A_270] {strides = array<i32>} : memref<16x1024xf32, #tpu.memory_space<vmem>>, vector<16xf32>,
        %add3A_272 = arith.constant 192 : i32
        %add3A_273 = arith.addi %mul3A_211, %add3A_272 : i32
        %get3A_274 = arith.index_cast %shift_right_logical3A_208 : i32 to index
        %get3A_275 = arith.index_cast %add3A_273 : i32 to index
        %get3A_276 = tpu.vector_load %arg4[%get3A_274, %get3A_275] {strides = array<i32>} : memref<16x1024xf32, #tpu.memory_space<vmem>>, vector<16xf32>,
        %add3A_277 = arith.constant 208 : i32
        %add3A_278 = arith.addi %mul3A_211, %add3A_277 : i32
        %get3A_279 = arith.index_cast %shift_right_logical3A_208 : i32 to index
        %get3A_280 = arith.index_cast %add3A_278 : i32 to index
        %get3A_281 = tpu.vector_load %arg4[%get3A_279, %get3A_280] {strides = array<i32>} : memref<16x1024xf32, #tpu.memory_space<vmem>>, vector<16xf32>,
        %add3A_282 = arith.constant 224 : i32
        %add3A_283 = arith.addi %mul3A_211, %add3A_282 : i32
        %get3A_284 = arith.index_cast %shift_right_logical3A_208 : i32 to index
        %get3A_285 = arith.index_cast %add3A_283 : i32 to index
        %get3A_286 = tpu.vector_load %arg4[%get3A_284, %get3A_285] {strides = array<i32>} : memref<16x1024xf32, #tpu.memory_space<vmem>>, vector<16xf32>,
        %add3A_287 = arith.constant 240 : i32
        %add3A_288 = arith.addi %mul3A_211, %add3A_287 : i32
        %get3A_289 = arith.index_cast %shift_right_logical3A_208 : i32 to index
        %get3A_290 = arith.index_cast %add3A_288 : i32 to index
        %get3A_291 = tpu.vector_load %arg4[%get3A_289, %get3A_290] {strides = array<i32>} : memref<16x1024xf32, #tpu.memory_space<vmem>>, vector<16xf32>,
        %bitcast3A = vector.bitcast %get3A_216 : vector<16xf32> to vector<16xi32>
        %shift_right_logical3A_292 = arith.shrui %bitcast3A, %broadcast_in_dim3A_3 : vector<16xi32>
        %and3A_293 = arith.constant 65535 : i32
        %and3A_294 = vector.broadcast %and3A_293 : i32 to vector<16xi32>
        %and3A_295 = arith.andi %bitcast3A, %and3A_294 : vector<16xi32>
        %bitcast3A_296 = vector.bitcast %get3A_221 : vector<16xf32> to vector<16xi32>
        %shift_right_logical3A_297 = arith.shrui %bitcast3A_296, %broadcast_in_dim3A_3 : vector<16xi32>
        %and3A_298 = arith.constant 65535 : i32
        %and3A_299 = vector.broadcast %and3A_298 : i32 to vector<16xi32>
        %and3A_300 = arith.andi %bitcast3A_296, %and3A_299 : vector<16xi32>
        %bitcast3A_301 = vector.bitcast %get3A_226 : vector<16xf32> to vector<16xi32>
        %shift_right_logical3A_302 = arith.shrui %bitcast3A_301, %broadcast_in_dim3A_3 : vector<16xi32>
        %and3A_303 = arith.constant 65535 : i32
        %and3A_304 = vector.broadcast %and3A_303 : i32 to vector<16xi32>
        %and3A_305 = arith.andi %bitcast3A_301, %and3A_304 : vector<16xi32>
        %bitcast3A_306 = vector.bitcast %get3A_231 : vector<16xf32> to vector<16xi32>
        %shift_right_logical3A_307 = arith.shrui %bitcast3A_306, %broadcast_in_dim3A_3 : vector<16xi32>
        %and3A_308 = arith.constant 65535 : i32
        %and3A_309 = vector.broadcast %and3A_308 : i32 to vector<16xi32>
        %and3A_310 = arith.andi %bitcast3A_306, %and3A_309 : vector<16xi32>
        %bitcast3A_311 = vector.bitcast %get3A_236 : vector<16xf32> to vector<16xi32>
        %shift_right_logical3A_312 = arith.shrui %bitcast3A_311, %broadcast_in_dim3A_3 : vector<16xi32>
        %and3A_313 = arith.constant 65535 : i32
        %and3A_314 = vector.broadcast %and3A_313 : i32 to vector<16xi32>
        %and3A_315 = arith.andi %bitcast3A_311, %and3A_314 : vector<16xi32>
        %bitcast3A_316 = vector.bitcast %get3A_241 : vector<16xf32> to vector<16xi32>
        %shift_right_logical3A_317 = arith.shrui %bitcast3A_316, %broadcast_in_dim3A_3 : vector<16xi32>
        %and3A_318 = arith.constant 65535 : i32
        %and3A_319 = vector.broadcast %and3A_318 : i32 to vector<16xi32>
        %and3A_320 = arith.andi %bitcast3A_316, %and3A_319 : vector<16xi32>
        %bitcast3A_321 = vector.bitcast %get3A_246 : vector<16xf32> to vector<16xi32>
        %shift_right_logical3A_322 = arith.shrui %bitcast3A_321, %broadcast_in_dim3A_3 : vector<16xi32>
        %and3A_323 = arith.constant 65535 : i32
        %and3A_324 = vector.broadcast %and3A_323 : i32 to vector<16xi32>
        %and3A_325 = arith.andi %bitcast3A_321, %and3A_324 : vector<16xi32>
        %bitcast3A_326 = vector.bitcast %get3A_251 : vector<16xf32> to vector<16xi32>
        %shift_right_logical3A_327 = arith.shrui %bitcast3A_326, %broadcast_in_dim3A_3 : vector<16xi32>
        %and3A_328 = arith.constant 65535 : i32
        %and3A_329 = vector.broadcast %and3A_328 : i32 to vector<16xi32>
        %and3A_330 = arith.andi %bitcast3A_326, %and3A_329 : vector<16xi32>
        %bitcast3A_331 = vector.bitcast %get3A_256 : vector<16xf32> to vector<16xi32>
        %shift_right_logical3A_332 = arith.shrui %bitcast3A_331, %broadcast_in_dim3A_3 : vector<16xi32>
        %and3A_333 = arith.constant 65535 : i32
        %and3A_334 = vector.broadcast %and3A_333 : i32 to vector<16xi32>
        %and3A_335 = arith.andi %bitcast3A_331, %and3A_334 : vector<16xi32>
        %bitcast3A_336 = vector.bitcast %get3A_261 : vector<16xf32> to vector<16xi32>
        %shift_right_logical3A_337 = arith.shrui %bitcast3A_336, %broadcast_in_dim3A_3 : vector<16xi32>
        %and3A_338 = arith.constant 65535 : i32
        %and3A_339 = vector.broadcast %and3A_338 : i32 to vector<16xi32>
        %and3A_340 = arith.andi %bitcast3A_336, %and3A_339 : vector<16xi32>
        %bitcast3A_341 = vector.bitcast %get3A_266 : vector<16xf32> to vector<16xi32>
        %shift_right_logical3A_342 = arith.shrui %bitcast3A_341, %broadcast_in_dim3A_3 : vector<16xi32>
        %and3A_343 = arith.constant 65535 : i32
        %and3A_344 = vector.broadcast %and3A_343 : i32 to vector<16xi32>
        %and3A_345 = arith.andi %bitcast3A_341, %and3A_344 : vector<16xi32>
        %bitcast3A_346 = vector.bitcast %get3A_271 : vector<16xf32> to vector<16xi32>
        %shift_right_logical3A_347 = arith.shrui %bitcast3A_346, %broadcast_in_dim3A_3 : vector<16xi32>
        %and3A_348 = arith.constant 65535 : i32
        %and3A_349 = vector.broadcast %and3A_348 : i32 to vector<16xi32>
        %and3A_350 = arith.andi %bitcast3A_346, %and3A_349 : vector<16xi32>
        %bitcast3A_351 = vector.bitcast %get3A_276 : vector<16xf32> to vector<16xi32>
        %shift_right_logical3A_352 = arith.shrui %bitcast3A_351, %broadcast_in_dim3A_3 : vector<16xi32>
        %and3A_353 = arith.constant 65535 : i32
        %and3A_354 = vector.broadcast %and3A_353 : i32 to vector<16xi32>
        %and3A_355 = arith.andi %bitcast3A_351, %and3A_354 : vector<16xi32>
        %bitcast3A_356 = vector.bitcast %get3A_281 : vector<16xf32> to vector<16xi32>
        %shift_right_logical3A_357 = arith.shrui %bitcast3A_356, %broadcast_in_dim3A_3 : vector<16xi32>
        %and3A_358 = arith.constant 65535 : i32
        %and3A_359 = vector.broadcast %and3A_358 : i32 to vector<16xi32>
        %and3A_360 = arith.andi %bitcast3A_356, %and3A_359 : vector<16xi32>
        %bitcast3A_361 = vector.bitcast %get3A_286 : vector<16xf32> to vector<16xi32>
        %shift_right_logical3A_362 = arith.shrui %bitcast3A_361, %broadcast_in_dim3A_3 : vector<16xi32>
        %and3A_363 = arith.constant 65535 : i32
        %and3A_364 = vector.broadcast %and3A_363 : i32 to vector<16xi32>
        %and3A_365 = arith.andi %bitcast3A_361, %and3A_364 : vector<16xi32>
        %bitcast3A_366 = vector.bitcast %get3A_291 : vector<16xf32> to vector<16xi32>
        %shift_right_logical3A_367 = arith.shrui %bitcast3A_366, %broadcast_in_dim3A_3 : vector<16xi32>
        %and3A_368 = arith.constant 65535 : i32
        %and3A_369 = vector.broadcast %and3A_368 : i32 to vector<16xi32>
        %and3A_370 = arith.andi %bitcast3A_366, %and3A_369 : vector<16xi32>
        %eq3A_371 = arith.cmpi eq, %shift_right_logical3A_292, %get3A_68 : vector<16xi32>
        tpu.vector_store_idx %arg6[%and3A_295], %broadcast_in_dim3A_1 masked %eq3A_371 {add = true} : memref<65536xi32, #tpu.memory_space<vmem>>[vector<16xi32>], vector<16xi32>, vector<16xi1>
        %eq3A_372 = arith.cmpi eq, %shift_right_logical3A_297, %get3A_68 : vector<16xi32>
        tpu.vector_store_idx %arg6[%and3A_300], %broadcast_in_dim3A_1 masked %eq3A_372 {add = true} : memref<65536xi32, #tpu.memory_space<vmem>>[vector<16xi32>], vector<16xi32>, vector<16xi1>
        %eq3A_373 = arith.cmpi eq, %shift_right_logical3A_302, %get3A_68 : vector<16xi32>
        tpu.vector_store_idx %arg6[%and3A_305], %broadcast_in_dim3A_1 masked %eq3A_373 {add = true} : memref<65536xi32, #tpu.memory_space<vmem>>[vector<16xi32>], vector<16xi32>, vector<16xi1>
        %eq3A_374 = arith.cmpi eq, %shift_right_logical3A_307, %get3A_68 : vector<16xi32>
        tpu.vector_store_idx %arg6[%and3A_310], %broadcast_in_dim3A_1 masked %eq3A_374 {add = true} : memref<65536xi32, #tpu.memory_space<vmem>>[vector<16xi32>], vector<16xi32>, vector<16xi1>
        %eq3A_375 = arith.cmpi eq, %shift_right_logical3A_312, %get3A_68 : vector<16xi32>
        tpu.vector_store_idx %arg6[%and3A_315], %broadcast_in_dim3A_1 masked %eq3A_375 {add = true} : memref<65536xi32, #tpu.memory_space<vmem>>[vector<16xi32>], vector<16xi32>, vector<16xi1>
        %eq3A_376 = arith.cmpi eq, %shift_right_logical3A_317, %get3A_68 : vector<16xi32>
        tpu.vector_store_idx %arg6[%and3A_320], %broadcast_in_dim3A_1 masked %eq3A_376 {add = true} : memref<65536xi32, #tpu.memory_space<vmem>>[vector<16xi32>], vector<16xi32>, vector<16xi1>
        %eq3A_377 = arith.cmpi eq, %shift_right_logical3A_322, %get3A_68 : vector<16xi32>
        tpu.vector_store_idx %arg6[%and3A_325], %broadcast_in_dim3A_1 masked %eq3A_377 {add = true} : memref<65536xi32, #tpu.memory_space<vmem>>[vector<16xi32>], vector<16xi32>, vector<16xi1>
        %eq3A_378 = arith.cmpi eq, %shift_right_logical3A_327, %get3A_68 : vector<16xi32>
        tpu.vector_store_idx %arg6[%and3A_330], %broadcast_in_dim3A_1 masked %eq3A_378 {add = true} : memref<65536xi32, #tpu.memory_space<vmem>>[vector<16xi32>], vector<16xi32>, vector<16xi1>
        %eq3A_379 = arith.cmpi eq, %shift_right_logical3A_332, %get3A_68 : vector<16xi32>
        tpu.vector_store_idx %arg6[%and3A_335], %broadcast_in_dim3A_1 masked %eq3A_379 {add = true} : memref<65536xi32, #tpu.memory_space<vmem>>[vector<16xi32>], vector<16xi32>, vector<16xi1>
        %eq3A_380 = arith.cmpi eq, %shift_right_logical3A_337, %get3A_68 : vector<16xi32>
        tpu.vector_store_idx %arg6[%and3A_340], %broadcast_in_dim3A_1 masked %eq3A_380 {add = true} : memref<65536xi32, #tpu.memory_space<vmem>>[vector<16xi32>], vector<16xi32>, vector<16xi1>
        %eq3A_381 = arith.cmpi eq, %shift_right_logical3A_342, %get3A_68 : vector<16xi32>
        tpu.vector_store_idx %arg6[%and3A_345], %broadcast_in_dim3A_1 masked %eq3A_381 {add = true} : memref<65536xi32, #tpu.memory_space<vmem>>[vector<16xi32>], vector<16xi32>, vector<16xi1>
        %eq3A_382 = arith.cmpi eq, %shift_right_logical3A_347, %get3A_68 : vector<16xi32>
        tpu.vector_store_idx %arg6[%and3A_350], %broadcast_in_dim3A_1 masked %eq3A_382 {add = true} : memref<65536xi32, #tpu.memory_space<vmem>>[vector<16xi32>], vector<16xi32>, vector<16xi1>
        %eq3A_383 = arith.cmpi eq, %shift_right_logical3A_352, %get3A_68 : vector<16xi32>
        tpu.vector_store_idx %arg6[%and3A_355], %broadcast_in_dim3A_1 masked %eq3A_383 {add = true} : memref<65536xi32, #tpu.memory_space<vmem>>[vector<16xi32>], vector<16xi32>, vector<16xi1>
        %eq3A_384 = arith.cmpi eq, %shift_right_logical3A_357, %get3A_68 : vector<16xi32>
        tpu.vector_store_idx %arg6[%and3A_360], %broadcast_in_dim3A_1 masked %eq3A_384 {add = true} : memref<65536xi32, #tpu.memory_space<vmem>>[vector<16xi32>], vector<16xi32>, vector<16xi1>
        %eq3A_385 = arith.cmpi eq, %shift_right_logical3A_362, %get3A_68 : vector<16xi32>
        tpu.vector_store_idx %arg6[%and3A_365], %broadcast_in_dim3A_1 masked %eq3A_385 {add = true} : memref<65536xi32, #tpu.memory_space<vmem>>[vector<16xi32>], vector<16xi32>, vector<16xi1>
        %eq3A_386 = arith.cmpi eq, %shift_right_logical3A_367, %get3A_68 : vector<16xi32>
        tpu.vector_store_idx %arg6[%and3A_370], %broadcast_in_dim3A_1 masked %eq3A_386 {add = true} : memref<65536xi32, #tpu.memory_space<vmem>>[vector<16xi32>], vector<16xi32>, vector<16xi1>
        %scan3A_387 = arith.constant 0 : i32
        scf.yield %scan3A_387 : i32
      }
      %scan3A_178 = arith.constant 64 : i32
      %add3A_179 = arith.constant 2 : i32
      %add3A_180 = arith.addi %mul3A_155, %add3A_179 : i32
      %min3A = arith.constant 30 : i32
      %min3A_181 = arith.minsi %add3A_180, %min3A : i32
      %mul3A_182 = arith.constant 16 : i32
      %mul3A_183 = arith.muli %min3A_181, %mul3A_182 : i32
      %add3A_184 = arith.addi %mul3A_0, %mul3A_183 : i32
      %dma_start3A_185 = arith.constant 0 : i32
      %dma_start3A_186 = tpu.memref_slice %arg2[%add3A_184, %dma_start3A_185] : memref<8192x1024xf32, #tpu.memory_space<hbm>> -> memref<16x1024xf32, #tpu.memory_space<hbm>>
      %dma_start3A_187 = arith.constant 0 : i32
      %dma_start3A_188 = tpu.memref_slice %arg2[%add3A_184, %dma_start3A_187] : memref<8192x1024xf32, #tpu.memory_space<hbm>> -> memref<16x1024xf32, #tpu.memory_space<hbm>>
      tpu.enqueue_dma source(%dma_start3A_188 : memref<16x1024xf32, #tpu.memory_space<hbm>>) target(%arg4 : memref<16x1024xf32, #tpu.memory_space<vmem>>) target_semaphore(%arg16 : memref<!tpu.dma_semaphore, #tpu.memory_space<semaphore_mem>>)
      %add3A_189 = arith.constant 1 : i32
      %add3A_190 = arith.addi %mul3A_155, %add3A_189 : i32
      %mul3A_191 = arith.constant 16 : i32
      %mul3A_192 = arith.muli %add3A_190, %mul3A_191 : i32
      %add3A_193 = arith.addi %mul3A_0, %mul3A_192 : i32
      %dma_wait3A_194 = arith.constant 0 : i32
      %dma_wait3A_195 = tpu.memref_slice %arg2[%add3A_193, %dma_wait3A_194] : memref<8192x1024xf32, #tpu.memory_space<hbm>> -> memref<16x1024xf32, #tpu.memory_space<hbm>>
      %dma_wait3A_196 = arith.constant 0 : i32
      %dma_wait3A_197 = tpu.memref_slice %arg2[%add3A_193, %dma_wait3A_196] : memref<8192x1024xf32, #tpu.memory_space<hbm>> -> memref<16x1024xf32, #tpu.memory_space<hbm>>
      tpu.wait_dma2 semaphore(%arg17 : memref<!tpu.dma_semaphore, #tpu.memory_space<semaphore_mem>>) src(%dma_wait3A_197 : memref<16x1024xf32, #tpu.memory_space<hbm>>) dst(%arg5 : memref<16x1024xf32, #tpu.memory_space<vmem>>)
      %scan3A_198 = arith.constant 0 : i32
      %scan3A_199 = arith.constant 0 : i32
      %scan3A_200 = arith.constant 64 : i32
      %scan3A_201 = arith.addi %scan3A_199, %scan3A_200 : i32
      %scan3A_202 = arith.constant 1 : i32
      %scan3A_203 = scf.for %scan3A_206 = %scan3A_199 to %scan3A_201 step %scan3A_202 iter_args(%scan3A_207 = %scan3A_198) -> (i32)  : i32 {
        %shift_right_logical3A = arith.constant 2 : i32
        %shift_right_logical3A_208 = arith.shrui %scan3A_206, %shift_right_logical3A : i32
        %and3A = arith.constant 3 : i32
        %and3A_209 = arith.andi %scan3A_206, %and3A : i32
        %mul3A_210 = arith.constant 256 : i32
        %mul3A_211 = arith.muli %and3A_209, %mul3A_210 : i32
        %add3A_212 = arith.constant 0 : i32
        %add3A_213 = arith.addi %mul3A_211, %add3A_212 : i32
        %get3A_214 = arith.index_cast %shift_right_logical3A_208 : i32 to index
        %get3A_215 = arith.index_cast %add3A_213 : i32 to index
        %get3A_216 = tpu.vector_load %arg5[%get3A_214, %get3A_215] {strides = array<i32>} : memref<16x1024xf32, #tpu.memory_space<vmem>>, vector<16xf32>,
        %add3A_217 = arith.constant 16 : i32
        %add3A_218 = arith.addi %mul3A_211, %add3A_217 : i32
        %get3A_219 = arith.index_cast %shift_right_logical3A_208 : i32 to index
        %get3A_220 = arith.index_cast %add3A_218 : i32 to index
        %get3A_221 = tpu.vector_load %arg5[%get3A_219, %get3A_220] {strides = array<i32>} : memref<16x1024xf32, #tpu.memory_space<vmem>>, vector<16xf32>,
        %add3A_222 = arith.constant 32 : i32
        %add3A_223 = arith.addi %mul3A_211, %add3A_222 : i32
        %get3A_224 = arith.index_cast %shift_right_logical3A_208 : i32 to index
        %get3A_225 = arith.index_cast %add3A_223 : i32 to index
        %get3A_226 = tpu.vector_load %arg5[%get3A_224, %get3A_225] {strides = array<i32>} : memref<16x1024xf32, #tpu.memory_space<vmem>>, vector<16xf32>,
        %add3A_227 = arith.constant 48 : i32
        %add3A_228 = arith.addi %mul3A_211, %add3A_227 : i32
        %get3A_229 = arith.index_cast %shift_right_logical3A_208 : i32 to index
        %get3A_230 = arith.index_cast %add3A_228 : i32 to index
        %get3A_231 = tpu.vector_load %arg5[%get3A_229, %get3A_230] {strides = array<i32>} : memref<16x1024xf32, #tpu.memory_space<vmem>>, vector<16xf32>,
        %add3A_232 = arith.constant 64 : i32
        %add3A_233 = arith.addi %mul3A_211, %add3A_232 : i32
        %get3A_234 = arith.index_cast %shift_right_logical3A_208 : i32 to index
        %get3A_235 = arith.index_cast %add3A_233 : i32 to index
        %get3A_236 = tpu.vector_load %arg5[%get3A_234, %get3A_235] {strides = array<i32>} : memref<16x1024xf32, #tpu.memory_space<vmem>>, vector<16xf32>,
        %add3A_237 = arith.constant 80 : i32
        %add3A_238 = arith.addi %mul3A_211, %add3A_237 : i32
        %get3A_239 = arith.index_cast %shift_right_logical3A_208 : i32 to index
        %get3A_240 = arith.index_cast %add3A_238 : i32 to index
        %get3A_241 = tpu.vector_load %arg5[%get3A_239, %get3A_240] {strides = array<i32>} : memref<16x1024xf32, #tpu.memory_space<vmem>>, vector<16xf32>,
        %add3A_242 = arith.constant 96 : i32
        %add3A_243 = arith.addi %mul3A_211, %add3A_242 : i32
        %get3A_244 = arith.index_cast %shift_right_logical3A_208 : i32 to index
        %get3A_245 = arith.index_cast %add3A_243 : i32 to index
        %get3A_246 = tpu.vector_load %arg5[%get3A_244, %get3A_245] {strides = array<i32>} : memref<16x1024xf32, #tpu.memory_space<vmem>>, vector<16xf32>,
        %add3A_247 = arith.constant 112 : i32
        %add3A_248 = arith.addi %mul3A_211, %add3A_247 : i32
        %get3A_249 = arith.index_cast %shift_right_logical3A_208 : i32 to index
        %get3A_250 = arith.index_cast %add3A_248 : i32 to index
        %get3A_251 = tpu.vector_load %arg5[%get3A_249, %get3A_250] {strides = array<i32>} : memref<16x1024xf32, #tpu.memory_space<vmem>>, vector<16xf32>,
        %add3A_252 = arith.constant 128 : i32
        %add3A_253 = arith.addi %mul3A_211, %add3A_252 : i32
        %get3A_254 = arith.index_cast %shift_right_logical3A_208 : i32 to index
        %get3A_255 = arith.index_cast %add3A_253 : i32 to index
        %get3A_256 = tpu.vector_load %arg5[%get3A_254, %get3A_255] {strides = array<i32>} : memref<16x1024xf32, #tpu.memory_space<vmem>>, vector<16xf32>,
        %add3A_257 = arith.constant 144 : i32
        %add3A_258 = arith.addi %mul3A_211, %add3A_257 : i32
        %get3A_259 = arith.index_cast %shift_right_logical3A_208 : i32 to index
        %get3A_260 = arith.index_cast %add3A_258 : i32 to index
        %get3A_261 = tpu.vector_load %arg5[%get3A_259, %get3A_260] {strides = array<i32>} : memref<16x1024xf32, #tpu.memory_space<vmem>>, vector<16xf32>,
        %add3A_262 = arith.constant 160 : i32
        %add3A_263 = arith.addi %mul3A_211, %add3A_262 : i32
        %get3A_264 = arith.index_cast %shift_right_logical3A_208 : i32 to index
        %get3A_265 = arith.index_cast %add3A_263 : i32 to index
        %get3A_266 = tpu.vector_load %arg5[%get3A_264, %get3A_265] {strides = array<i32>} : memref<16x1024xf32, #tpu.memory_space<vmem>>, vector<16xf32>,
        %add3A_267 = arith.constant 176 : i32
        %add3A_268 = arith.addi %mul3A_211, %add3A_267 : i32
        %get3A_269 = arith.index_cast %shift_right_logical3A_208 : i32 to index
        %get3A_270 = arith.index_cast %add3A_268 : i32 to index
        %get3A_271 = tpu.vector_load %arg5[%get3A_269, %get3A_270] {strides = array<i32>} : memref<16x1024xf32, #tpu.memory_space<vmem>>, vector<16xf32>,
        %add3A_272 = arith.constant 192 : i32
        %add3A_273 = arith.addi %mul3A_211, %add3A_272 : i32
        %get3A_274 = arith.index_cast %shift_right_logical3A_208 : i32 to index
        %get3A_275 = arith.index_cast %add3A_273 : i32 to index
        %get3A_276 = tpu.vector_load %arg5[%get3A_274, %get3A_275] {strides = array<i32>} : memref<16x1024xf32, #tpu.memory_space<vmem>>, vector<16xf32>,
        %add3A_277 = arith.constant 208 : i32
        %add3A_278 = arith.addi %mul3A_211, %add3A_277 : i32
        %get3A_279 = arith.index_cast %shift_right_logical3A_208 : i32 to index
        %get3A_280 = arith.index_cast %add3A_278 : i32 to index
        %get3A_281 = tpu.vector_load %arg5[%get3A_279, %get3A_280] {strides = array<i32>} : memref<16x1024xf32, #tpu.memory_space<vmem>>, vector<16xf32>,
        %add3A_282 = arith.constant 224 : i32
        %add3A_283 = arith.addi %mul3A_211, %add3A_282 : i32
        %get3A_284 = arith.index_cast %shift_right_logical3A_208 : i32 to index
        %get3A_285 = arith.index_cast %add3A_283 : i32 to index
        %get3A_286 = tpu.vector_load %arg5[%get3A_284, %get3A_285] {strides = array<i32>} : memref<16x1024xf32, #tpu.memory_space<vmem>>, vector<16xf32>,
        %add3A_287 = arith.constant 240 : i32
        %add3A_288 = arith.addi %mul3A_211, %add3A_287 : i32
        %get3A_289 = arith.index_cast %shift_right_logical3A_208 : i32 to index
        %get3A_290 = arith.index_cast %add3A_288 : i32 to index
        %get3A_291 = tpu.vector_load %arg5[%get3A_289, %get3A_290] {strides = array<i32>} : memref<16x1024xf32, #tpu.memory_space<vmem>>, vector<16xf32>,
        %bitcast3A = vector.bitcast %get3A_216 : vector<16xf32> to vector<16xi32>
        %shift_right_logical3A_292 = arith.shrui %bitcast3A, %broadcast_in_dim3A_3 : vector<16xi32>
        %and3A_293 = arith.constant 65535 : i32
        %and3A_294 = vector.broadcast %and3A_293 : i32 to vector<16xi32>
        %and3A_295 = arith.andi %bitcast3A, %and3A_294 : vector<16xi32>
        %bitcast3A_296 = vector.bitcast %get3A_221 : vector<16xf32> to vector<16xi32>
        %shift_right_logical3A_297 = arith.shrui %bitcast3A_296, %broadcast_in_dim3A_3 : vector<16xi32>
        %and3A_298 = arith.constant 65535 : i32
        %and3A_299 = vector.broadcast %and3A_298 : i32 to vector<16xi32>
        %and3A_300 = arith.andi %bitcast3A_296, %and3A_299 : vector<16xi32>
        %bitcast3A_301 = vector.bitcast %get3A_226 : vector<16xf32> to vector<16xi32>
        %shift_right_logical3A_302 = arith.shrui %bitcast3A_301, %broadcast_in_dim3A_3 : vector<16xi32>
        %and3A_303 = arith.constant 65535 : i32
        %and3A_304 = vector.broadcast %and3A_303 : i32 to vector<16xi32>
        %and3A_305 = arith.andi %bitcast3A_301, %and3A_304 : vector<16xi32>
        %bitcast3A_306 = vector.bitcast %get3A_231 : vector<16xf32> to vector<16xi32>
        %shift_right_logical3A_307 = arith.shrui %bitcast3A_306, %broadcast_in_dim3A_3 : vector<16xi32>
        %and3A_308 = arith.constant 65535 : i32
        %and3A_309 = vector.broadcast %and3A_308 : i32 to vector<16xi32>
        %and3A_310 = arith.andi %bitcast3A_306, %and3A_309 : vector<16xi32>
        %bitcast3A_311 = vector.bitcast %get3A_236 : vector<16xf32> to vector<16xi32>
        %shift_right_logical3A_312 = arith.shrui %bitcast3A_311, %broadcast_in_dim3A_3 : vector<16xi32>
        %and3A_313 = arith.constant 65535 : i32
        %and3A_314 = vector.broadcast %and3A_313 : i32 to vector<16xi32>
        %and3A_315 = arith.andi %bitcast3A_311, %and3A_314 : vector<16xi32>
        %bitcast3A_316 = vector.bitcast %get3A_241 : vector<16xf32> to vector<16xi32>
        %shift_right_logical3A_317 = arith.shrui %bitcast3A_316, %broadcast_in_dim3A_3 : vector<16xi32>
        %and3A_318 = arith.constant 65535 : i32
        %and3A_319 = vector.broadcast %and3A_318 : i32 to vector<16xi32>
        %and3A_320 = arith.andi %bitcast3A_316, %and3A_319 : vector<16xi32>
        %bitcast3A_321 = vector.bitcast %get3A_246 : vector<16xf32> to vector<16xi32>
        %shift_right_logical3A_322 = arith.shrui %bitcast3A_321, %broadcast_in_dim3A_3 : vector<16xi32>
        %and3A_323 = arith.constant 65535 : i32
        %and3A_324 = vector.broadcast %and3A_323 : i32 to vector<16xi32>
        %and3A_325 = arith.andi %bitcast3A_321, %and3A_324 : vector<16xi32>
        %bitcast3A_326 = vector.bitcast %get3A_251 : vector<16xf32> to vector<16xi32>
        %shift_right_logical3A_327 = arith.shrui %bitcast3A_326, %broadcast_in_dim3A_3 : vector<16xi32>
        %and3A_328 = arith.constant 65535 : i32
        %and3A_329 = vector.broadcast %and3A_328 : i32 to vector<16xi32>
        %and3A_330 = arith.andi %bitcast3A_326, %and3A_329 : vector<16xi32>
        %bitcast3A_331 = vector.bitcast %get3A_256 : vector<16xf32> to vector<16xi32>
        %shift_right_logical3A_332 = arith.shrui %bitcast3A_331, %broadcast_in_dim3A_3 : vector<16xi32>
        %and3A_333 = arith.constant 65535 : i32
        %and3A_334 = vector.broadcast %and3A_333 : i32 to vector<16xi32>
        %and3A_335 = arith.andi %bitcast3A_331, %and3A_334 : vector<16xi32>
        %bitcast3A_336 = vector.bitcast %get3A_261 : vector<16xf32> to vector<16xi32>
        %shift_right_logical3A_337 = arith.shrui %bitcast3A_336, %broadcast_in_dim3A_3 : vector<16xi32>
        %and3A_338 = arith.constant 65535 : i32
        %and3A_339 = vector.broadcast %and3A_338 : i32 to vector<16xi32>
        %and3A_340 = arith.andi %bitcast3A_336, %and3A_339 : vector<16xi32>
        %bitcast3A_341 = vector.bitcast %get3A_266 : vector<16xf32> to vector<16xi32>
        %shift_right_logical3A_342 = arith.shrui %bitcast3A_341, %broadcast_in_dim3A_3 : vector<16xi32>
        %and3A_343 = arith.constant 65535 : i32
        %and3A_344 = vector.broadcast %and3A_343 : i32 to vector<16xi32>
        %and3A_345 = arith.andi %bitcast3A_341, %and3A_344 : vector<16xi32>
        %bitcast3A_346 = vector.bitcast %get3A_271 : vector<16xf32> to vector<16xi32>
        %shift_right_logical3A_347 = arith.shrui %bitcast3A_346, %broadcast_in_dim3A_3 : vector<16xi32>
        %and3A_348 = arith.constant 65535 : i32
        %and3A_349 = vector.broadcast %and3A_348 : i32 to vector<16xi32>
        %and3A_350 = arith.andi %bitcast3A_346, %and3A_349 : vector<16xi32>
        %bitcast3A_351 = vector.bitcast %get3A_276 : vector<16xf32> to vector<16xi32>
        %shift_right_logical3A_352 = arith.shrui %bitcast3A_351, %broadcast_in_dim3A_3 : vector<16xi32>
        %and3A_353 = arith.constant 65535 : i32
        %and3A_354 = vector.broadcast %and3A_353 : i32 to vector<16xi32>
        %and3A_355 = arith.andi %bitcast3A_351, %and3A_354 : vector<16xi32>
        %bitcast3A_356 = vector.bitcast %get3A_281 : vector<16xf32> to vector<16xi32>
        %shift_right_logical3A_357 = arith.shrui %bitcast3A_356, %broadcast_in_dim3A_3 : vector<16xi32>
        %and3A_358 = arith.constant 65535 : i32
        %and3A_359 = vector.broadcast %and3A_358 : i32 to vector<16xi32>
        %and3A_360 = arith.andi %bitcast3A_356, %and3A_359 : vector<16xi32>
        %bitcast3A_361 = vector.bitcast %get3A_286 : vector<16xf32> to vector<16xi32>
        %shift_right_logical3A_362 = arith.shrui %bitcast3A_361, %broadcast_in_dim3A_3 : vector<16xi32>
        %and3A_363 = arith.constant 65535 : i32
        %and3A_364 = vector.broadcast %and3A_363 : i32 to vector<16xi32>
        %and3A_365 = arith.andi %bitcast3A_361, %and3A_364 : vector<16xi32>
        %bitcast3A_366 = vector.bitcast %get3A_291 : vector<16xf32> to vector<16xi32>
        %shift_right_logical3A_367 = arith.shrui %bitcast3A_366, %broadcast_in_dim3A_3 : vector<16xi32>
        %and3A_368 = arith.constant 65535 : i32
        %and3A_369 = vector.broadcast %and3A_368 : i32 to vector<16xi32>
        %and3A_370 = arith.andi %bitcast3A_366, %and3A_369 : vector<16xi32>
        %eq3A_371 = arith.cmpi eq, %shift_right_logical3A_292, %get3A_68 : vector<16xi32>
        tpu.vector_store_idx %arg6[%and3A_295], %broadcast_in_dim3A_1 masked %eq3A_371 {add = true} : memref<65536xi32, #tpu.memory_space<vmem>>[vector<16xi32>], vector<16xi32>, vector<16xi1>
        %eq3A_372 = arith.cmpi eq, %shift_right_logical3A_297, %get3A_68 : vector<16xi32>
        tpu.vector_store_idx %arg6[%and3A_300], %broadcast_in_dim3A_1 masked %eq3A_372 {add = true} : memref<65536xi32, #tpu.memory_space<vmem>>[vector<16xi32>], vector<16xi32>, vector<16xi1>
        %eq3A_373 = arith.cmpi eq, %shift_right_logical3A_302, %get3A_68 : vector<16xi32>
        tpu.vector_store_idx %arg6[%and3A_305], %broadcast_in_dim3A_1 masked %eq3A_373 {add = true} : memref<65536xi32, #tpu.memory_space<vmem>>[vector<16xi32>], vector<16xi32>, vector<16xi1>
        %eq3A_374 = arith.cmpi eq, %shift_right_logical3A_307, %get3A_68 : vector<16xi32>
        tpu.vector_store_idx %arg6[%and3A_310], %broadcast_in_dim3A_1 masked %eq3A_374 {add = true} : memref<65536xi32, #tpu.memory_space<vmem>>[vector<16xi32>], vector<16xi32>, vector<16xi1>
        %eq3A_375 = arith.cmpi eq, %shift_right_logical3A_312, %get3A_68 : vector<16xi32>
        tpu.vector_store_idx %arg6[%and3A_315], %broadcast_in_dim3A_1 masked %eq3A_375 {add = true} : memref<65536xi32, #tpu.memory_space<vmem>>[vector<16xi32>], vector<16xi32>, vector<16xi1>
        %eq3A_376 = arith.cmpi eq, %shift_right_logical3A_317, %get3A_68 : vector<16xi32>
        tpu.vector_store_idx %arg6[%and3A_320], %broadcast_in_dim3A_1 masked %eq3A_376 {add = true} : memref<65536xi32, #tpu.memory_space<vmem>>[vector<16xi32>], vector<16xi32>, vector<16xi1>
        %eq3A_377 = arith.cmpi eq, %shift_right_logical3A_322, %get3A_68 : vector<16xi32>
        tpu.vector_store_idx %arg6[%and3A_325], %broadcast_in_dim3A_1 masked %eq3A_377 {add = true} : memref<65536xi32, #tpu.memory_space<vmem>>[vector<16xi32>], vector<16xi32>, vector<16xi1>
        %eq3A_378 = arith.cmpi eq, %shift_right_logical3A_327, %get3A_68 : vector<16xi32>
        tpu.vector_store_idx %arg6[%and3A_330], %broadcast_in_dim3A_1 masked %eq3A_378 {add = true} : memref<65536xi32, #tpu.memory_space<vmem>>[vector<16xi32>], vector<16xi32>, vector<16xi1>
        %eq3A_379 = arith.cmpi eq, %shift_right_logical3A_332, %get3A_68 : vector<16xi32>
        tpu.vector_store_idx %arg6[%and3A_335], %broadcast_in_dim3A_1 masked %eq3A_379 {add = true} : memref<65536xi32, #tpu.memory_space<vmem>>[vector<16xi32>], vector<16xi32>, vector<16xi1>
        %eq3A_380 = arith.cmpi eq, %shift_right_logical3A_337, %get3A_68 : vector<16xi32>
        tpu.vector_store_idx %arg6[%and3A_340], %broadcast_in_dim3A_1 masked %eq3A_380 {add = true} : memref<65536xi32, #tpu.memory_space<vmem>>[vector<16xi32>], vector<16xi32>, vector<16xi1>
        %eq3A_381 = arith.cmpi eq, %shift_right_logical3A_342, %get3A_68 : vector<16xi32>
        tpu.vector_store_idx %arg6[%and3A_345], %broadcast_in_dim3A_1 masked %eq3A_381 {add = true} : memref<65536xi32, #tpu.memory_space<vmem>>[vector<16xi32>], vector<16xi32>, vector<16xi1>
        %eq3A_382 = arith.cmpi eq, %shift_right_logical3A_347, %get3A_68 : vector<16xi32>
        tpu.vector_store_idx %arg6[%and3A_350], %broadcast_in_dim3A_1 masked %eq3A_382 {add = true} : memref<65536xi32, #tpu.memory_space<vmem>>[vector<16xi32>], vector<16xi32>, vector<16xi1>
        %eq3A_383 = arith.cmpi eq, %shift_right_logical3A_352, %get3A_68 : vector<16xi32>
        tpu.vector_store_idx %arg6[%and3A_355], %broadcast_in_dim3A_1 masked %eq3A_383 {add = true} : memref<65536xi32, #tpu.memory_space<vmem>>[vector<16xi32>], vector<16xi32>, vector<16xi1>
        %eq3A_384 = arith.cmpi eq, %shift_right_logical3A_357, %get3A_68 : vector<16xi32>
        tpu.vector_store_idx %arg6[%and3A_360], %broadcast_in_dim3A_1 masked %eq3A_384 {add = true} : memref<65536xi32, #tpu.memory_space<vmem>>[vector<16xi32>], vector<16xi32>, vector<16xi1>
        %eq3A_385 = arith.cmpi eq, %shift_right_logical3A_362, %get3A_68 : vector<16xi32>
        tpu.vector_store_idx %arg6[%and3A_365], %broadcast_in_dim3A_1 masked %eq3A_385 {add = true} : memref<65536xi32, #tpu.memory_space<vmem>>[vector<16xi32>], vector<16xi32>, vector<16xi1>
        %eq3A_386 = arith.cmpi eq, %shift_right_logical3A_367, %get3A_68 : vector<16xi32>
        tpu.vector_store_idx %arg6[%and3A_370], %broadcast_in_dim3A_1 masked %eq3A_386 {add = true} : memref<65536xi32, #tpu.memory_space<vmem>>[vector<16xi32>], vector<16xi32>, vector<16xi1>
        %scan3A_387 = arith.constant 0 : i32
        scf.yield %scan3A_387 : i32
      }
      %scan3A_204 = arith.constant 64 : i32
      %scan3A_205 = arith.constant 0 : i32
      scf.yield %scan3A_205 : i32
    }
    %scan3A_97 = arith.constant 16 : i32
    %add3A_98 = arith.constant 480 : i32
    %add3A_99 = arith.addi %mul3A_0, %add3A_98 : i32
    %dma_wait3A_100 = arith.constant 0 : i32
    %dma_wait3A_101 = tpu.memref_slice %arg2[%add3A_99, %dma_wait3A_100] : memref<8192x1024xf32, #tpu.memory_space<hbm>> -> memref<16x1024xf32, #tpu.memory_space<hbm>>
    %dma_wait3A_102 = arith.constant 0 : i32
    %dma_wait3A_103 = tpu.memref_slice %arg2[%add3A_99, %dma_wait3A_102] : memref<8192x1024xf32, #tpu.memory_space<hbm>> -> memref<16x1024xf32, #tpu.memory_space<hbm>>
    tpu.wait_dma2 semaphore(%arg16 : memref<!tpu.dma_semaphore, #tpu.memory_space<semaphore_mem>>) src(%dma_wait3A_103 : memref<16x1024xf32, #tpu.memory_space<hbm>>) dst(%arg4 : memref<16x1024xf32, #tpu.memory_space<vmem>>)
    %scan3A_104 = arith.constant 0 : i32
    %scan3A_105 = arith.constant 16 : i32
    %scan3A_106 = arith.addi %scan3A_104, %scan3A_105 : i32
    %scan3A_107 = arith.constant 1 : i32
    %scan3A_108 = scf.for %scan3A_152 = %scan3A_104 to %scan3A_106 step %scan3A_107 iter_args(%scan3A_153 = %broadcast_in_dim3A_5) -> (vector<16xi32>)  : i32 {
      %scan3A_154 = arith.constant 0 : i32
      %scan3A_155 = arith.constant 256 : i32
      %scan3A_156 = arith.addi %scan3A_154, %scan3A_155 : i32
      %scan3A_157 = arith.constant 8 : i32
      %scan3A_158 = scf.for %scan3A_171 = %scan3A_154 to %scan3A_156 step %scan3A_157 iter_args(%scan3A_172 = %broadcast_in_dim3A_5) -> (vector<16xi32>)  : i32 {
        %mul3A_173 = arith.constant 4096 : i32
        %mul3A_174 = arith.muli %scan3A_152, %mul3A_173 : i32
        %mul3A_175 = arith.constant 16 : i32
        %mul3A_176 = arith.muli %scan3A_171, %mul3A_175 : i32
        %add3A_177 = arith.addi %mul3A_174, %mul3A_176 : i32
        %get3A_178 = arith.index_cast %add3A_177 : i32 to index
        %get3A_179 = tpu.vector_load %arg6[%get3A_178] {strides = array<i32>} : memref<65536xi32, #tpu.memory_space<vmem>>, vector<16xi32>,
        %add3A_180 = arith.addi %scan3A_172, %get3A_179 : vector<16xi32>
        %scan3A_181 = arith.constant 1 : i32
        %scan3A_182 = arith.addi %scan3A_171, %scan3A_181 : i32
        %mul3A_183 = arith.constant 4096 : i32
        %mul3A_184 = arith.muli %scan3A_152, %mul3A_183 : i32
        %mul3A_185 = arith.constant 16 : i32
        %mul3A_186 = arith.muli %scan3A_182, %mul3A_185 : i32
        %add3A_187 = arith.addi %mul3A_184, %mul3A_186 : i32
        %get3A_188 = arith.index_cast %add3A_187 : i32 to index
        %get3A_189 = tpu.vector_load %arg6[%get3A_188] {strides = array<i32>} : memref<65536xi32, #tpu.memory_space<vmem>>, vector<16xi32>,
        %add3A_190 = arith.addi %add3A_180, %get3A_189 : vector<16xi32>
        %scan3A_191 = arith.constant 2 : i32
        %scan3A_192 = arith.addi %scan3A_171, %scan3A_191 : i32
        %mul3A_193 = arith.constant 4096 : i32
        %mul3A_194 = arith.muli %scan3A_152, %mul3A_193 : i32
        %mul3A_195 = arith.constant 16 : i32
        %mul3A_196 = arith.muli %scan3A_192, %mul3A_195 : i32
        %add3A_197 = arith.addi %mul3A_194, %mul3A_196 : i32
        %get3A_198 = arith.index_cast %add3A_197 : i32 to index
        %get3A_199 = tpu.vector_load %arg6[%get3A_198] {strides = array<i32>} : memref<65536xi32, #tpu.memory_space<vmem>>, vector<16xi32>,
        %add3A_200 = arith.addi %add3A_190, %get3A_199 : vector<16xi32>
        %scan3A_201 = arith.constant 3 : i32
        %scan3A_202 = arith.addi %scan3A_171, %scan3A_201 : i32
        %mul3A_203 = arith.constant 4096 : i32
        %mul3A_204 = arith.muli %scan3A_152, %mul3A_203 : i32
        %mul3A_205 = arith.constant 16 : i32
        %mul3A_206 = arith.muli %scan3A_202, %mul3A_205 : i32
        %add3A_207 = arith.addi %mul3A_204, %mul3A_206 : i32
        %get3A_208 = arith.index_cast %add3A_207 : i32 to index
        %get3A_209 = tpu.vector_load %arg6[%get3A_208] {strides = array<i32>} : memref<65536xi32, #tpu.memory_space<vmem>>, vector<16xi32>,
        %add3A_210 = arith.addi %add3A_200, %get3A_209 : vector<16xi32>
        %scan3A_211 = arith.constant 4 : i32
        %scan3A_212 = arith.addi %scan3A_171, %scan3A_211 : i32
        %mul3A_213 = arith.constant 4096 : i32
        %mul3A_214 = arith.muli %scan3A_152, %mul3A_213 : i32
        %mul3A_215 = arith.constant 16 : i32
        %mul3A_216 = arith.muli %scan3A_212, %mul3A_215 : i32
        %add3A_217 = arith.addi %mul3A_214, %mul3A_216 : i32
        %get3A_218 = arith.index_cast %add3A_217 : i32 to index
        %get3A_219 = tpu.vector_load %arg6[%get3A_218] {strides = array<i32>} : memref<65536xi32, #tpu.memory_space<vmem>>, vector<16xi32>,
        %add3A_220 = arith.addi %add3A_210, %get3A_219 : vector<16xi32>
        %scan3A_221 = arith.constant 5 : i32
        %scan3A_222 = arith.addi %scan3A_171, %scan3A_221 : i32
        %mul3A_223 = arith.constant 4096 : i32
        %mul3A_224 = arith.muli %scan3A_152, %mul3A_223 : i32
        %mul3A_225 = arith.constant 16 : i32
        %mul3A_226 = arith.muli %scan3A_222, %mul3A_225 : i32
        %add3A_227 = arith.addi %mul3A_224, %mul3A_226 : i32
        %get3A_228 = arith.index_cast %add3A_227 : i32 to index
        %get3A_229 = tpu.vector_load %arg6[%get3A_228] {strides = array<i32>} : memref<65536xi32, #tpu.memory_space<vmem>>, vector<16xi32>,
        %add3A_230 = arith.addi %add3A_220, %get3A_229 : vector<16xi32>
        %scan3A_231 = arith.constant 6 : i32
        %scan3A_232 = arith.addi %scan3A_171, %scan3A_231 : i32
        %mul3A_233 = arith.constant 4096 : i32
        %mul3A_234 = arith.muli %scan3A_152, %mul3A_233 : i32
        %mul3A_235 = arith.constant 16 : i32
        %mul3A_236 = arith.muli %scan3A_232, %mul3A_235 : i32
        %add3A_237 = arith.addi %mul3A_234, %mul3A_236 : i32
        %get3A_238 = arith.index_cast %add3A_237 : i32 to index
        %get3A_239 = tpu.vector_load %arg6[%get3A_238] {strides = array<i32>} : memref<65536xi32, #tpu.memory_space<vmem>>, vector<16xi32>,
        %add3A_240 = arith.addi %add3A_230, %get3A_239 : vector<16xi32>
        %scan3A_241 = arith.constant 7 : i32
        %scan3A_242 = arith.addi %scan3A_171, %scan3A_241 : i32
        %mul3A_243 = arith.constant 4096 : i32
        %mul3A_244 = arith.muli %scan3A_152, %mul3A_243 : i32
        %mul3A_245 = arith.constant 16 : i32
        %mul3A_246 = arith.muli %scan3A_242, %mul3A_245 : i32
        %add3A_247 = arith.addi %mul3A_244, %mul3A_246 : i32
        %get3A_248 = arith.index_cast %add3A_247 : i32 to index
        %get3A_249 = tpu.vector_load %arg6[%get3A_248] {strides = array<i32>} : memref<65536xi32, #tpu.memory_space<vmem>>, vector<16xi32>,
        %add3A_250 = arith.addi %add3A_240, %get3A_249 : vector<16xi32>
        scf.yield %add3A_250 : vector<16xi32>
      }
      %scan3A_159 = arith.constant 256 : i32
      %eq3A_160 = vector.broadcast %scan3A_152 : i32 to vector<16xi32>
      %eq3A_161 = arith.cmpi eq, %iota3A, %eq3A_160 : vector<16xi32>
      %reduce_sum3A_162 = arith.constant true
      %reduce_sum3A_163 = vector.broadcast %reduce_sum3A_162 : i1 to vector<16xi1>
      %reduce_sum3A_164 = tpu.scan <sum>, %scan3A_158 masked %reduce_sum3A_163 : vector<16xi32>, vector<16xi1> -> vector<16xi32>
      %reduce_sum3A_165 = vector.extract %reduce_sum3A_164[15] : i32 from vector<16xi32>
      %jit3A_166 = arith.constant 0 : i32
      %broadcast_in_dim3A_167 = vector.broadcast %reduce_sum3A_165 : i32 to vector<16xi32>
      %broadcast_in_dim3A_168 = vector.broadcast %jit3A_166 : i32 to vector<16xi32>
      %select_n3A_169 = arith.select %eq3A_161, %broadcast_in_dim3A_167, %broadcast_in_dim3A_168 : vector<16xi1>, vector<16xi32>
      %add3A_170 = arith.addi %scan3A_153, %select_n3A_169 : vector<16xi32>
      scf.yield %add3A_170 : vector<16xi32>
    }
    %scan3A_109 = arith.constant 16 : i32
    %swap3A_110 = arith.constant 0 : index
    %swap3A_111 = tpu.vector_load %arg9[%swap3A_110] {strides = array<i32>} : memref<16xi32, #tpu.memory_space<vmem>>, vector<16xi32>,
    tpu.vector_store %arg9[%swap3A_110], %scan3A_108 {strides = array<i32>} : memref<16xi32, #tpu.memory_space<vmem>>, vector<16xi32>,
    "tpu.region"() ({
      %run_scoped3A = tpu.sem_alloc : memref<!tpu.dma_semaphore, #tpu.memory_space<semaphore_mem>>
      %dma_start3A_152 = arith.constant 0 : i32
      %dma_start3A_153 = tpu.memref_slice %arg13[%arg1, %dma_start3A_152] : memref<16x16xi32, #tpu.memory_space<vmem_shared>> -> memref<1x16xi32, #tpu.memory_space<vmem_shared>>
      %dma_start3A_154 = tpu.memref_squeeze %dma_start3A_153 : memref<1x16xi32, #tpu.memory_space<vmem_shared>> -> memref<16xi32, #tpu.memory_space<vmem_shared>>
      %dma_start3A_155 = arith.constant 0 : i32
      %dma_start3A_156 = tpu.memref_slice %arg13[%arg1, %dma_start3A_155] : memref<16x16xi32, #tpu.memory_space<vmem_shared>> -> memref<1x16xi32, #tpu.memory_space<vmem_shared>>
      %dma_start3A_157 = tpu.memref_squeeze %dma_start3A_156 : memref<1x16xi32, #tpu.memory_space<vmem_shared>> -> memref<16xi32, #tpu.memory_space<vmem_shared>>
      tpu.enqueue_dma source(%arg9 : memref<16xi32, #tpu.memory_space<vmem>>) target(%dma_start3A_157 : memref<16xi32, #tpu.memory_space<vmem_shared>>) target_semaphore(%run_scoped3A : memref<!tpu.dma_semaphore, #tpu.memory_space<semaphore_mem>>)
      %dma_wait3A_158 = arith.constant 0 : i32
      %dma_wait3A_159 = tpu.memref_slice %arg13[%arg1, %dma_wait3A_158] : memref<16x16xi32, #tpu.memory_space<vmem_shared>> -> memref<1x16xi32, #tpu.memory_space<vmem_shared>>
      %dma_wait3A_160 = tpu.memref_squeeze %dma_wait3A_159 : memref<1x16xi32, #tpu.memory_space<vmem_shared>> -> memref<16xi32, #tpu.memory_space<vmem_shared>>
      %dma_wait3A_161 = arith.constant 0 : i32
      %dma_wait3A_162 = tpu.memref_slice %arg13[%arg1, %dma_wait3A_161] : memref<16x16xi32, #tpu.memory_space<vmem_shared>> -> memref<1x16xi32, #tpu.memory_space<vmem_shared>>
      %dma_wait3A_163 = tpu.memref_squeeze %dma_wait3A_162 : memref<1x16xi32, #tpu.memory_space<vmem_shared>> -> memref<16xi32, #tpu.memory_space<vmem_shared>>
      tpu.wait_dma2 semaphore(%run_scoped3A : memref<!tpu.dma_semaphore, #tpu.memory_space<semaphore_mem>>) src(%arg9 : memref<16xi32, #tpu.memory_space<vmem>>) dst(%dma_wait3A_163 : memref<16xi32, #tpu.memory_space<vmem_shared>>)
      tpu.yield
    }) : () -> ()
    %barrier3A_112 = arith.constant 0 : index
    tpu.barrier barrier_id(%barrier3A_112)
    %scan3A_113 = arith.constant 0 : i32
    %scan3A_114 = arith.constant 16 : i32
    %scan3A_115 = arith.addi %scan3A_113, %scan3A_114 : i32
    %scan3A_116 = arith.constant 1 : i32
    %scan3A_117 = scf.for %scan3A_152 = %scan3A_113 to %scan3A_115 step %scan3A_116 iter_args(%scan3A_153 = %broadcast_in_dim3A_5) -> (vector<16xi32>)  : i32 {
      "tpu.region"() ({
        %run_scoped3A = tpu.sem_alloc : memref<!tpu.dma_semaphore, #tpu.memory_space<semaphore_mem>>
        %dma_start3A_157 = arith.constant 0 : i32
        %dma_start3A_158 = tpu.memref_slice %arg13[%scan3A_152, %dma_start3A_157] : memref<16x16xi32, #tpu.memory_space<vmem_shared>> -> memref<1x16xi32, #tpu.memory_space<vmem_shared>>
        %dma_start3A_159 = tpu.memref_squeeze %dma_start3A_158 : memref<1x16xi32, #tpu.memory_space<vmem_shared>> -> memref<16xi32, #tpu.memory_space<vmem_shared>>
        %dma_start3A_160 = arith.constant 0 : i32
        %dma_start3A_161 = tpu.memref_slice %arg13[%scan3A_152, %dma_start3A_160] : memref<16x16xi32, #tpu.memory_space<vmem_shared>> -> memref<1x16xi32, #tpu.memory_space<vmem_shared>>
        %dma_start3A_162 = tpu.memref_squeeze %dma_start3A_161 : memref<1x16xi32, #tpu.memory_space<vmem_shared>> -> memref<16xi32, #tpu.memory_space<vmem_shared>>
        tpu.enqueue_dma source(%dma_start3A_162 : memref<16xi32, #tpu.memory_space<vmem_shared>>) target(%arg10 : memref<16xi32, #tpu.memory_space<vmem>>) target_semaphore(%run_scoped3A : memref<!tpu.dma_semaphore, #tpu.memory_space<semaphore_mem>>)
        %dma_wait3A_163 = arith.constant 0 : i32
        %dma_wait3A_164 = tpu.memref_slice %arg13[%scan3A_152, %dma_wait3A_163] : memref<16x16xi32, #tpu.memory_space<vmem_shared>> -> memref<1x16xi32, #tpu.memory_space<vmem_shared>>
        %dma_wait3A_165 = tpu.memref_squeeze %dma_wait3A_164 : memref<1x16xi32, #tpu.memory_space<vmem_shared>> -> memref<16xi32, #tpu.memory_space<vmem_shared>>
        %dma_wait3A_166 = arith.constant 0 : i32
        %dma_wait3A_167 = tpu.memref_slice %arg13[%scan3A_152, %dma_wait3A_166] : memref<16x16xi32, #tpu.memory_space<vmem_shared>> -> memref<1x16xi32, #tpu.memory_space<vmem_shared>>
        %dma_wait3A_168 = tpu.memref_squeeze %dma_wait3A_167 : memref<1x16xi32, #tpu.memory_space<vmem_shared>> -> memref<16xi32, #tpu.memory_space<vmem_shared>>
        tpu.wait_dma2 semaphore(%run_scoped3A : memref<!tpu.dma_semaphore, #tpu.memory_space<semaphore_mem>>) src(%dma_wait3A_168 : memref<16xi32, #tpu.memory_space<vmem_shared>>) dst(%arg10 : memref<16xi32, #tpu.memory_space<vmem>>)
        tpu.yield
      }) : () -> ()
      %get3A_154 = arith.constant 0 : index
      %get3A_155 = tpu.vector_load %arg10[%get3A_154] {strides = array<i32>} : memref<16xi32, #tpu.memory_space<vmem>>, vector<16xi32>,
      %add3A_156 = arith.addi %scan3A_153, %get3A_155 : vector<16xi32>
      scf.yield %add3A_156 : vector<16xi32>
    }
    %scan3A_118 = arith.constant 16 : i32
    %broadcast_in_dim3A_119 = arith.constant true
    %broadcast_in_dim3A_120 = vector.broadcast %broadcast_in_dim3A_119 : i1 to vector<16xi1>
    %masked_cumsum3A_121 = tpu.scan <sum>, %scan3A_117 masked %broadcast_in_dim3A_120 : vector<16xi32>, vector<16xi1> -> vector<16xi32>
    %lt3A_122 = vector.broadcast %reduce_max3A_77 : i32 to vector<16xi32>
    %lt3A_123 = arith.cmpi slt, %masked_cumsum3A_121, %lt3A_122 : vector<16xi32>
    %jit3A_124 = arith.constant 1 : i32
    %jit3A_125 = arith.constant 0 : i32
    %broadcast_in_dim3A_126 = vector.broadcast %jit3A_124 : i32 to vector<16xi32>
    %broadcast_in_dim3A_127 = vector.broadcast %jit3A_125 : i32 to vector<16xi32>
    %select_n3A_128 = arith.select %lt3A_123, %broadcast_in_dim3A_126, %broadcast_in_dim3A_127 : vector<16xi1>, vector<16xi32>
    %reduce_sum3A_129 = arith.constant true
    %reduce_sum3A_130 = vector.broadcast %reduce_sum3A_129 : i1 to vector<16xi1>
    %reduce_sum3A_131 = tpu.scan <sum>, %select_n3A_128 masked %reduce_sum3A_130 : vector<16xi32>, vector<16xi1> -> vector<16xi32>
    %reduce_sum3A_132 = vector.extract %reduce_sum3A_131[15] : i32 from vector<16xi32>
    %eq3A_133 = vector.broadcast %reduce_sum3A_132 : i32 to vector<16xi32>
    %eq3A_134 = arith.cmpi eq, %iota3A, %eq3A_133 : vector<16xi32>
    %sub3A_135 = arith.subi %masked_cumsum3A_121, %scan3A_117 : vector<16xi32>
    %jit3A_136 = arith.constant 0 : i32
    %broadcast_in_dim3A_137 = vector.broadcast %jit3A_136 : i32 to vector<16xi32>
    %select_n3A_138 = arith.select %eq3A_134, %sub3A_135, %broadcast_in_dim3A_137 : vector<16xi1>, vector<16xi32>
    %reduce_sum3A_139 = arith.constant true
    %reduce_sum3A_140 = vector.broadcast %reduce_sum3A_139 : i1 to vector<16xi1>
    %reduce_sum3A_141 = tpu.scan <sum>, %select_n3A_138 masked %reduce_sum3A_140 : vector<16xi32>, vector<16xi1> -> vector<16xi32>
    %reduce_sum3A_142 = vector.extract %reduce_sum3A_141[15] : i32 from vector<16xi32>
    %sub3A_143 = arith.subi %reduce_max3A_77, %reduce_sum3A_142 : i32
    %mul3A_144 = arith.constant 4096 : i32
    %mul3A_145 = arith.muli %reduce_sum3A_132, %mul3A_144 : i32
    "tpu.region"() ({
      %run_scoped3A = tpu.sem_alloc : memref<!tpu.dma_semaphore, #tpu.memory_space<semaphore_mem>>
      %dma_start3A_152 = tpu.memref_slice %arg6[%mul3A_145] : memref<65536xi32, #tpu.memory_space<vmem>> -> memref<4096xi32, #tpu.memory_space<vmem>>
      %dma_start3A_153 = arith.constant 0 : i32
      %dma_start3A_154 = tpu.memref_slice %arg14[%arg1, %dma_start3A_153] : memref<16x4096xi32, #tpu.memory_space<vmem_shared>> -> memref<1x4096xi32, #tpu.memory_space<vmem_shared>>
      %dma_start3A_155 = tpu.memref_squeeze %dma_start3A_154 : memref<1x4096xi32, #tpu.memory_space<vmem_shared>> -> memref<4096xi32, #tpu.memory_space<vmem_shared>>
      %dma_start3A_156 = arith.constant 0 : i32
      %dma_start3A_157 = tpu.memref_slice %arg14[%arg1, %dma_start3A_156] : memref<16x4096xi32, #tpu.memory_space<vmem_shared>> -> memref<1x4096xi32, #tpu.memory_space<vmem_shared>>
      %dma_start3A_158 = tpu.memref_squeeze %dma_start3A_157 : memref<1x4096xi32, #tpu.memory_space<vmem_shared>> -> memref<4096xi32, #tpu.memory_space<vmem_shared>>
      %dma_start3A_159 = tpu.memref_slice %arg6[%mul3A_145] : memref<65536xi32, #tpu.memory_space<vmem>> -> memref<4096xi32, #tpu.memory_space<vmem>>
      tpu.enqueue_dma source(%dma_start3A_159 : memref<4096xi32, #tpu.memory_space<vmem>>) target(%dma_start3A_158 : memref<4096xi32, #tpu.memory_space<vmem_shared>>) target_semaphore(%run_scoped3A : memref<!tpu.dma_semaphore, #tpu.memory_space<semaphore_mem>>)
      %dma_wait3A_160 = tpu.memref_slice %arg6[%mul3A_145] : memref<65536xi32, #tpu.memory_space<vmem>> -> memref<4096xi32, #tpu.memory_space<vmem>>
      %dma_wait3A_161 = arith.constant 0 : i32
      %dma_wait3A_162 = tpu.memref_slice %arg14[%arg1, %dma_wait3A_161] : memref<16x4096xi32, #tpu.memory_space<vmem_shared>> -> memref<1x4096xi32, #tpu.memory_space<vmem_shared>>
      %dma_wait3A_163 = tpu.memref_squeeze %dma_wait3A_162 : memref<1x4096xi32, #tpu.memory_space<vmem_shared>> -> memref<4096xi32, #tpu.memory_space<vmem_shared>>
      %dma_wait3A_164 = arith.constant 0 : i32
      %dma_wait3A_165 = tpu.memref_slice %arg14[%arg1, %dma_wait3A_164] : memref<16x4096xi32, #tpu.memory_space<vmem_shared>> -> memref<1x4096xi32, #tpu.memory_space<vmem_shared>>
      %dma_wait3A_166 = tpu.memref_squeeze %dma_wait3A_165 : memref<1x4096xi32, #tpu.memory_space<vmem_shared>> -> memref<4096xi32, #tpu.memory_space<vmem_shared>>
      %dma_wait3A_167 = tpu.memref_slice %arg6[%mul3A_145] : memref<65536xi32, #tpu.memory_space<vmem>> -> memref<4096xi32, #tpu.memory_space<vmem>>
      tpu.wait_dma2 semaphore(%run_scoped3A : memref<!tpu.dma_semaphore, #tpu.memory_space<semaphore_mem>>) src(%dma_wait3A_167 : memref<4096xi32, #tpu.memory_space<vmem>>) dst(%dma_wait3A_166 : memref<4096xi32, #tpu.memory_space<vmem_shared>>)
      tpu.yield
    }) : () -> ()
    %barrier3A_146 = arith.constant 0 : index
    tpu.barrier barrier_id(%barrier3A_146)
    %eq3A_147 = arith.constant 0 : i32
    %eq3A_148 = arith.cmpi eq, %arg1, %eq3A_147 : i32
    %convert_element_type3A_149 = arith.extui %eq3A_148 : i1 to i32
    %cond3A_150 = arith.constant 0 : i32
    %cond3A_151 = arith.cmpi ne, %convert_element_type3A_149, %cond3A_150 : i32
    scf.if %cond3A_151 {
      %scan3A_152 = arith.constant 0 : i32
      %scan3A_153 = arith.constant 0 : i32
      %scan3A_154 = arith.constant 256 : i32
      %scan3A_155 = arith.addi %scan3A_153, %scan3A_154 : i32
      %scan3A_156 = arith.constant 8 : i32
      %scan3A_157 = scf.for %scan3A_191 = %scan3A_153 to %scan3A_155 step %scan3A_156 iter_args(%scan3A_192 = %scan3A_152) -> (i32)  : i32 {
        %mul3A_193 = arith.constant 16 : i32
        %mul3A_194 = arith.muli %scan3A_191, %mul3A_193 : i32
        %swap3A_195 = arith.index_cast %mul3A_194 : i32 to index
        %swap3A_196 = tpu.vector_load %arg8[%swap3A_195] {strides = array<i32>} : memref<4096xi32, #tpu.memory_space<vmem>>, vector<16xi32>,
        tpu.vector_store %arg8[%swap3A_195], %broadcast_in_dim3A_5 {strides = array<i32>} : memref<4096xi32, #tpu.memory_space<vmem>>, vector<16xi32>,
        %scan3A_197 = arith.constant 0 : i32
        %scan3A_198 = arith.constant 1 : i32
        %scan3A_199 = arith.addi %scan3A_191, %scan3A_198 : i32
        %mul3A_200 = arith.constant 16 : i32
        %mul3A_201 = arith.muli %scan3A_199, %mul3A_200 : i32
        %swap3A_202 = arith.index_cast %mul3A_201 : i32 to index
        %swap3A_203 = tpu.vector_load %arg8[%swap3A_202] {strides = array<i32>} : memref<4096xi32, #tpu.memory_space<vmem>>, vector<16xi32>,
        tpu.vector_store %arg8[%swap3A_202], %broadcast_in_dim3A_5 {strides = array<i32>} : memref<4096xi32, #tpu.memory_space<vmem>>, vector<16xi32>,
        %scan3A_204 = arith.constant 0 : i32
        %scan3A_205 = arith.constant 2 : i32
        %scan3A_206 = arith.addi %scan3A_191, %scan3A_205 : i32
        %mul3A_207 = arith.constant 16 : i32
        %mul3A_208 = arith.muli %scan3A_206, %mul3A_207 : i32
        %swap3A_209 = arith.index_cast %mul3A_208 : i32 to index
        %swap3A_210 = tpu.vector_load %arg8[%swap3A_209] {strides = array<i32>} : memref<4096xi32, #tpu.memory_space<vmem>>, vector<16xi32>,
        tpu.vector_store %arg8[%swap3A_209], %broadcast_in_dim3A_5 {strides = array<i32>} : memref<4096xi32, #tpu.memory_space<vmem>>, vector<16xi32>,
        %scan3A_211 = arith.constant 0 : i32
        %scan3A_212 = arith.constant 3 : i32
        %scan3A_213 = arith.addi %scan3A_191, %scan3A_212 : i32
        %mul3A_214 = arith.constant 16 : i32
        %mul3A_215 = arith.muli %scan3A_213, %mul3A_214 : i32
        %swap3A_216 = arith.index_cast %mul3A_215 : i32 to index
        %swap3A_217 = tpu.vector_load %arg8[%swap3A_216] {strides = array<i32>} : memref<4096xi32, #tpu.memory_space<vmem>>, vector<16xi32>,
        tpu.vector_store %arg8[%swap3A_216], %broadcast_in_dim3A_5 {strides = array<i32>} : memref<4096xi32, #tpu.memory_space<vmem>>, vector<16xi32>,
        %scan3A_218 = arith.constant 0 : i32
        %scan3A_219 = arith.constant 4 : i32
        %scan3A_220 = arith.addi %scan3A_191, %scan3A_219 : i32
        %mul3A_221 = arith.constant 16 : i32
        %mul3A_222 = arith.muli %scan3A_220, %mul3A_221 : i32
        %swap3A_223 = arith.index_cast %mul3A_222 : i32 to index
        %swap3A_224 = tpu.vector_load %arg8[%swap3A_223] {strides = array<i32>} : memref<4096xi32, #tpu.memory_space<vmem>>, vector<16xi32>,
        tpu.vector_store %arg8[%swap3A_223], %broadcast_in_dim3A_5 {strides = array<i32>} : memref<4096xi32, #tpu.memory_space<vmem>>, vector<16xi32>,
        %scan3A_225 = arith.constant 0 : i32
        %scan3A_226 = arith.constant 5 : i32
        %scan3A_227 = arith.addi %scan3A_191, %scan3A_226 : i32
        %mul3A_228 = arith.constant 16 : i32
        %mul3A_229 = arith.muli %scan3A_227, %mul3A_228 : i32
        %swap3A_230 = arith.index_cast %mul3A_229 : i32 to index
        %swap3A_231 = tpu.vector_load %arg8[%swap3A_230] {strides = array<i32>} : memref<4096xi32, #tpu.memory_space<vmem>>, vector<16xi32>,
        tpu.vector_store %arg8[%swap3A_230], %broadcast_in_dim3A_5 {strides = array<i32>} : memref<4096xi32, #tpu.memory_space<vmem>>, vector<16xi32>,
        %scan3A_232 = arith.constant 0 : i32
        %scan3A_233 = arith.constant 6 : i32
        %scan3A_234 = arith.addi %scan3A_191, %scan3A_233 : i32
        %mul3A_235 = arith.constant 16 : i32
        %mul3A_236 = arith.muli %scan3A_234, %mul3A_235 : i32
        %swap3A_237 = arith.index_cast %mul3A_236 : i32 to index
        %swap3A_238 = tpu.vector_load %arg8[%swap3A_237] {strides = array<i32>} : memref<4096xi32, #tpu.memory_space<vmem>>, vector<16xi32>,
        tpu.vector_store %arg8[%swap3A_237], %broadcast_in_dim3A_5 {strides = array<i32>} : memref<4096xi32, #tpu.memory_space<vmem>>, vector<16xi32>,
        %scan3A_239 = arith.constant 0 : i32
        %scan3A_240 = arith.constant 7 : i32
        %scan3A_241 = arith.addi %scan3A_191, %scan3A_240 : i32
        %mul3A_242 = arith.constant 16 : i32
        %mul3A_243 = arith.muli %scan3A_241, %mul3A_242 : i32
        %swap3A_244 = arith.index_cast %mul3A_243 : i32 to index
        %swap3A_245 = tpu.vector_load %arg8[%swap3A_244] {strides = array<i32>} : memref<4096xi32, #tpu.memory_space<vmem>>, vector<16xi32>,
        tpu.vector_store %arg8[%swap3A_244], %broadcast_in_dim3A_5 {strides = array<i32>} : memref<4096xi32, #tpu.memory_space<vmem>>, vector<16xi32>,
        %scan3A_246 = arith.constant 0 : i32
        scf.yield %scan3A_246 : i32
      }
      %scan3A_158 = arith.constant 256 : i32
      %scan3A_159 = arith.constant 0 : i32
      %scan3A_160 = arith.constant 0 : i32
      %scan3A_161 = arith.constant 16 : i32
      %scan3A_162 = arith.addi %scan3A_160, %scan3A_161 : i32
      %scan3A_163 = arith.constant 1 : i32
      %scan3A_164 = scf.for %scan3A_191 = %scan3A_160 to %scan3A_162 step %scan3A_163 iter_args(%scan3A_192 = %scan3A_159) -> (i32)  : i32 {
        "tpu.region"() ({
          %run_scoped3A = tpu.sem_alloc : memref<!tpu.dma_semaphore, #tpu.memory_space<semaphore_mem>>
          %dma_start3A_201 = arith.constant 0 : i32
          %dma_start3A_202 = tpu.memref_slice %arg14[%scan3A_191, %dma_start3A_201] : memref<16x4096xi32, #tpu.memory_space<vmem_shared>> -> memref<1x4096xi32, #tpu.memory_space<vmem_shared>>
          %dma_start3A_203 = tpu.memref_squeeze %dma_start3A_202 : memref<1x4096xi32, #tpu.memory_space<vmem_shared>> -> memref<4096xi32, #tpu.memory_space<vmem_shared>>
          %dma_start3A_204 = arith.constant 0 : i32
          %dma_start3A_205 = tpu.memref_slice %arg14[%scan3A_191, %dma_start3A_204] : memref<16x4096xi32, #tpu.memory_space<vmem_shared>> -> memref<1x4096xi32, #tpu.memory_space<vmem_shared>>
          %dma_start3A_206 = tpu.memref_squeeze %dma_start3A_205 : memref<1x4096xi32, #tpu.memory_space<vmem_shared>> -> memref<4096xi32, #tpu.memory_space<vmem_shared>>
          tpu.enqueue_dma source(%dma_start3A_206 : memref<4096xi32, #tpu.memory_space<vmem_shared>>) target(%arg7 : memref<4096xi32, #tpu.memory_space<vmem>>) target_semaphore(%run_scoped3A : memref<!tpu.dma_semaphore, #tpu.memory_space<semaphore_mem>>)
          %dma_wait3A_207 = arith.constant 0 : i32
          %dma_wait3A_208 = tpu.memref_slice %arg14[%scan3A_191, %dma_wait3A_207] : memref<16x4096xi32, #tpu.memory_space<vmem_shared>> -> memref<1x4096xi32, #tpu.memory_space<vmem_shared>>
          %dma_wait3A_209 = tpu.memref_squeeze %dma_wait3A_208 : memref<1x4096xi32, #tpu.memory_space<vmem_shared>> -> memref<4096xi32, #tpu.memory_space<vmem_shared>>
          %dma_wait3A_210 = arith.constant 0 : i32
          %dma_wait3A_211 = tpu.memref_slice %arg14[%scan3A_191, %dma_wait3A_210] : memref<16x4096xi32, #tpu.memory_space<vmem_shared>> -> memref<1x4096xi32, #tpu.memory_space<vmem_shared>>
          %dma_wait3A_212 = tpu.memref_squeeze %dma_wait3A_211 : memref<1x4096xi32, #tpu.memory_space<vmem_shared>> -> memref<4096xi32, #tpu.memory_space<vmem_shared>>
          tpu.wait_dma2 semaphore(%run_scoped3A : memref<!tpu.dma_semaphore, #tpu.memory_space<semaphore_mem>>) src(%dma_wait3A_212 : memref<4096xi32, #tpu.memory_space<vmem_shared>>) dst(%arg7 : memref<4096xi32, #tpu.memory_space<vmem>>)
          tpu.yield
        }) : () -> ()
        %scan3A_193 = arith.constant 0 : i32
        %scan3A_194 = arith.constant 0 : i32
        %scan3A_195 = arith.constant 256 : i32
        %scan3A_196 = arith.addi %scan3A_194, %scan3A_195 : i32
        %scan3A_197 = arith.constant 8 : i32
        %scan3A_198 = scf.for %scan3A_201 = %scan3A_194 to %scan3A_196 step %scan3A_197 iter_args(%scan3A_202 = %scan3A_193) -> (i32)  : i32 {
          %mul3A_203 = arith.constant 16 : i32
          %mul3A_204 = arith.muli %scan3A_201, %mul3A_203 : i32
          %get3A_205 = arith.index_cast %mul3A_204 : i32 to index
          %get3A_206 = tpu.vector_load %arg8[%get3A_205] {strides = array<i32>} : memref<4096xi32, #tpu.memory_space<vmem>>, vector<16xi32>,
          %mul3A_207 = arith.constant 16 : i32
          %mul3A_208 = arith.muli %scan3A_201, %mul3A_207 : i32
          %get3A_209 = arith.index_cast %mul3A_208 : i32 to index
          %get3A_210 = tpu.vector_load %arg7[%get3A_209] {strides = array<i32>} : memref<4096xi32, #tpu.memory_space<vmem>>, vector<16xi32>,
          %add3A_211 = arith.addi %get3A_206, %get3A_210 : vector<16xi32>
          %mul3A_212 = arith.constant 16 : i32
          %mul3A_213 = arith.muli %scan3A_201, %mul3A_212 : i32
          %swap3A_214 = arith.index_cast %mul3A_213 : i32 to index
          %swap3A_215 = tpu.vector_load %arg8[%swap3A_214] {strides = array<i32>} : memref<4096xi32, #tpu.memory_space<vmem>>, vector<16xi32>,
          tpu.vector_store %arg8[%swap3A_214], %add3A_211 {strides = array<i32>} : memref<4096xi32, #tpu.memory_space<vmem>>, vector<16xi32>,
          %scan3A_216 = arith.constant 0 : i32
          %scan3A_217 = arith.constant 1 : i32
          %scan3A_218 = arith.addi %scan3A_201, %scan3A_217 : i32
          %mul3A_219 = arith.constant 16 : i32
          %mul3A_220 = arith.muli %scan3A_218, %mul3A_219 : i32
          %get3A_221 = arith.index_cast %mul3A_220 : i32 to index
          %get3A_222 = tpu.vector_load %arg8[%get3A_221] {strides = array<i32>} : memref<4096xi32, #tpu.memory_space<vmem>>, vector<16xi32>,
          %mul3A_223 = arith.constant 16 : i32
          %mul3A_224 = arith.muli %scan3A_218, %mul3A_223 : i32
          %get3A_225 = arith.index_cast %mul3A_224 : i32 to index
          %get3A_226 = tpu.vector_load %arg7[%get3A_225] {strides = array<i32>} : memref<4096xi32, #tpu.memory_space<vmem>>, vector<16xi32>,
          %add3A_227 = arith.addi %get3A_222, %get3A_226 : vector<16xi32>
          %mul3A_228 = arith.constant 16 : i32
          %mul3A_229 = arith.muli %scan3A_218, %mul3A_228 : i32
          %swap3A_230 = arith.index_cast %mul3A_229 : i32 to index
          %swap3A_231 = tpu.vector_load %arg8[%swap3A_230] {strides = array<i32>} : memref<4096xi32, #tpu.memory_space<vmem>>, vector<16xi32>,
          tpu.vector_store %arg8[%swap3A_230], %add3A_227 {strides = array<i32>} : memref<4096xi32, #tpu.memory_space<vmem>>, vector<16xi32>,
          %scan3A_232 = arith.constant 0 : i32
          %scan3A_233 = arith.constant 2 : i32
          %scan3A_234 = arith.addi %scan3A_201, %scan3A_233 : i32
          %mul3A_235 = arith.constant 16 : i32
          %mul3A_236 = arith.muli %scan3A_234, %mul3A_235 : i32
          %get3A_237 = arith.index_cast %mul3A_236 : i32 to index
          %get3A_238 = tpu.vector_load %arg8[%get3A_237] {strides = array<i32>} : memref<4096xi32, #tpu.memory_space<vmem>>, vector<16xi32>,
          %mul3A_239 = arith.constant 16 : i32
          %mul3A_240 = arith.muli %scan3A_234, %mul3A_239 : i32
          %get3A_241 = arith.index_cast %mul3A_240 : i32 to index
          %get3A_242 = tpu.vector_load %arg7[%get3A_241] {strides = array<i32>} : memref<4096xi32, #tpu.memory_space<vmem>>, vector<16xi32>,
          %add3A_243 = arith.addi %get3A_238, %get3A_242 : vector<16xi32>
          %mul3A_244 = arith.constant 16 : i32
          %mul3A_245 = arith.muli %scan3A_234, %mul3A_244 : i32
          %swap3A_246 = arith.index_cast %mul3A_245 : i32 to index
          %swap3A_247 = tpu.vector_load %arg8[%swap3A_246] {strides = array<i32>} : memref<4096xi32, #tpu.memory_space<vmem>>, vector<16xi32>,
          tpu.vector_store %arg8[%swap3A_246], %add3A_243 {strides = array<i32>} : memref<4096xi32, #tpu.memory_space<vmem>>, vector<16xi32>,
          %scan3A_248 = arith.constant 0 : i32
          %scan3A_249 = arith.constant 3 : i32
          %scan3A_250 = arith.addi %scan3A_201, %scan3A_249 : i32
          %mul3A_251 = arith.constant 16 : i32
          %mul3A_252 = arith.muli %scan3A_250, %mul3A_251 : i32
          %get3A_253 = arith.index_cast %mul3A_252 : i32 to index
          %get3A_254 = tpu.vector_load %arg8[%get3A_253] {strides = array<i32>} : memref<4096xi32, #tpu.memory_space<vmem>>, vector<16xi32>,
          %mul3A_255 = arith.constant 16 : i32
          %mul3A_256 = arith.muli %scan3A_250, %mul3A_255 : i32
          %get3A_257 = arith.index_cast %mul3A_256 : i32 to index
          %get3A_258 = tpu.vector_load %arg7[%get3A_257] {strides = array<i32>} : memref<4096xi32, #tpu.memory_space<vmem>>, vector<16xi32>,
          %add3A_259 = arith.addi %get3A_254, %get3A_258 : vector<16xi32>
          %mul3A_260 = arith.constant 16 : i32
          %mul3A_261 = arith.muli %scan3A_250, %mul3A_260 : i32
          %swap3A_262 = arith.index_cast %mul3A_261 : i32 to index
          %swap3A_263 = tpu.vector_load %arg8[%swap3A_262] {strides = array<i32>} : memref<4096xi32, #tpu.memory_space<vmem>>, vector<16xi32>,
          tpu.vector_store %arg8[%swap3A_262], %add3A_259 {strides = array<i32>} : memref<4096xi32, #tpu.memory_space<vmem>>, vector<16xi32>,
          %scan3A_264 = arith.constant 0 : i32
          %scan3A_265 = arith.constant 4 : i32
          %scan3A_266 = arith.addi %scan3A_201, %scan3A_265 : i32
          %mul3A_267 = arith.constant 16 : i32
          %mul3A_268 = arith.muli %scan3A_266, %mul3A_267 : i32
          %get3A_269 = arith.index_cast %mul3A_268 : i32 to index
          %get3A_270 = tpu.vector_load %arg8[%get3A_269] {strides = array<i32>} : memref<4096xi32, #tpu.memory_space<vmem>>, vector<16xi32>,
          %mul3A_271 = arith.constant 16 : i32
          %mul3A_272 = arith.muli %scan3A_266, %mul3A_271 : i32
          %get3A_273 = arith.index_cast %mul3A_272 : i32 to index
          %get3A_274 = tpu.vector_load %arg7[%get3A_273] {strides = array<i32>} : memref<4096xi32, #tpu.memory_space<vmem>>, vector<16xi32>,
          %add3A_275 = arith.addi %get3A_270, %get3A_274 : vector<16xi32>
          %mul3A_276 = arith.constant 16 : i32
          %mul3A_277 = arith.muli %scan3A_266, %mul3A_276 : i32
          %swap3A_278 = arith.index_cast %mul3A_277 : i32 to index
          %swap3A_279 = tpu.vector_load %arg8[%swap3A_278] {strides = array<i32>} : memref<4096xi32, #tpu.memory_space<vmem>>, vector<16xi32>,
          tpu.vector_store %arg8[%swap3A_278], %add3A_275 {strides = array<i32>} : memref<4096xi32, #tpu.memory_space<vmem>>, vector<16xi32>,
          %scan3A_280 = arith.constant 0 : i32
          %scan3A_281 = arith.constant 5 : i32
          %scan3A_282 = arith.addi %scan3A_201, %scan3A_281 : i32
          %mul3A_283 = arith.constant 16 : i32
          %mul3A_284 = arith.muli %scan3A_282, %mul3A_283 : i32
          %get3A_285 = arith.index_cast %mul3A_284 : i32 to index
          %get3A_286 = tpu.vector_load %arg8[%get3A_285] {strides = array<i32>} : memref<4096xi32, #tpu.memory_space<vmem>>, vector<16xi32>,
          %mul3A_287 = arith.constant 16 : i32
          %mul3A_288 = arith.muli %scan3A_282, %mul3A_287 : i32
          %get3A_289 = arith.index_cast %mul3A_288 : i32 to index
          %get3A_290 = tpu.vector_load %arg7[%get3A_289] {strides = array<i32>} : memref<4096xi32, #tpu.memory_space<vmem>>, vector<16xi32>,
          %add3A_291 = arith.addi %get3A_286, %get3A_290 : vector<16xi32>
          %mul3A_292 = arith.constant 16 : i32
          %mul3A_293 = arith.muli %scan3A_282, %mul3A_292 : i32
          %swap3A_294 = arith.index_cast %mul3A_293 : i32 to index
          %swap3A_295 = tpu.vector_load %arg8[%swap3A_294] {strides = array<i32>} : memref<4096xi32, #tpu.memory_space<vmem>>, vector<16xi32>,
          tpu.vector_store %arg8[%swap3A_294], %add3A_291 {strides = array<i32>} : memref<4096xi32, #tpu.memory_space<vmem>>, vector<16xi32>,
          %scan3A_296 = arith.constant 0 : i32
          %scan3A_297 = arith.constant 6 : i32
          %scan3A_298 = arith.addi %scan3A_201, %scan3A_297 : i32
          %mul3A_299 = arith.constant 16 : i32
          %mul3A_300 = arith.muli %scan3A_298, %mul3A_299 : i32
          %get3A_301 = arith.index_cast %mul3A_300 : i32 to index
          %get3A_302 = tpu.vector_load %arg8[%get3A_301] {strides = array<i32>} : memref<4096xi32, #tpu.memory_space<vmem>>, vector<16xi32>,
          %mul3A_303 = arith.constant 16 : i32
          %mul3A_304 = arith.muli %scan3A_298, %mul3A_303 : i32
          %get3A_305 = arith.index_cast %mul3A_304 : i32 to index
          %get3A_306 = tpu.vector_load %arg7[%get3A_305] {strides = array<i32>} : memref<4096xi32, #tpu.memory_space<vmem>>, vector<16xi32>,
          %add3A_307 = arith.addi %get3A_302, %get3A_306 : vector<16xi32>
          %mul3A_308 = arith.constant 16 : i32
          %mul3A_309 = arith.muli %scan3A_298, %mul3A_308 : i32
          %swap3A_310 = arith.index_cast %mul3A_309 : i32 to index
          %swap3A_311 = tpu.vector_load %arg8[%swap3A_310] {strides = array<i32>} : memref<4096xi32, #tpu.memory_space<vmem>>, vector<16xi32>,
          tpu.vector_store %arg8[%swap3A_310], %add3A_307 {strides = array<i32>} : memref<4096xi32, #tpu.memory_space<vmem>>, vector<16xi32>,
          %scan3A_312 = arith.constant 0 : i32
          %scan3A_313 = arith.constant 7 : i32
          %scan3A_314 = arith.addi %scan3A_201, %scan3A_313 : i32
          %mul3A_315 = arith.constant 16 : i32
          %mul3A_316 = arith.muli %scan3A_314, %mul3A_315 : i32
          %get3A_317 = arith.index_cast %mul3A_316 : i32 to index
          %get3A_318 = tpu.vector_load %arg8[%get3A_317] {strides = array<i32>} : memref<4096xi32, #tpu.memory_space<vmem>>, vector<16xi32>,
          %mul3A_319 = arith.constant 16 : i32
          %mul3A_320 = arith.muli %scan3A_314, %mul3A_319 : i32
          %get3A_321 = arith.index_cast %mul3A_320 : i32 to index
          %get3A_322 = tpu.vector_load %arg7[%get3A_321] {strides = array<i32>} : memref<4096xi32, #tpu.memory_space<vmem>>, vector<16xi32>,
          %add3A_323 = arith.addi %get3A_318, %get3A_322 : vector<16xi32>
          %mul3A_324 = arith.constant 16 : i32
          %mul3A_325 = arith.muli %scan3A_314, %mul3A_324 : i32
          %swap3A_326 = arith.index_cast %mul3A_325 : i32 to index
          %swap3A_327 = tpu.vector_load %arg8[%swap3A_326] {strides = array<i32>} : memref<4096xi32, #tpu.memory_space<vmem>>, vector<16xi32>,
          tpu.vector_store %arg8[%swap3A_326], %add3A_323 {strides = array<i32>} : memref<4096xi32, #tpu.memory_space<vmem>>, vector<16xi32>,
          %scan3A_328 = arith.constant 0 : i32
          scf.yield %scan3A_328 : i32
        }
        %scan3A_199 = arith.constant 256 : i32
        %scan3A_200 = arith.constant 0 : i32
        scf.yield %scan3A_200 : i32
      }
      %scan3A_165 = arith.constant 16 : i32
      %scan3A_166 = arith.constant 0 : i32
      %scan3A_167 = arith.constant 0 : i32
      %scan3A_168 = arith.constant 0 : i32
      %scan3A_169 = arith.constant 0 : i32
      %scan3A_170 = arith.constant 0 : i32
      %scan3A_171 = arith.constant 256 : i32
      %scan3A_172 = arith.addi %scan3A_170, %scan3A_171 : i32
      %scan3A_173 = arith.constant 1 : i32
      %scan3A_174:4 = scf.for %scan3A_191 = %scan3A_170 to %scan3A_172 step %scan3A_173 iter_args(%scan3A_192 = %scan3A_166, %scan3A_193 = %scan3A_167, %scan3A_194 = %scan3A_168, %scan3A_195 = %scan3A_169) -> (i32, i32, i32, i32)  : i32 {
        %mul3A_196 = arith.constant 16 : i32
        %mul3A_197 = arith.muli %scan3A_191, %mul3A_196 : i32
        %get3A_198 = arith.index_cast %mul3A_197 : i32 to index
        %get3A_199 = tpu.vector_load %arg8[%get3A_198] {strides = array<i32>} : memref<4096xi32, #tpu.memory_space<vmem>>, vector<16xi32>,
        %broadcast_in_dim3A_200 = arith.constant true
        %broadcast_in_dim3A_201 = vector.broadcast %broadcast_in_dim3A_200 : i1 to vector<16xi1>
        %masked_cumsum3A_202 = tpu.scan <sum>, %get3A_199 masked %broadcast_in_dim3A_201 : vector<16xi32>, vector<16xi1> -> vector<16xi32>
        %reduce_max3A_203 = arith.constant true
        %reduce_max3A_204 = vector.broadcast %reduce_max3A_203 : i1 to vector<16xi1>
        %reduce_max3A_205 = arith.constant -2147483648 : i32
        %reduce_max3A_206 = vector.broadcast %reduce_max3A_205 : i32 to vector<16xi32>
        %reduce_max3A_207 = arith.xori %masked_cumsum3A_202, %reduce_max3A_206 : vector<16xi32>
        %reduce_max3A_208 = tpu.scan <max>, %reduce_max3A_207 masked %reduce_max3A_204 : vector<16xi32>, vector<16xi1> -> vector<16xi32>
        %reduce_max3A_209 = arith.xori %reduce_max3A_208, %reduce_max3A_206 : vector<16xi32>
        %reduce_max3A_210 = vector.extract %reduce_max3A_209[15] : i32 from vector<16xi32>
        %eq3A_211 = arith.constant 0 : i32
        %eq3A_212 = arith.cmpi eq, %scan3A_192, %eq3A_211 : i32
        %add3A_213 = arith.addi %scan3A_195, %reduce_max3A_210 : i32
        %ge3A = arith.cmpi sge, %add3A_213, %sub3A_143 : i32
        %and3A = arith.andi %eq3A_212, %ge3A : i1
        %add3A_214 = vector.broadcast %scan3A_195 : i32 to vector<16xi32>
        %add3A_215 = arith.addi %add3A_214, %masked_cumsum3A_202 : vector<16xi32>
        %lt3A_216 = vector.broadcast %sub3A_143 : i32 to vector<16xi32>
        %lt3A_217 = arith.cmpi slt, %add3A_215, %lt3A_216 : vector<16xi32>
        %jit3A_218 = arith.constant 1 : i32
        %jit3A_219 = arith.constant 0 : i32
        %broadcast_in_dim3A_220 = vector.broadcast %jit3A_218 : i32 to vector<16xi32>
        %broadcast_in_dim3A_221 = vector.broadcast %jit3A_219 : i32 to vector<16xi32>
        %select_n3A_222 = arith.select %lt3A_217, %broadcast_in_dim3A_220, %broadcast_in_dim3A_221 : vector<16xi1>, vector<16xi32>
        %reduce_sum3A_223 = arith.constant true
        %reduce_sum3A_224 = vector.broadcast %reduce_sum3A_223 : i1 to vector<16xi1>
        %reduce_sum3A_225 = tpu.scan <sum>, %select_n3A_222 masked %reduce_sum3A_224 : vector<16xi32>, vector<16xi1> -> vector<16xi32>
        %reduce_sum3A_226 = vector.extract %reduce_sum3A_225[15] : i32 from vector<16xi32>
        %eq3A_227 = vector.broadcast %reduce_sum3A_226 : i32 to vector<16xi32>
        %eq3A_228 = arith.cmpi eq, %iota3A, %eq3A_227 : vector<16xi32>
        %sub3A_229 = arith.subi %masked_cumsum3A_202, %get3A_199 : vector<16xi32>
        %jit3A_230 = arith.constant 0 : i32
        %broadcast_in_dim3A_231 = vector.broadcast %jit3A_230 : i32 to vector<16xi32>
        %select_n3A_232 = arith.select %eq3A_228, %sub3A_229, %broadcast_in_dim3A_231 : vector<16xi1>, vector<16xi32>
        %reduce_sum3A_233 = arith.constant true
        %reduce_sum3A_234 = vector.broadcast %reduce_sum3A_233 : i1 to vector<16xi1>
        %reduce_sum3A_235 = tpu.scan <sum>, %select_n3A_232 masked %reduce_sum3A_234 : vector<16xi32>, vector<16xi1> -> vector<16xi32>
        %reduce_sum3A_236 = vector.extract %reduce_sum3A_235[15] : i32 from vector<16xi32>
        %add3A_237 = arith.addi %scan3A_195, %reduce_sum3A_236 : i32
        %mul3A_238 = arith.constant 16 : i32
        %mul3A_239 = arith.muli %scan3A_191, %mul3A_238 : i32
        %add3A_240 = arith.addi %mul3A_239, %reduce_sum3A_226 : i32
        %select_n3A_241 = arith.select %and3A, %add3A_240, %scan3A_193 : i32
        %select_n3A_242 = arith.select %and3A, %add3A_237, %scan3A_194 : i32
        %jit3A_243 = arith.constant 1 : i32
        %select_n3A_244 = arith.select %and3A, %jit3A_243, %scan3A_192 : i32
        %add3A_245 = arith.addi %scan3A_195, %reduce_max3A_210 : i32
        scf.yield %select_n3A_244, %select_n3A_241, %select_n3A_242, %add3A_245 : i32, i32, i32, i32
      }
      %scan3A_175 = arith.constant 256 : i32
      %mul3A_176 = arith.constant 4096 : i32
      %mul3A_177 = arith.muli %reduce_sum3A_132, %mul3A_176 : i32
      %add3A_178 = arith.addi %mul3A_177, %scan3A_174#1 : i32
      %reduce_max3A_179 = arith.constant true
      %reduce_max3A_180 = vector.broadcast %reduce_max3A_179 : i1 to vector<16xi1>
      %reduce_max3A_181 = arith.constant -2147483648 : i32
      %reduce_max3A_182 = vector.broadcast %reduce_max3A_181 : i32 to vector<16xi32>
      %reduce_max3A_183 = arith.xori %get3A_68, %reduce_max3A_182 : vector<16xi32>
      %reduce_max3A_184 = tpu.scan <max>, %reduce_max3A_183 masked %reduce_max3A_180 : vector<16xi32>, vector<16xi1> -> vector<16xi32>
      %reduce_max3A_185 = arith.xori %reduce_max3A_184, %reduce_max3A_182 : vector<16xi32>
      %reduce_max3A_186 = vector.extract %reduce_max3A_185[15] : i32 from vector<16xi32>
      %shift_left3A = arith.constant 16 : i32
      %shift_left3A_187 = arith.shli %reduce_max3A_186, %shift_left3A : i32
      %or3A = arith.ori %shift_left3A_187, %add3A_178 : i32
      %broadcast_in_dim3A_188 = vector.broadcast %or3A : i32 to vector<16xi32>
      %bitcast3A = vector.bitcast %broadcast_in_dim3A_188 : vector<16xi32> to vector<16xf32>
      %swap3A_189 = arith.constant 0 : index
      %swap3A_190 = tpu.vector_load %arg12[%swap3A_189] {strides = array<i32>} : memref<16xf32, #tpu.memory_space<vmem>>, vector<16xf32>,
      tpu.vector_store %arg12[%swap3A_189], %bitcast3A {strides = array<i32>} : memref<16xf32, #tpu.memory_space<vmem>>, vector<16xf32>,
      "tpu.region"() ({
        %run_scoped3A = tpu.sem_alloc : memref<!tpu.dma_semaphore, #tpu.memory_space<semaphore_mem>>
        tpu.enqueue_dma source(%arg12 : memref<16xf32, #tpu.memory_space<vmem>>) target(%arg3 : memref<16xf32, #tpu.memory_space<hbm>>) target_semaphore(%run_scoped3A : memref<!tpu.dma_semaphore, #tpu.memory_space<semaphore_mem>>)
        tpu.wait_dma2 semaphore(%run_scoped3A : memref<!tpu.dma_semaphore, #tpu.memory_space<semaphore_mem>>) src(%arg12 : memref<16xf32, #tpu.memory_space<vmem>>) dst(%arg3 : memref<16xf32, #tpu.memory_space<hbm>>)
        tpu.yield
      }) : () -> ()
    } else {
    }
    return
  }
}

module attributes {stable_mosaic.version = 14 : i64} {
  func.func @_fin_body(%arg0: i32, %arg1: i32, %arg2: memref<1x1xf32, #tpu.memory_space<smem>>, %arg3: memref<1x256x1024xf32, #tpu.memory_space<vmem>>, %arg4: memref<1x256x1024xf32, #tpu.memory_space<vmem>>) attributes {dimension_semantics = [#tpu.dimension_semantics<arbitrary>, #tpu.dimension_semantics<arbitrary>], iteration_bounds = array<i64: 4, 8>, scalar_prefetch = 0 : i64, scratch_operands = 0 : i64, tpu.core_type = #tpu.core_type<tc>, window_params = [{transform_indices = @transform_0, window_bounds = array<i64: 1, 1>}, {transform_indices = @transform_1, window_bounds = array<i64: 1, 256, 1024>}, {transform_indices = @transform_2, window_bounds = array<i64: 1, 256, 1024>}]} {
    %get3A = arith.constant 0 : index
    %get3A_0 = arith.constant 0 : index
    %get3A_1 = memref.load %arg2[%get3A, %get3A_0] : memref<1x1xf32, #tpu.memory_space<smem>>
    %get3A_2 = arith.constant 0 : index
    %get3A_3 = arith.constant 0 : index
    %get3A_4 = arith.constant 0 : index
    %get3A_5 = vector.load %arg3[%get3A_2, %get3A_3, %get3A_4] : memref<1x256x1024xf32, #tpu.memory_space<vmem>>, vector<1x256x1024xf32>
    %gt3A = vector.broadcast %get3A_1 : f32 to vector<1x256x1024xf32>
    %gt3A_6 = arith.cmpf ogt, %get3A_5, %gt3A : vector<1x256x1024xf32>
    %broadcast_in_dim3A = vector.broadcast %get3A_1 : f32 to vector<1x256x1024xf32>
    %select_n3A = arith.select %gt3A_6, %broadcast_in_dim3A, %get3A_5 : vector<1x256x1024xi1>, vector<1x256x1024xf32>
    %div3A = vector.broadcast %get3A_1 : f32 to vector<1x256x1024xf32>
    %div3A_7 = arith.divf %select_n3A, %div3A : vector<1x256x1024xf32>
    %swap3A = arith.constant 0 : index
    %swap3A_8 = arith.constant 0 : index
    %swap3A_9 = arith.constant 0 : index
    %swap3A_10 = vector.load %arg4[%swap3A, %swap3A_8, %swap3A_9] : memref<1x256x1024xf32, #tpu.memory_space<vmem>>, vector<1x256x1024xf32>
    tpu.vector_store %arg4[%swap3A, %swap3A_8, %swap3A_9], %div3A_7 {strides = array<i32>} : memref<1x256x1024xf32, #tpu.memory_space<vmem>>, vector<1x256x1024xf32>,
    return
  }
  func.func @transform_0(%arg0: i32, %arg1: i32) -> (i32, i32) {
    %c0_i32 = arith.constant 0 : i32
    %c0_i32_0 = arith.constant 0 : i32
    %c0_i32_1 = arith.constant 0 : i32
    return %c0_i32, %c0_i32_0 : i32, i32
  }
  func.func @transform_1(%arg0: i32, %arg1: i32) -> (i32, i32, i32) {
    %c0_i32 = arith.constant 0 : i32
    %c0_i32_0 = arith.constant 0 : i32
    return %arg0, %arg1, %c0_i32 : i32, i32, i32
  }
  func.func @transform_2(%arg0: i32, %arg1: i32) -> (i32, i32, i32) {
    %c0_i32 = arith.constant 0 : i32
    %c0_i32_0 = arith.constant 0 : i32
    return %arg0, %arg1, %c0_i32 : i32, i32, i32
  }
}

</mosaic_0001>

<sc_bundles>
// kernel: kernel.4.cloned.1.call-start
scs
__scs_entry_jumppad:
0x0: {  	(pc) =	sbr.rel $0x88, $3  }
0x1: {  	(tag) =	ssettag $0x0;
	lr =	simm.s32 $0x1  }
0x2: {  	[smem:$0x3FA0] =	sst lr;
	_ =	strace $0xD0000000  }
0x3: {  	_ = 	snop  }
0x4: {  	_ = 	snop  }
0x5: {  	_ = 	snop  }
0x6: {  	_ = 	snop  }
0x7: {  	_ = 	snop  }
__scs_overlays_trampoline_lowered:
0x8: {  	[smem:$0x3FAF] =	sst s0  }
0x9: {  	[smem:$0x3FB0] =	sst s1  }
0xa: {  	[smem:$0x3FB1] =	sst s2  }
0xb: {  	[smem:$0x3FB2] =	sst s3  }
0xc: {  	[smem:$0x3FB3] =	sst s4  }
0xd: {  	[smem:$0x3FB4] =	sst s5  }
0xe: {  	[smem:$0x3FB5] =	sst s6  }
0xf: {  	[smem:$0x3FB6] =	sst s7  }
0x10: {  	[smem:$0x3FB7] =	sst s8  }
0x11: {  	[smem:$0x3FB8] =	sst s9;
	s0 =	simm.s32 @!p0 $0x0  }
0x12: {  	s1 =	sld [smem:$0x3F9E];
	s0 =	simm.s32 @p0 $0x1  }
0x13: {  	[smem:$0x3FB9] =	sst s0;
	s0 =	simm.s32 @!p1 $0x0  }
0x14: {  	s2 =	sld [smem:$0x3F9D];
	s0 =	simm.s32 @p1 $0x1  }
0x15: {  	[smem:$0x3FBA] =	sst s0;
	s0 =	simm.s32 @!p2 $0x0  }
0x16: {  	s3 =	sld [smem:$0x3FDB];
	s0 =	simm.s32 @p2 $0x1  }
0x17: {  	s4 =	simm.s32 $0x1BF5;
	[smem:$0x3FBC] =	sst s0  }
0x18: {  	s0 =	sld [smem:$0x3F9F];
	_ =	swait.ge [sflag:s4], $0x0  }
0x19: {  	s7 =	sld [smem:$0x3FA0]  }
0x1a: {  	s8 =	sadd.s32 $0xFFFFE003, lr  }
0x1b: {  	s9 =	sadd.s32 $0xFFFFFEF7, lr;
	s5 =	simm.s32 $0xFFFFFFFF;
	p2 =	slt.u32 s8, $0xFFFFF086  }
0x1c: {  	p1 =	slt.u32 s9, $0xF7A;
	s5 =	simm.s32 @!p2 $0x0  }
0x1d: {  	s5 =	simm.s32 @p1 $0x1;
	p0 =	seq.s32 s7, s2  }
0x1e: {  	s7 =	smul.u32 @!p0 $0xF7A, s2;
	p2 =	seq.s32 @!p0 s5, $0x0  }
0x1f: {  	s9 =	smul.u32 $0xF7A, s1;
	s8 =	simm.s32 @!p0 $0x1BF5;
	p2 =	por !p2, p0  }
0x20: {  	[sflag:s8] =	ssyncset.s32 @!p0 $0xFFFFF086;
	s6 =	sadd.s32 @!p0 s3, s7;
	s7 =	simm.s32 @!p0 $0x108  }
0x21: {  	s3 =	sadd.s32 s3, s9;
	s6 =	sadd.s32 @!p0 $0x88, s6;
	s7 =	simm.s32 @p2 $0x1082  }
0x22: {  	[simem:s7], [sflag:s8] =	dma.local @!p0 [hbm:s6], $0xF7A  }
0x23: {  	s9 =	sor.u32 $0xD0000000, s2;
	s6 =	simm.s32 $0x108;
	_ =	swait.ge @!p0 [sflag:s8], $0x0  }
0x24: {  	s3 =	sadd.s32 $0x88, s3;
	s6 =	simm.s32 @!p1 $0x1082;
	[sflag:s4] =	ssyncset.s32 $0xFFFFF086  }
0x25: {  	[simem:s6], [sflag:s4] =	dma.local [hbm:s3], $0xF7A  }
0x26: {  	[smem:$0x3FA0] =	sst s1;
	(tag) =	ssettag s2;
	_ =	strace s9  }
0x27: {  	s1 =	sld [smem:$0x3FB0]  }
0x28: {  	s2 =	sld [smem:$0x3FB1]  }
0x29: {  	s4 =	sld [smem:$0x3FB3]  }
0x2a: {  	p0 =	seq.s32 s5, $0x0;
	s5 =	sld [smem:$0x3FB4]  }
0x2b: {  	s6 =	sld [smem:$0x3FB5]  }
0x2c: {  	s7 =	sld [smem:$0x3FB6]  }
0x2d: {  	s3 =	simm.s32 $0x108;
	s8 =	sld [smem:$0x3FB7]  }
0x2e: {  	s3 =	simm.s32 @!p0 $0x1082;
	s9 =	sld [smem:$0x3FB8]  }
0x2f: {  	lr =	sadd.s32 s0, s3;
	s0 =	sld [smem:$0x3FAF]  }
0x30: {  	s3 =	sld [smem:$0x3FB2]  }
0x31: {  	[smem:$0x3FBB] =	sst s10  }
0x32: {  	s10 =	sld [smem:$0x3FB9];
	_ =	sdelay $0x3  }
0x33: {  	p0 =	seq.s32 s10, $0x1;
	s10 =	sld [smem:$0x3FBB];
	_ =	sdelay $0x3  }
0x34: {  	[smem:$0x3FBB] =	sst s10  }
0x35: {  	s10 =	sld [smem:$0x3FBA];
	_ =	sdelay $0x3  }
0x36: {  	p1 =	seq.s32 s10, $0x1;
	s10 =	sld [smem:$0x3FBB];
	_ =	sdelay $0x3  }
0x37: {  	[smem:$0x3FBB] =	sst s10  }
0x38: {  	s10 =	sld [smem:$0x3FBC]  }
0x39: {  	_ = 	snop;
	(pc) =	sbr.ind lr, $3  }
0x3a: {  	_ = 	snop  }
0x3b: {  	_ = 	snop  }
0x3c: {  	p2 =	seq.s32 s10, $0x1;
	s10 =	sld [smem:$0x3FBB]  }
0x3d: {  	_ =	shalt  }
0x3e: {  	_ =	shalt  }
0x3f: {  	_ =	shalt  }
0x40: {  	_ =	shalt  }
0x41: {  	_ =	shalt  }
0x42: {  	_ =	shalt  }
0x43: {  	_ =	shalt  }
0x44: {  	_ =	shalt  }
0x45: {  	_ =	shalt  }
0x46: {  	_ =	shalt  }
0x47: {  	_ =	shalt  }
0x48: {  	_ =	shalt  }
0x49: {  	_ =	shalt  }
0x4a: {  	_ =	shalt  }
0x4b: {  	_ =	shalt  }
0x4c: {  	_ =	shalt  }
0x4d: {  	_ =	shalt  }
0x4e: {  	_ =	shalt  }
0x4f: {  	_ =	shalt  }
0x50: {  	_ =	shalt  }
0x51: {  	_ =	shalt  }
0x52: {  	_ =	shalt  }
0x53: {  	_ =	shalt  }
0x54: {  	_ =	shalt  }
0x55: {  	_ =	shalt  }
0x56: {  	_ =	shalt  }
0x57: {  	_ =	shalt  }
0x58: {  	_ =	shalt  }
0x59: {  	_ =	shalt  }
0x5a: {  	_ =	shalt  }
0x5b: {  	_ =	shalt  }
0x5c: {  	_ =	shalt  }
0x5d: {  	_ =	shalt  }
0x5e: {  	_ =	shalt  }
0x5f: {  	_ =	shalt  }
0x60: {  	_ =	shalt  }
0x61: {  	_ =	shalt  }
0x62: {  	_ =	shalt  }
0x63: {  	_ =	shalt  }
0x64: {  	_ =	shalt  }
0x65: {  	_ =	shalt  }
0x66: {  	_ =	shalt  }
0x67: {  	_ =	shalt  }
0x68: {  	_ =	shalt  }
0x69: {  	_ =	shalt  }
0x6a: {  	_ =	shalt  }
0x6b: {  	_ =	shalt  }
0x6c: {  	_ =	shalt  }
0x6d: {  	_ =	shalt  }
0x6e: {  	_ =	shalt  }
0x6f: {  	_ =	shalt  }
0x70: {  	_ =	shalt  }
0x71: {  	_ =	shalt  }
0x72: {  	_ =	shalt  }
0x73: {  	_ =	shalt  }
0x74: {  	_ =	shalt  }
0x75: {  	_ =	shalt  }
0x76: {  	_ =	shalt  }
0x77: {  	_ =	shalt  }
0x78: {  	_ =	shalt  }
0x79: {  	_ =	shalt  }
0x7a: {  	_ =	shalt  }
0x7b: {  	_ =	shalt  }
0x7c: {  	_ =	shalt  }
0x7d: {  	_ =	shalt  }
0x7e: {  	_ =	shalt  }
0x7f: {  	_ =	shalt  }
0x80: {  	_ =	shalt  }
0x81: {  	_ =	shalt  }
0x82: {  	_ =	shalt  }
0x83: {  	_ =	shalt  }
0x84: {  	_ =	shalt  }
0x85: {  	_ =	shalt  }
0x86: {  	_ =	shalt  }
0x87: {  	_ =	shalt  }
.Lfunc_end0:
.L_simem_size_0:
called_computation_lowered:
.L_overlay_start_0:
0x88: {  	s0 =	sld [smem:$0x3FD9]  }
0x89: {  	s1 =	sld [smem:$0x3FFE];
	_ =	sdelay $0x3  }
0x8a: {  	s0 =	sadd.s32 s1, s0  }
0x8b: {  	[smem:$0x3FC7] =	sst s0  }
0x8c: {  	_ = 	snop  }
0x8d: {  	s0 =	sld [smem:$0x3FC9]  }
0x8e: {  	s17 =	sld [smem:$0x3FD0];
	(tm) =	ssettm $0x1  }
0x8f: {  	s2 =	sld [smem:$0x3FFB];
	_ =	sdelay $0x3  }
0x90: {  	_ =	strace s2  }
0x91: {  	s2 =	sld [smem:$0x3FFC];
	_ =	sdelay $0x3  }
0x92: {  	_ =	strace s2  }
0x93: {  	s2 =	sld [smem:$0x3FFD];
	_ =	sdelay $0x3  }
0x94: {  	_ =	strace s2  }
0x95: {  	_ =	strace $0x8FFFFFFF  }
0x96: {  	s18 =	sld [smem:$0x3FDB];
	_ =	sdelay $0x1  }
0x97: {  	s3 =	simm.s32 $_scs_section_size  }
0x98: {  	s4 =	simm.s32 $_size__tile_overlayer_lowered;
	s5 =	simm.s32 $_tile_overlayer_lowered  }
0x99: {  	s21 =	simm.s32 $0x1BFF;
	s20 =	sshll.u32 s5, $0x1;
	s2 =	sadd.s32 s3, s18  }
0x9a: {  	s6 =	simm.s32 $0x0;
	s19 =	sshll.u32 s4, $0x1;
	s4 =	sadd.s32 s20, s2  }
0x9b: {  	[timem:s6], [sflag:s21] =	dma.local [hbm:s4], s19  }
0x9c: {  	_ =	swait.ge [sflag:s21], s19  }
0x9d: {  	s3 =	ssub.s32 $0x0, s19;
	[sflag:s21] =	ssyncset.done $0x0  }
0x9e: {  	[sflag:s21] =	ssyncadd.s32 s3;
	_ =	sdelay $0x1  }
0x9f: {  	s22 =	simm.s32 $0x1B8B  }
0xa0: {  	_ =	swait.ge [sflag:s22], $0x1  }
0xa1: {  	[sflag:s22] =	ssyncset.done $0x0  }
0xa2: {  	s23 =	simm.s32 $0x1B8E;
	[sflag:s22] =	ssyncadd.s32 $0xFFFFFFFF  }
0xa3: {  	s24 =	simm.s32 $execute0_lowered;
	[smem:$0x3FD2] =	sst s23  }
0xa4: {  	s3 =	sshll.u32 s24, $0x1;
	_ =	strace $0x80000046;
	[dreg:$0x1] =	wrdreg $0xFFFFFFFF  }
0xa5: {  	s25 =	simm.s32 $_size_execute0_lowered;
	s2 =	sadd.s32 s2, s3;
	[dreg:$0x0] =	wrdreg $0x0  }
0xa6: {  	s3 =	sshll.u32 s25, $0x1;
	[dreg:$0x2] =	wrdreg s2  }
0xa7: {  	[dreg:$0x3] =	wrdreg s3  }
0xa8: {  	[dreg:$0x4] =	wrdreg $0xC0  }
0xa9: {  	_ =	task [dreg:s6], $0x5FFFF  }
0xaa: {  	[dreg:$0x1] =	wrdreg $0xFFFFFFFF  }
0xab: {  	[dreg:$0x0] =	wrdreg $0x60  }
0xac: {  	[dreg:$0x2] =	wrdreg s0  }
0xad: {  	[dreg:$0x3] =	wrdreg s17  }
0xae: {  	[dreg:$0x4] =	wrdreg $0x1A2000  }
0xaf: {  	[dreg:$0x5] =	wrdreg $0x1A2100  }
0xb0: {  	[dreg:$0x6] =	wrdreg $0x1B2100  }
0xb1: {  	[dreg:$0x7] =	wrdreg $0x9  }
0xb2: {  	_ =	task.clear_ibuf [dreg:s6], $0x8FFFF;
	_ =	strace $0x90000046  }
0xb3: {  	s26 =	simm.s32 $0x9;
	_ =	strace $0x80000048  }
0xb4: {  	_ =	swait.ge [sflag:s26], $0x1  }
0xb5: {  	[sflag:s26] =	ssyncadd.s32 $0xFFFFFFFF  }
0xb6: {  	_ =	strace $0x90000048  }
0xb7: {  	_ =	sfence  }
0xb8: {  	s28 =	sld [smem:$0x0];
	_ =	sdelay $0x1  }
0xb9: {  	s29 =	srdreg.scid  }
0xba: {  	s30 =	sshll.u32 s29, $0xD;
	s31 =	sshrl.u32 s29, $0x2  }
0xbb: {  	s1 =	sand.u32 $0x1, s29;
	s2 =	sand.u32 $0x4000, s30;
	s0 =	sadd.s32 s31, s28  }
0xbc: {  	s1 =	sor.u32 s2, s1;
	s0 =	sshll.u32 s0, $0x11  }
0xbd: {  	s0 =	sor.u32 s0, s1  }
0xbe: {  	s0 =	sadd.s32 $0x8F2B, s0  }
0xbf: {  	[sflag:s0] =	ssyncadd.remote.s32 $0x1  }
0xc0: {  	_ =	sfence.sel $0xFFFF  }
0xc1: {  	[dreg:$0x0] =	wrdreg $0xFFFFFFFF;
	(pc) =	sbr.abs _section_cstart, $3  }
0xc2: {  	[dreg:$0x1] =	wrdreg $0xFFFFFFFF  }
0xc3: {  	_ =	task.clear_ibuf [dreg:s6], $0x2FFFF;
	_ =	strace $0x9FFFFFFF  }
0xc4: {  	(tm) =	ssettm $0x7FFFFFFF  }
0xc5: {  	_ =	shalt  }
tec
execute0_lowered:
.L_overlay_start_1:
0x0: {  	(tag) =	ssettag $0x1  }
0x1: {  	s0 =	rddreg [dreg:$0x0]  }
0x2: {  	s20 =	rddreg [dreg:$0x1]  }
0x3: {  	s3 =	rddreg [dreg:$0x2]  }
0x4: {  	s2 =	rddreg [dreg:$0x3]  }
0x5: {  	s24 =	rddreg [dreg:$0x4];
	s1 =	simm.s32 $0x0  }
0x6: {  	v0 =	vimm.s32 $0x0;
	[smem:$0x7FF] =	sst s1;
	s1 =	simm.s32 $0x8040  }
0x7: {  	s19 =	rddreg [dreg:$0x5];
	_ =	strace $0x80000047;
	[tilespmem:s1+$0xFFFFFFC0] =	vst v0  }
0x8: {  	[tilespmem:s1+$0x30] =	vst v0  }
0x9: {  	[tilespmem:s1+$0x20] =	vst v0  }
0xa: {  	[tilespmem:s1+$0x10] =	vst v0  }
0xb: {  	s26 =	stileid.u32;
	[tilespmem:s1+$0x0] =	vst v0  }
0xc: {  	s4 =	sshll.u32 s26, $0x10;
	[tilespmem:s1+$0xFFFFFFF0] =	vst v0  }
0xd: {  	s5 =	simm.s32 $0x0;
	s23 =	sadd.s32 s0, s4;
	[tilespmem:s1+$0xFFFFFFE0] =	vst v0  }
.LBB2_1:
0xe: {  	s5 =	sadd.s32 $0x8, s5;
	[tilespmem:s1+$0xFFFFFFD0] =	vst v0;
	s1 =	sadd.s32 $0x80, s1  }
0xf: {  	[tilespmem:s1+$0xFFFFFFC0] =	vst v0;
	p0 =	slt.u32 s5, $0xFF8  }
0x10: {  	[tilespmem:s1+$0x30] =	vst v0  }
.Ltmp0:
0x11: {  	[tilespmem:s1+$0x20] =	vst v0;
	(pc) =	sbr.rel @p0 .LBB2_1-.Ltmp0, $4  }
0x12: {  	[tilespmem:s1+$0x10] =	vst v0  }
0x13: {  	[tilespmem:s1+$0x0] =	vst v0  }
0x14: {  	[tilespmem:s1+$0xFFFFFFF0] =	vst v0  }
0x15: {  	[tilespmem:s1+$0xFFFFFFE0] =	vst v0  }
0x16: {  	s0 =	sadd.s32 s4, s0;
	s6 =	simm.s32 $0x0;
	s7 =	simm.s32 $0x4000  }
0x17: {  	[tilespmem:s1+$0xFFFFFFD0] =	vst v0;
	s8 =	simm.s32 $0x1;
	s9 =	simm.s32 $0x8000;
	s10 =	simm.s32 $0x2  }
0x18: {  	[tilespmem:s6], [sflag:$0x1] =	stream.linear.gather [hbm4b:s23+s6], $0x4000, $0x38;
	[tilespmem:$0x1B218] =	vst v63  }
0x19: {  	v0 =	vimm.s32 $0x1;
	s11 =	simm.s32 $0x0;
	s4 =	sadd.s32 $0x1000, s0;
	s5 =	sadd.s32 $0x800, s0  }
.LBB2_3:
0x1a: {  	s0 =	sshll.u32 s11, $0xC  }
0x1b: {  	s31 =	sand.u32 $0x6000, s6;
	s0 =	sadd.s32 s5, s0  }
0x1c: {  	[tilespmem:s7], [sflag:$0x2] =	stream.linear.gather [hbm4b:s0+s6], $0x4000, $0x38;
	[tilespmem:$0x1B218] =	vst v63  }
0x1d: {  	s1 =	sand.u32 $0x2000, s6;
	s0 =	sshrl.u32 s31, $0x2;
	_ =	swait.ge [sflag:s8], $0x4000  }
0x1e: {  	s12 =	sand.u32 $0x380, s6;
	s0 =	sor.u32 s0, s1;
	[sflag:s8] =	ssyncset.done $0x0  }
0x1f: {  	s0 =	sor.u32 s12, s0;
	[sflag:s8] =	ssyncadd.s32 $0xFFFFC000  }
0x20: {  	v1 =	vld [tilespmem:s0+$0x60]  }
0x21: {  	v2 =	vld [tilespmem:s0+$0x50]  }
0x22: {  	v3 =	vld [tilespmem:s0+$0x40]  }
0x23: {  	v4 =	vld [tilespmem:s0+$0x30]  }
0x24: {  	v5 =	vld [tilespmem:s0+$0x20]  }
0x25: {  	v6 =	vld [tilespmem:s0+$0x10]  }
0x26: {  	v7 =	vld [tilespmem:s0+$0x0]  }
0x27: {  	v8 =	vld [tilespmem:s0+$0x70]  }
0x28: {  	v9 =	vld [tilespmem:s0+$0x400]  }
0x29: {  	v10 =	vld [tilespmem:s0+$0x410]  }
0x2a: {  	v11 =	vld [tilespmem:s0+$0x420]  }
0x2b: {  	v12 =	vld [tilespmem:s0+$0x430];
	v7 =	vshrl.u32 v7, $0x10  }
0x2c: {  	v13 =	vld [tilespmem:s0+$0x440];
	v6 =	vshrl.u32 v6, $0x10  }
0x2d: {  	v14 =	vld [tilespmem:s0+$0x450];
	v5 =	vshrl.u32 v5, $0x10  }
0x2e: {  	v15 =	vld [tilespmem:s0+$0x460];
	v4 =	vshrl.u32 v4, $0x10  }
0x2f: {  	v16 =	vld [tilespmem:s0+$0x470];
	v3 =	vshrl.u32 v3, $0x10  }
0x30: {  	v2 =	vshrl.u32 v2, $0x10;
	[tilespmem:v7+s9+$0x0] =	vst.idx.add.s32.msk $0xffff, v0  }
0x31: {  	v1 =	vshrl.u32 v1, $0x10;
	[tilespmem:v6+s9+$0x0] =	vst.idx.add.s32.msk $0xffff, v0  }
0x32: {  	v6 =	vshrl.u32 v8, $0x10;
	[tilespmem:v5+s9+$0x0] =	vst.idx.add.s32.msk $0xffff, v0  }
0x33: {  	v5 =	vshrl.u32 v9, $0x10;
	[tilespmem:v4+s9+$0x0] =	vst.idx.add.s32.msk $0xffff, v0  }
0x34: {  	v4 =	vshrl.u32 v10, $0x10;
	[tilespmem:v3+s9+$0x0] =	vst.idx.add.s32.msk $0xffff, v0  }
0x35: {  	v7 =	vshrl.u32 v11, $0x10;
	[tilespmem:v2+s9+$0x0] =	vst.idx.add.s32.msk $0xffff, v0  }
0x36: {  	v63 =	vshrl.u32 v12, $0x10;
	[tilespmem:v1+s9+$0x0] =	vst.idx.add.s32.msk $0xffff, v0  }
0x37: {  	[tilespmem:v6+s9+$0x0] =	vst.idx.add.s32.msk $0xffff, v0  }
0x38: {  	v3 =	vshrl.u32 v13, $0x10;
	[tilespmem:v5+s9+$0x0] =	vst.idx.add.s32.msk $0xffff, v0  }
0x39: {  	[tilespmem:v4+s9+$0x0] =	vst.idx.add.s32.msk $0xffff, v0;
	v4 =	vshrl.u32 v14, $0x10  }
0x3a: {  	v2 =	vshrl.u32 v15, $0x10;
	[tilespmem:v7+s9+$0x0] =	vst.idx.add.s32.msk $0xffff, v0  }
0x3b: {  	s13 =	simm.s32 $0x2000;
	s1 =	simm.s32 $0x0;
	s0 =	simm.s32 $0x100;
	v1 =	vshrl.u32 v16, $0x10;
	[tilespmem:v63+s9+$0x0] =	vst.idx.add.s32.msk $0xffff, v0  }
.LBB2_4:
0x3c: {  	s12 =	smov.u32 s13  }
0x3d: {  	s14 =	sand.u32 $0x6000, s13;
	[tilespmem:v3+s9+$0x0] =	vst.idx.add.s32.msk $0xffff, v0;
	s1 =	sadd.s32 $0x20, s1;
	s12 =	sadd.s32 $0x2000, s13  }
0x3e: {  	s15 =	sand.u32 $0x2000, s0;
	p0 =	sne.s32 s13, $0x7E000;
	s14 =	sshrl.u32 s14, $0x2;
	[tilespmem:v4+s9+$0x0] =	vst.idx.add.s32.msk $0xffff, v0  }
0x3f: {  	s13 =	sand.u32 $0x380, s1;
	s14 =	sor.u32 s14, s15;
	[tilespmem:v2+s9+$0x0] =	vst.idx.add.s32.msk $0xffff, v0  }
0x40: {  	s13 =	sor.u32 s13, s14;
	[tilespmem:v1+s9+$0x0] =	vst.idx.add.s32.msk $0xffff, v0  }
0x41: {  	v1 =	vld [tilespmem:s13+$0x60]  }
0x42: {  	v2 =	vld [tilespmem:s13+$0x50]  }
0x43: {  	v3 =	vld [tilespmem:s13+$0x40]  }
0x44: {  	v4 =	vld [tilespmem:s13+$0x30]  }
0x45: {  	v5 =	vld [tilespmem:s13+$0x20]  }
0x46: {  	v6 =	vld [tilespmem:s13+$0x10]  }
0x47: {  	v7 =	vld [tilespmem:s13+$0x0]  }
0x48: {  	v8 =	vld [tilespmem:s13+$0x70]  }
0x49: {  	v9 =	vld [tilespmem:s13+$0x400];
	v4 =	vshrl.u32 v4, $0x10  }
0x4a: {  	v11 =	vshrl.u32 v3, $0x10;
	v10 =	vld [tilespmem:s13+$0x410]  }
0x4b: {  	v2 =	vshrl.u32 v2, $0x10;
	v3 =	vld [tilespmem:s13+$0x420]  }
0x4c: {  	v1 =	vshrl.u32 v1, $0x10;
	v5 =	vshrl.u32 v5, $0x10;
	v12 =	vld [tilespmem:s13+$0x430];
	v7 =	vshrl.u32 v7, $0x10  }
0x4d: {  	v6 =	vshrl.u32 v6, $0x10;
	v13 =	vld [tilespmem:s13+$0x440];
	v8 =	vshrl.u32 v8, $0x10  }
0x4e: {  	v14 =	vld [tilespmem:s13+$0x450];
	v9 =	vshrl.u32 v9, $0x10  }
0x4f: {  	v15 =	vld [tilespmem:s13+$0x460];
	v10 =	vshrl.u32 v10, $0x10  }
0x50: {  	v16 =	vld [tilespmem:s13+$0x470]  }
0x51: {  	[tilespmem:v7+s9+$0x0] =	vst.idx.add.s32.msk $0xffff, v0  }
0x52: {  	v7 =	vshrl.u32 v3, $0x10;
	[tilespmem:v6+s9+$0x0] =	vst.idx.add.s32.msk $0xffff, v0  }
0x53: {  	[tilespmem:v5+s9+$0x0] =	vst.idx.add.s32.msk $0xffff, v0  }
0x54: {  	v5 =	vshrl.u32 v12, $0x10;
	[tilespmem:v4+s9+$0x0] =	vst.idx.add.s32.msk $0xffff, v0  }
0x55: {  	v3 =	vshrl.u32 v13, $0x10;
	[tilespmem:v11+s9+$0x0] =	vst.idx.add.s32.msk $0xffff, v0  }
0x56: {  	[tilespmem:v2+s9+$0x0] =	vst.idx.add.s32.msk $0xffff, v0  }
0x57: {  	[tilespmem:v1+s9+$0x0] =	vst.idx.add.s32.msk $0xffff, v0  }
.Ltmp1:
0x58: {  	v4 =	vshrl.u32 v14, $0x10;
	[tilespmem:v8+s9+$0x0] =	vst.idx.add.s32.msk $0xffff, v0;
	(pc) =	sbr.rel @p0 .LBB2_4-.Ltmp1, $4  }
0x59: {  	v2 =	vshrl.u32 v15, $0x10;
	[tilespmem:v9+s9+$0x0] =	vst.idx.add.s32.msk $0xffff, v0  }
0x5a: {  	v1 =	vshrl.u32 v16, $0x10;
	[tilespmem:v10+s9+$0x0] =	vst.idx.add.s32.msk $0xffff, v0  }
0x5b: {  	[tilespmem:v7+s9+$0x0] =	vst.idx.add.s32.msk $0xffff, v0  }
0x5c: {  	s0 =	sadd.s32 $0x100, s0;
	s13 =	smov.u32 s12;
	[tilespmem:v5+s9+$0x0] =	vst.idx.add.s32.msk $0xffff, v0  }
0x5d: {  	_ =	sdelay $0x3  }
0x5e: {  	[tilespmem:v3+s9+$0x0] =	vst.idx.add.s32.msk $0xffff, v0;
	s0 =	sshll.u32 s11, $0x1  }
0x5f: {  	[tilespmem:v4+s9+$0x0] =	vst.idx.add.s32.msk $0xffff, v0;
	s0 =	smin.u32 s0, $0x1C  }
0x60: {  	[tilespmem:v2+s9+$0x0] =	vst.idx.add.s32.msk $0xffff, v0;
	s0 =	sshll.u32 s0, $0xB  }
0x61: {  	[tilespmem:v1+s9+$0x0] =	vst.idx.add.s32.msk $0xffff, v0;
	s1 =	sadd.s32 s0, s4;
	s0 =	simm.s32 $0x0  }
0x62: {  	[tilespmem:s0], [sflag:$0x1] =	stream.linear.gather [hbm4b:s1+s0], $0x4000, $0x38;
	[tilespmem:$0x1B218] =	vst v63  }
0x63: {  	s31 =	sand.u32 $0x6000, s0  }
0x64: {  	s12 =	sand.u32 $0x2000, s0;
	_ =	swait.ge [sflag:s10], $0x4000;
	s1 =	sshrl.u32 s31, $0x2  }
0x65: {  	s13 =	sand.u32 $0x380, s0;
	[sflag:s10] =	ssyncset.done $0x0;
	s1 =	sor.u32 s1, s12  }
0x66: {  	[sflag:s10] =	ssyncadd.s32 $0xFFFFC000;
	s1 =	sor.u32 s13, s1  }
0x67: {  	v1 =	vld [tilespmem:s1+$0x4060]  }
0x68: {  	v2 =	vld [tilespmem:s1+$0x4050]  }
0x69: {  	v3 =	vld [tilespmem:s1+$0x4040]  }
0x6a: {  	v4 =	vld [tilespmem:s1+$0x4030]  }
0x6b: {  	v5 =	vld [tilespmem:s1+$0x4020]  }
0x6c: {  	v6 =	vld [tilespmem:s1+$0x4010]  }
0x6d: {  	v7 =	vld [tilespmem:s1+$0x4000]  }
0x6e: {  	v8 =	vld [tilespmem:s1+$0x4070]  }
0x6f: {  	v9 =	vld [tilespmem:s1+$0x4400]  }
0x70: {  	v10 =	vld [tilespmem:s1+$0x4410]  }
0x71: {  	v11 =	vld [tilespmem:s1+$0x4420]  }
0x72: {  	v12 =	vld [tilespmem:s1+$0x4430];
	v7 =	vshrl.u32 v7, $0x10  }
0x73: {  	v13 =	vld [tilespmem:s1+$0x4440];
	v6 =	vshrl.u32 v6, $0x10  }
0x74: {  	v14 =	vld [tilespmem:s1+$0x4450];
	v5 =	vshrl.u32 v5, $0x10  }
0x75: {  	v15 =	vld [tilespmem:s1+$0x4460];
	v4 =	vshrl.u32 v4, $0x10  }
0x76: {  	v16 =	vld [tilespmem:s1+$0x4470];
	v3 =	vshrl.u32 v3, $0x10  }
0x77: {  	v2 =	vshrl.u32 v2, $0x10;
	[tilespmem:v7+s9+$0x0] =	vst.idx.add.s32.msk $0xffff, v0  }
0x78: {  	v1 =	vshrl.u32 v1, $0x10;
	[tilespmem:v6+s9+$0x0] =	vst.idx.add.s32.msk $0xffff, v0  }
0x79: {  	v6 =	vshrl.u32 v8, $0x10;
	[tilespmem:v5+s9+$0x0] =	vst.idx.add.s32.msk $0xffff, v0  }
0x7a: {  	v5 =	vshrl.u32 v9, $0x10;
	[tilespmem:v4+s9+$0x0] =	vst.idx.add.s32.msk $0xffff, v0  }
0x7b: {  	v4 =	vshrl.u32 v10, $0x10;
	[tilespmem:v3+s9+$0x0] =	vst.idx.add.s32.msk $0xffff, v0  }
0x7c: {  	v7 =	vshrl.u32 v11, $0x10;
	[tilespmem:v2+s9+$0x0] =	vst.idx.add.s32.msk $0xffff, v0  }
0x7d: {  	v63 =	vshrl.u32 v12, $0x10;
	[tilespmem:v1+s9+$0x0] =	vst.idx.add.s32.msk $0xffff, v0  }
0x7e: {  	[tilespmem:v6+s9+$0x0] =	vst.idx.add.s32.msk $0xffff, v0  }
0x7f: {  	v3 =	vshrl.u32 v13, $0x10;
	[tilespmem:v5+s9+$0x0] =	vst.idx.add.s32.msk $0xffff, v0  }
0x80: {  	[tilespmem:v4+s9+$0x0] =	vst.idx.add.s32.msk $0xffff, v0;
	v4 =	vshrl.u32 v14, $0x10  }
0x81: {  	v2 =	vshrl.u32 v15, $0x10;
	[tilespmem:v7+s9+$0x0] =	vst.idx.add.s32.msk $0xffff, v0  }
0x82: {  	s13 =	simm.s32 $0x2000;
	s1 =	simm.s32 $0x100;
	v1 =	vshrl.u32 v16, $0x10;
	[tilespmem:v63+s9+$0x0] =	vst.idx.add.s32.msk $0xffff, v0  }
.LBB2_6:
0x83: {  	s12 =	smov.u32 s13  }
0x84: {  	s14 =	sand.u32 $0x6000, s13;
	[tilespmem:v3+s9+$0x0] =	vst.idx.add.s32.msk $0xffff, v0;
	s0 =	sadd.s32 $0x20, s0;
	s12 =	sadd.s32 $0x2000, s13  }
0x85: {  	s15 =	sand.u32 $0x2000, s1;
	p0 =	sne.s32 s13, $0x7E000;
	s14 =	sshrl.u32 s14, $0x2;
	[tilespmem:v4+s9+$0x0] =	vst.idx.add.s32.msk $0xffff, v0  }
0x86: {  	s13 =	sand.u32 $0x380, s0;
	s14 =	sor.u32 s14, s15;
	[tilespmem:v2+s9+$0x0] =	vst.idx.add.s32.msk $0xffff, v0  }
0x87: {  	s13 =	sor.u32 s13, s14;
	[tilespmem:v1+s9+$0x0] =	vst.idx.add.s32.msk $0xffff, v0  }
0x88: {  	v1 =	vld [tilespmem:s13+$0x4060]  }
0x89: {  	v2 =	vld [tilespmem:s13+$0x4050]  }
0x8a: {  	v3 =	vld [tilespmem:s13+$0x4040]  }
0x8b: {  	v4 =	vld [tilespmem:s13+$0x4030]  }
0x8c: {  	v5 =	vld [tilespmem:s13+$0x4020]  }
0x8d: {  	v6 =	vld [tilespmem:s13+$0x4010]  }
0x8e: {  	v7 =	vld [tilespmem:s13+$0x4000]  }
0x8f: {  	v8 =	vld [tilespmem:s13+$0x4070]  }
0x90: {  	v9 =	vld [tilespmem:s13+$0x4400];
	v4 =	vshrl.u32 v4, $0x10  }
0x91: {  	v11 =	vshrl.u32 v3, $0x10;
	v10 =	vld [tilespmem:s13+$0x4410]  }
0x92: {  	v2 =	vshrl.u32 v2, $0x10;
	v3 =	vld [tilespmem:s13+$0x4420]  }
0x93: {  	v1 =	vshrl.u32 v1, $0x10;
	v5 =	vshrl.u32 v5, $0x10;
	v12 =	vld [tilespmem:s13+$0x4430];
	v7 =	vshrl.u32 v7, $0x10  }
0x94: {  	v6 =	vshrl.u32 v6, $0x10;
	v13 =	vld [tilespmem:s13+$0x4440];
	v8 =	vshrl.u32 v8, $0x10  }
0x95: {  	v14 =	vld [tilespmem:s13+$0x4450];
	v9 =	vshrl.u32 v9, $0x10  }
0x96: {  	v15 =	vld [tilespmem:s13+$0x4460];
	v10 =	vshrl.u32 v10, $0x10  }
0x97: {  	v16 =	vld [tilespmem:s13+$0x4470]  }
0x98: {  	[tilespmem:v7+s9+$0x0] =	vst.idx.add.s32.msk $0xffff, v0  }
0x99: {  	v7 =	vshrl.u32 v3, $0x10;
	[tilespmem:v6+s9+$0x0] =	vst.idx.add.s32.msk $0xffff, v0  }
0x9a: {  	[tilespmem:v5+s9+$0x0] =	vst.idx.add.s32.msk $0xffff, v0  }
0x9b: {  	v5 =	vshrl.u32 v12, $0x10;
	[tilespmem:v4+s9+$0x0] =	vst.idx.add.s32.msk $0xffff, v0  }
0x9c: {  	v3 =	vshrl.u32 v13, $0x10;
	[tilespmem:v11+s9+$0x0] =	vst.idx.add.s32.msk $0xffff, v0  }
0x9d: {  	[tilespmem:v2+s9+$0x0] =	vst.idx.add.s32.msk $0xffff, v0  }
0x9e: {  	[tilespmem:v1+s9+$0x0] =	vst.idx.add.s32.msk $0xffff, v0  }
.Ltmp2:
0x9f: {  	v4 =	vshrl.u32 v14, $0x10;
	[tilespmem:v8+s9+$0x0] =	vst.idx.add.s32.msk $0xffff, v0;
	(pc) =	sbr.rel @p0 .LBB2_6-.Ltmp2, $4  }
0xa0: {  	v2 =	vshrl.u32 v15, $0x10;
	[tilespmem:v9+s9+$0x0] =	vst.idx.add.s32.msk $0xffff, v0  }
0xa1: {  	v1 =	vshrl.u32 v16, $0x10;
	[tilespmem:v10+s9+$0x0] =	vst.idx.add.s32.msk $0xffff, v0  }
0xa2: {  	[tilespmem:v7+s9+$0x0] =	vst.idx.add.s32.msk $0xffff, v0  }
0xa3: {  	s1 =	sadd.s32 $0x100, s1;
	s13 =	smov.u32 s12;
	[tilespmem:v5+s9+$0x0] =	vst.idx.add.s32.msk $0xffff, v0  }
0xa4: {  	_ = 	snop  }
0xa5: {  	s11 =	sadd.s32 $0x1, s11  }
0xa6: {  	p0 =	sne.s32 s11, $0x10  }
.Ltmp3:
0xa7: {  	_ = 	snop;
	(pc) =	sbr.rel @p0 .LBB2_3-.Ltmp3, $4  }
0xa8: {  	[tilespmem:v3+s9+$0x0] =	vst.idx.add.s32.msk $0xffff, v0  }
0xa9: {  	[tilespmem:v4+s9+$0x0] =	vst.idx.add.s32.msk $0xffff, v0  }
0xaa: {  	[tilespmem:v2+s9+$0x0] =	vst.idx.add.s32.msk $0xffff, v0  }
0xab: {  	[tilespmem:v1+s9+$0x0] =	vst.idx.add.s32.msk $0xffff, v0  }
0xac: {  	s0 =	simm.s32 $0x1  }
0xad: {  	_ =	swait.ge [sflag:s0], $0x4000  }
0xae: {  	[sflag:s0] =	ssyncset.done $0x0  }
0xaf: {  	v1 =	vimm.s32 $0x0;
	s1 =	simm.s32 $0x8040;
	v2 =	vlaneseq.u32;
	v0 =	vimm.s32 $0x0;
	[sflag:s0] =	ssyncadd.s32 $0xFFFFC000;
	s0 =	simm.s32 $0x0  }
.LBB2_9:
0xb0: {  	v5 =	vld [tilespmem:s1+$0xFFFFFFC0]  }
0xb1: {  	v6 =	vld [tilespmem:s1+$0xFFFFFFD0]  }
0xb2: {  	v7 =	vld [tilespmem:s1+$0xFFFFFFE0]  }
0xb3: {  	v4 =	vld [tilespmem:s1+$0xFFFFFFF0]  }
0xb4: {  	v3 =	vld [tilespmem:s1+$0x0]  }
0xb5: {  	v8 =	vadd.s32 v1, v5;
	v5 =	vld [tilespmem:s1+$0x10]  }
0xb6: {  	v8 =	vadd.s32 v6, v8;
	v6 =	vld [tilespmem:s1+$0x20]  }
0xb7: {  	s6 =	simm.s32 $0x0;
	s7 =	sadd.s32 $0x80, s1;
	v8 =	vadd.s32 v7, v8;
	v7 =	vld [tilespmem:s1+$0x30]  }
.LBB2_10:
0xb8: {  	v9 =	vld [tilespmem:s7+$0xFFFFFFC0];
	s6 =	sadd.s32 $0x8, s6;
	v4 =	vadd.s32 v4, v8  }
0xb9: {  	v8 =	vld [tilespmem:s7+$0xFFFFFFD0];
	p0 =	slt.u32 s6, $0xF8;
	v3 =	vadd.s32 v3, v4  }
0xba: {  	v10 =	vld [tilespmem:s7+$0xFFFFFFE0];
	v3 =	vadd.s32 v5, v3  }
.Ltmp4:
0xbb: {  	v4 =	vld [tilespmem:s7+$0xFFFFFFF0];
	v5 =	vadd.s32 v6, v3;
	(pc) =	sbr.rel @p0 .LBB2_10-.Ltmp4, $4  }
0xbc: {  	v3 =	vld [tilespmem:s7+$0x0];
	v5 =	vadd.s32 v7, v5  }
0xbd: {  	v6 =	vadd.s32 v5, v9;
	v5 =	vld [tilespmem:s7+$0x10]  }
0xbe: {  	v7 =	vadd.s32 v8, v6;
	v6 =	vld [tilespmem:s7+$0x20]  }
0xbf: {  	v8 =	vadd.s32 v10, v7;
	v7 =	vld [tilespmem:s7+$0x30];
	s7 =	sadd.s32 $0x80, s7  }
0xc0: {  	v4 =	vadd.s32 v4, v8  }
0xc1: {  	v3 =	vadd.s32 v3, v4  }
0xc2: {  	v3 =	vadd.s32 v5, v3  }
0xc3: {  	v3 =	vadd.s32 v6, v3  }
0xc4: {  	v3 =	vadd.s32 v7, v3  }
0xc5: {  	(xrf0) =	vadd.scan.msk.s32 $0xffff, v3;
	_ =	sdelay $0x3  }
0xc6: {  	v63 =	vmov s0;
	s0 =	sadd.s32 $0x1, s0  }
0xc7: {  	p0 =	sne.s32 s0, $0x10  }
.Ltmp5:
0xc8: {  	v3, _, _ =	vpop (xrf0);
	(pc) =	sbr.rel @p0 .LBB2_9-.Ltmp5, $4  }
0xc9: {  	v3 =	vbroadcast v3, $0xF  }
0xca: {  	vm0 =	veq.s32 v63, v2  }
0xcb: {  	v3 =	vnsel vm0, $0x0, v3  }
0xcc: {  	s1 =	sadd.s32 $0x1000, s1;
	v0 =	vadd.s32 v0, v3  }
0xcd: {  	s0 =	sshll.u32 s26, $0x7  }
0xce: {  	[tilespmem:$0x1A000] =	vst v0;
	s1 =	simm.s32 $0x1A000;
	s25 =	simm.s32 $0x3;
	s10 =	sadd.s32 s0, s3  }
0xcf: {  	[spmem:s10] =	stream.linear.scatter [tilespmem:s1], [sflag:$0x3], $0x80, $0x38;
	[tilespmem:$0x1B218] =	vst v63  }
0xd0: {  	_ =	swait.ge [sflag:s25], $0x80  }
0xd1: {  	[sflag:s25] =	ssyncset.done $0x0  }
0xd2: {  	[sflag:s25] =	ssyncadd.s32 $0xFFFFFF80  }
0xd3: {  	s9 =	simm.s32 $0x1A080;
	[bflag:$0x0] =	sbarrier.arrive $0xFFFF  }
0xd4: {  	[tilespmem:s9], [sflag:$0x3] =	stream.linear.gather [spmem:s3], $0x80, $0x38;
	[tilespmem:$0x1B218] =	vst v63  }
0xd5: {  	_ =	swait.ge [sflag:s25], $0x80  }
0xd6: {  	[sflag:s25] =	ssyncset.done $0x0  }
0xd7: {  	s11 =	sadd.s32 $0x80, s3;
	[sflag:s25] =	ssyncadd.s32 $0xFFFFFF80  }
0xd8: {  	v0 =	vld [tilespmem:$0x1A080];
	[tilespmem:s9], [sflag:$0x3] =	stream.linear.gather [spmem:s11], $0x80, $0x38  }
0xd9: {  	_ =	swait.ge [sflag:s25], $0x80  }
0xda: {  	[sflag:s25] =	ssyncset.done $0x0  }
0xdb: {  	s12 =	sadd.s32 $0x100, s3;
	[sflag:s25] =	ssyncadd.s32 $0xFFFFFF80  }
0xdc: {  	v1 =	vld [tilespmem:$0x1A080];
	[tilespmem:s9], [sflag:$0x3] =	stream.linear.gather [spmem:s12], $0x80, $0x38  }
0xdd: {  	_ =	swait.ge [sflag:s25], $0x80  }
0xde: {  	[sflag:s25] =	ssyncset.done $0x0  }
0xdf: {  	s13 =	sadd.s32 $0x180, s3;
	[sflag:s25] =	ssyncadd.s32 $0xFFFFFF80  }
0xe0: {  	v2 =	vld [tilespmem:$0x1A080];
	[tilespmem:s9], [sflag:$0x3] =	stream.linear.gather [spmem:s13], $0x80, $0x38  }
0xe1: {  	_ =	swait.ge [sflag:s25], $0x80  }
0xe2: {  	[sflag:s25] =	ssyncset.done $0x0  }
0xe3: {  	s14 =	sadd.s32 $0x200, s3;
	[sflag:s25] =	ssyncadd.s32 $0xFFFFFF80  }
0xe4: {  	v3 =	vld [tilespmem:$0x1A080];
	[tilespmem:s9], [sflag:$0x3] =	stream.linear.gather [spmem:s14], $0x80, $0x38  }
0xe5: {  	_ =	swait.ge [sflag:s25], $0x80  }
0xe6: {  	[sflag:s25] =	ssyncset.done $0x0  }
0xe7: {  	s15 =	sadd.s32 $0x280, s3;
	[sflag:s25] =	ssyncadd.s32 $0xFFFFFF80  }
0xe8: {  	v4 =	vld [tilespmem:$0x1A080];
	[tilespmem:s9], [sflag:$0x3] =	stream.linear.gather [spmem:s15], $0x80, $0x38  }
0xe9: {  	_ =	swait.ge [sflag:s25], $0x80  }
0xea: {  	[sflag:s25] =	ssyncset.done $0x0  }
0xeb: {  	s16 =	sadd.s32 $0x300, s3;
	[sflag:s25] =	ssyncadd.s32 $0xFFFFFF80  }
0xec: {  	v5 =	vld [tilespmem:$0x1A080];
	[tilespmem:s9], [sflag:$0x3] =	stream.linear.gather [spmem:s16], $0x80, $0x38  }
0xed: {  	_ =	swait.ge [sflag:s25], $0x80  }
0xee: {  	[sflag:s25] =	ssyncset.done $0x0  }
0xef: {  	s17 =	sadd.s32 $0x380, s3;
	[sflag:s25] =	ssyncadd.s32 $0xFFFFFF80  }
0xf0: {  	v6 =	vld [tilespmem:$0x1A080];
	[tilespmem:s9], [sflag:$0x3] =	stream.linear.gather [spmem:s17], $0x80, $0x38  }
0xf1: {  	_ =	swait.ge [sflag:s25], $0x80  }
0xf2: {  	[sflag:s25] =	ssyncset.done $0x0  }
0xf3: {  	s18 =	sadd.s32 $0x400, s3;
	[sflag:s25] =	ssyncadd.s32 $0xFFFFFF80  }
0xf4: {  	v7 =	vld [tilespmem:$0x1A080];
	[tilespmem:s9], [sflag:$0x3] =	stream.linear.gather [spmem:s18], $0x80, $0x38  }
0xf5: {  	_ =	swait.ge [sflag:s25], $0x80  }
0xf6: {  	[sflag:s25] =	ssyncset.done $0x0  }
0xf7: {  	s30 =	sadd.s32 $0x480, s3;
	[sflag:s25] =	ssyncadd.s32 $0xFFFFFF80  }
0xf8: {  	v8 =	vld [tilespmem:$0x1A080];
	[tilespmem:s9], [sflag:$0x3] =	stream.linear.gather [spmem:s30], $0x80, $0x38  }
0xf9: {  	_ =	swait.ge [sflag:s25], $0x80  }
0xfa: {  	s6 =	sadd.s32 $0x500, s3;
	[sflag:s25] =	ssyncset.done $0x0  }
0xfb: {  	[dreg:$0x11] =	wrdreg s6;
	[sflag:s25] =	ssyncadd.s32 $0xFFFFFF80  }
0xfc: {  	v9 =	vld [tilespmem:$0x1A080];
	[tilespmem:s9], [sflag:$0x3] =	stream.linear.gather [spmem:s6], $0x80, $0x38  }
0xfd: {  	_ =	swait.ge [sflag:s25], $0x80  }
0xfe: {  	s21 =	sadd.s32 $0x580, s3;
	[sflag:s25] =	ssyncset.done $0x0  }
0xff: {  	[dreg:$0x12] =	wrdreg s21;
	[sflag:s25] =	ssyncadd.s32 $0xFFFFFF80  }
0x100: {  	v10 =	vld [tilespmem:$0x1A080];
	[tilespmem:s9], [sflag:$0x3] =	stream.linear.gather [spmem:s21], $0x80, $0x38  }
0x101: {  	_ =	swait.ge [sflag:s25], $0x80  }
0x102: {  	s22 =	sadd.s32 $0x600, s3;
	[sflag:s25] =	ssyncset.done $0x0  }
0x103: {  	[dreg:$0x13] =	wrdreg s22;
	[sflag:s25] =	ssyncadd.s32 $0xFFFFFF80  }
0x104: {  	v11 =	vld [tilespmem:$0x1A080];
	[tilespmem:s9], [sflag:$0x3] =	stream.linear.gather [spmem:s22], $0x80, $0x38  }
0x105: {  	_ =	swait.ge [sflag:s25], $0x80  }
0x106: {  	s7 =	sadd.s32 $0x680, s3;
	[sflag:s25] =	ssyncset.done $0x0  }
0x107: {  	[dreg:$0x14] =	wrdreg s7;
	[sflag:s25] =	ssyncadd.s32 $0xFFFFFF80  }
0x108: {  	v12 =	vld [tilespmem:$0x1A080];
	[tilespmem:s9], [sflag:$0x3] =	stream.linear.gather [spmem:s7], $0x80, $0x38  }
0x109: {  	_ =	swait.ge [sflag:s25], $0x80  }
0x10a: {  	[sflag:s25] =	ssyncset.done $0x0  }
0x10b: {  	v0 =	vadd.s32 v0, v1;
	s21 =	sadd.s32 $0x700, s3;
	[sflag:s25] =	ssyncadd.s32 $0xFFFFFF80  }
0x10c: {  	v0 =	vadd.s32 v0, v2;
	v13 =	vld [tilespmem:$0x1A080];
	[tilespmem:s9], [sflag:$0x3] =	stream.linear.gather [spmem:s21], $0x80, $0x38  }
0x10d: {  	v0 =	vadd.s32 v0, v3;
	_ =	swait.ge [sflag:s25], $0x80  }
0x10e: {  	v0 =	vadd.s32 v0, v4;
	[sflag:s25] =	ssyncset.done $0x0  }
0x10f: {  	v0 =	vadd.s32 v0, v5;
	s22 =	sadd.s32 $0x780, s3;
	[sflag:s25] =	ssyncadd.s32 $0xFFFFFF80  }
0x110: {  	v0 =	vadd.s32 v0, v6;
	v1 =	vld [tilespmem:$0x1A080];
	[tilespmem:s9], [sflag:$0x3] =	stream.linear.gather [spmem:s22], $0x80, $0x38  }
0x111: {  	v0 =	vadd.s32 v0, v7;
	_ =	swait.ge [sflag:s25], $0x80  }
0x112: {  	v0 =	vadd.s32 v0, v8;
	[sflag:s25] =	ssyncset.done $0x0  }
0x113: {  	v0 =	vadd.s32 v0, v9;
	[sflag:s25] =	ssyncadd.s32 $0xFFFFFF80  }
0x114: {  	v0 =	vadd.s32 v0, v10;
	v2 =	vld [tilespmem:$0x1A080]  }
0x115: {  	v0 =	vadd.s32 v0, v11  }
0x116: {  	v0 =	vadd.s32 v0, v12  }
0x117: {  	v0 =	vadd.s32 v0, v13  }
0x118: {  	v0 =	vadd.s32 v0, v1  }
0x119: {  	v0 =	vadd.s32 v0, v2  }
0x11a: {  	(xrf0) =	vadd.scan.msk.s32 $0xffff, v0;
	_ =	sdelay $0x5  }
0x11b: {  	v1, _, _ =	vpop (xrf0)  }
0x11c: {  	v2 =	vimm.s32 $0x0;
	vm0 =	vlt.s32 v1, $0x799999  }
0x11d: {  	v3 =	vsel vm0, $0x1, v2  }
0x11e: {  	(xrf0) =	vadd.scan.msk.s32 $0xffff, v3;
	_ =	sdelay $0x5  }
0x11f: {  	v3, _, _ =	vpop (xrf0)  }
0x120: {  	v62 =	vbroadcast v3, $0xF  }
0x121: {  	v63 =	vlaneseq.u32  }
0x122: {  	v0 =	vsub.s32 v1, v0;
	vm15 =	veq.s32 v62, v63  }
0x123: {  	v0 =	vnsel vm15, $0x0, v0  }
0x124: {  	(xrf0) =	vadd.scan.msk.s32 $0xffff, v0;
	_ =	sdelay $0x2  }
0x125: {  	(v2sf) =	vpush v3, $0xF;
	_ =	sdelay $0x2  }
0x126: {  	v0, _, _ =	vpop (xrf0)  }
0x127: {  	(v2sf) =	vpush v0, $0xF;
	_ =	sdelay $0x9  }
0x128: {  	s8 =	sshll.u32 s26, $0xC  }
0x129: {  	s0 =	sand.u32 $0x380, s0;
	s1 =	sand.u32 $0x8000, s8;
	s9 =	spop (v2sf)  }
0x12a: {  	s8 =	simm.s32 $0x80;
	s1 =	sadd.s32 s1, s2;
	s28 =	sshll.u32 s9, $0xC  }
0x12b: {  	s31 =	sadd.s32 s0, s1;
	s9 =	simm.s32 $0x400;
	s7 =	sadd.s32 $0x8000, s28  }
0x12c: {  	[spmem:s31] =	stream.strided.scatter [tilespmem:s7], [sflag:$0x3], $0x1000, s9, s8, $0x38;
	[tilespmem:$0x1B218] =	vst v63  }
0x12d: {  	p0 =	sne.s32 s26, $0x0;
	s29 =	spop (v2sf)  }
.Ltmp6:
0x12e: {  	_ =	swait.ge [sflag:s25], $0x1000;
	(pc) =	sbr.rel @p0 .LBB2_22-.Ltmp6, $3  }
0x12f: {  	[sflag:s25] =	ssyncset.done $0x0  }
0x130: {  	[sflag:s25] =	ssyncadd.s32 $0xFFFFF000  }
0x131: {  	[bflag:$0x0] =	sbarrier.arrive $0xFFFF;
	_ =	sdelay $0x1  }
0x132: {  	s6 =	simm.s32 $0x19040  }
0x133: {  	[tilespmem:s6+$0xFFFFFFC0] =	vst v2  }
0x134: {  	[tilespmem:s6+$0x30] =	vst v2  }
0x135: {  	[tilespmem:s6+$0x20] =	vst v2  }
0x136: {  	[tilespmem:s6+$0x10] =	vst v2  }
0x137: {  	[dreg:$0x8] =	wrdreg s12;
	[tilespmem:s6+$0x0] =	vst v2  }
0x138: {  	[dreg:$0x7] =	wrdreg s11;
	[tilespmem:s6+$0xFFFFFFF0] =	vst v2  }
0x139: {  	[dreg:$0x6] =	wrdreg s10;
	s26 =	ssub.s32 $0x799999, s29;
	s0 =	simm.s32 $0x0;
	[tilespmem:s6+$0xFFFFFFE0] =	vst v2  }
.LBB2_14:
0x13a: {  	s0 =	sadd.s32 $0x8, s0;
	[tilespmem:s6+$0xFFFFFFD0] =	vst v2;
	s6 =	sadd.s32 $0x80, s6  }
0x13b: {  	[tilespmem:s6+$0xFFFFFFC0] =	vst v2;
	p1 =	slt.u32 s0, $0xF8  }
0x13c: {  	[tilespmem:s6+$0x30] =	vst v2  }
.Ltmp7:
0x13d: {  	[tilespmem:s6+$0x20] =	vst v2;
	(pc) =	sbr.rel @p1 .LBB2_14-.Ltmp7, $4  }
0x13e: {  	[tilespmem:s6+$0x10] =	vst v2  }
0x13f: {  	[tilespmem:s6+$0x0] =	vst v2  }
0x140: {  	[tilespmem:s6+$0xFFFFFFF0] =	vst v2  }
0x141: {  	[tilespmem:s6+$0xFFFFFFE0] =	vst v2  }
0x142: {  	s0 =	simm.s32 $0x0;
	s1 =	simm.s32 $0x80  }
0x143: {  	[tilespmem:s6+$0xFFFFFFD0] =	vst v2;
	s6 =	simm.s32 $0x400;
	s7 =	simm.s32 $0x18000;
	s8 =	simm.s32 $0x3  }
.LBB2_16:
0x144: {  	s9 =	sshll.u32 s0, $0xC  }
0x145: {  	s10 =	sshll.u32 s0, $0x7;
	s9 =	sand.u32 $0x8000, s9  }
0x146: {  	s10 =	sand.u32 $0x380, s10;
	s9 =	sadd.s32 s9, s2  }
0x147: {  	s9 =	sadd.s32 s10, s9  }
0x148: {  	[tilespmem:s7], [sflag:$0x3] =	stream.strided.gather [spmem:s9], $0x1000, s6, s1, $0x38;
	[tilespmem:$0x1B218] =	vst v63  }
0x149: {  	_ =	swait.ge [sflag:s8], $0x1000  }
0x14a: {  	[sflag:s8] =	ssyncset.done $0x0  }
0x14b: {  	s9 =	simm.s32 $0x19040;
	[sflag:s8] =	ssyncadd.s32 $0xFFFFF000  }
0x14c: {  	s10 =	simm.s32 $0x18040;
	v0 =	vld [tilespmem:s9+$0xFFFFFFC0]  }
0x14d: {  	v1 =	vld [tilespmem:s10+$0xFFFFFFC0];
	_ =	sdelay $0x4  }
0x14e: {  	v0 =	vadd.s32 v0, v1  }
0x14f: {  	[tilespmem:s9+$0xFFFFFFC0] =	vst v0;
	v0 =	vld [tilespmem:s9+$0xFFFFFFD0]  }
0x150: {  	v1 =	vld [tilespmem:s10+$0xFFFFFFD0];
	_ =	sdelay $0x4  }
0x151: {  	v0 =	vadd.s32 v0, v1  }
0x152: {  	[tilespmem:s9+$0xFFFFFFD0] =	vst v0;
	v0 =	vld [tilespmem:s9+$0xFFFFFFE0]  }
0x153: {  	v1 =	vld [tilespmem:s10+$0xFFFFFFE0];
	_ =	sdelay $0x4  }
0x154: {  	v0 =	vadd.s32 v0, v1  }
0x155: {  	[tilespmem:s9+$0xFFFFFFE0] =	vst v0;
	v0 =	vld [tilespmem:s9+$0xFFFFFFF0]  }
0x156: {  	v1 =	vld [tilespmem:s10+$0xFFFFFFF0];
	_ =	sdelay $0x4  }
0x157: {  	v0 =	vadd.s32 v0, v1  }
0x158: {  	[tilespmem:s9+$0xFFFFFFF0] =	vst v0;
	v0 =	vld [tilespmem:s9+$0x0]  }
0x159: {  	v1 =	vld [tilespmem:s10+$0x0];
	_ =	sdelay $0x4  }
0x15a: {  	v0 =	vadd.s32 v0, v1  }
0x15b: {  	[tilespmem:s9+$0x0] =	vst v0;
	v0 =	vld [tilespmem:s9+$0x10]  }
0x15c: {  	v1 =	vld [tilespmem:s10+$0x10];
	_ =	sdelay $0x4  }
0x15d: {  	v0 =	vadd.s32 v0, v1  }
0x15e: {  	[tilespmem:s9+$0x10] =	vst v0;
	v0 =	vld [tilespmem:s9+$0x20]  }
0x15f: {  	v1 =	vld [tilespmem:s10+$0x20];
	_ =	sdelay $0x4  }
0x160: {  	v0 =	vadd.s32 v0, v1  }
0x161: {  	[tilespmem:s9+$0x20] =	vst v0;
	v0 =	vld [tilespmem:s9+$0x30]  }
0x162: {  	v1 =	vld [tilespmem:s10+$0x30];
	_ =	sdelay $0x4  }
0x163: {  	s11 =	simm.s32 $0x0;
	s12 =	simm.s32 $0x190C0;
	v0 =	vadd.s32 v0, v1  }
.LBB2_17:
0x164: {  	v1 =	vld [tilespmem:s12+$0xFFFFFFC0];
	[tilespmem:s9+$0x30] =	vst v0;
	s10 =	sadd.s32 $0x80, s10;
	s9 =	smov.u32 s12  }
0x165: {  	s11 =	sadd.s32 $0x8, s11;
	v0 =	vld [tilespmem:s10+$0xFFFFFFC0]  }
0x166: {  	p1 =	slt.u32 s11, $0xF8;
	_ =	sdelay $0x3  }
0x167: {  	v0 =	vadd.s32 v1, v0  }
0x168: {  	[tilespmem:s12+$0xFFFFFFC0] =	vst v0;
	v0 =	vld [tilespmem:s12+$0xFFFFFFD0]  }
0x169: {  	v1 =	vld [tilespmem:s10+$0xFFFFFFD0];
	_ =	sdelay $0x4  }
0x16a: {  	v0 =	vadd.s32 v0, v1  }
0x16b: {  	[tilespmem:s12+$0xFFFFFFD0] =	vst v0;
	v0 =	vld [tilespmem:s12+$0xFFFFFFE0]  }
0x16c: {  	v1 =	vld [tilespmem:s10+$0xFFFFFFE0];
	_ =	sdelay $0x4  }
0x16d: {  	v0 =	vadd.s32 v0, v1  }
0x16e: {  	[tilespmem:s12+$0xFFFFFFE0] =	vst v0;
	v0 =	vld [tilespmem:s12+$0xFFFFFFF0]  }
0x16f: {  	v1 =	vld [tilespmem:s10+$0xFFFFFFF0];
	_ =	sdelay $0x4  }
0x170: {  	v0 =	vadd.s32 v0, v1  }
0x171: {  	[tilespmem:s12+$0xFFFFFFF0] =	vst v0;
	v0 =	vld [tilespmem:s12+$0x0]  }
0x172: {  	v1 =	vld [tilespmem:s10+$0x0];
	_ =	sdelay $0x4  }
0x173: {  	v0 =	vadd.s32 v0, v1  }
0x174: {  	[tilespmem:s12+$0x0] =	vst v0;
	v0 =	vld [tilespmem:s12+$0x10]  }
0x175: {  	v1 =	vld [tilespmem:s10+$0x10];
	_ =	sdelay $0x4  }
0x176: {  	v0 =	vadd.s32 v0, v1  }
0x177: {  	[tilespmem:s12+$0x10] =	vst v0;
	v0 =	vld [tilespmem:s12+$0x20]  }
0x178: {  	v1 =	vld [tilespmem:s10+$0x20];
	_ =	sdelay $0x4  }
0x179: {  	v0 =	vadd.s32 v0, v1  }
0x17a: {  	[tilespmem:s12+$0x20] =	vst v0;
	v0 =	vld [tilespmem:s12+$0x30]  }
0x17b: {  	v1 =	vld [tilespmem:s10+$0x30]  }
.Ltmp8:
0x17c: {  	(pc) =	sbr.rel @p1 .LBB2_17-.Ltmp8, $2  }
0x17d: {  	_ =	sdelay $0x2  }
0x17e: {  	s12 =	sadd.s32 $0x80, s12;
	v0 =	vadd.s32 v0, v1  }
0x17f: {  	s0 =	sadd.s32 $0x1, s0  }
0x180: {  	p1 =	seq.s32 s0, $0x10  }
.Ltmp9:
0x181: {  	_ = 	snop;
	(pc) =	sbr.rel @!p1 .LBB2_16-.Ltmp9, $2  }
0x182: {  	_ =	sdelay $0x2  }
0x183: {  	[tilespmem:s9+$0x30] =	vst v0  }
0x184: {  	s0 =	simm.s32 $0x19000  }
0x185: {  	v4 =	vld [tilespmem:s0+$0x0];
	_ =	sdelay $0x4  }
0x186: {  	(xrf0) =	vadd.scan.msk.s32 $0xffff, v4;
	_ =	sdelay $0x2  }
0x187: {  	[dreg:$0x9] =	wrdreg s13;
	s13 =	simm.s32 $0x19010  }
0x188: {  	v6 =	vld [tilespmem:s13+$0x0];
	_ =	sdelay $0x1  }
0x189: {  	v5, _, _ =	vpop (xrf0)  }
0x18a: {  	v7 =	vxor.u32 $0x80000000, v5  }
0x18b: {  	(xrf0) =	vmax.scan.msk.u32 $0xffff, v7  }
0x18c: {  	(xrf0) =	vadd.scan.msk.s32 $0xffff, v6;
	_ =	sdelay $0x2  }
0x18d: {  	[dreg:$0xa] =	wrdreg s14;
	s14 =	simm.s32 $0x19020  }
0x18e: {  	v8 =	vld [tilespmem:s14+$0x0]  }
0x18f: {  	v7, _, _ =	vpop (xrf0)  }
0x190: {  	v9, _, _ =	vpop (xrf0);
	(v2sf) =	vpush v7, $0xF  }
0x191: {  	v10 =	vxor.u32 $0x80000000, v9  }
0x192: {  	(xrf0) =	vmax.scan.msk.u32 $0xffff, v10  }
0x193: {  	(xrf0) =	vadd.scan.msk.s32 $0xffff, v8;
	_ =	sdelay $0x2  }
0x194: {  	[dreg:$0xb] =	wrdreg s15;
	s15 =	simm.s32 $0x19030  }
0x195: {  	v10 =	vld [tilespmem:s15+$0x0]  }
0x196: {  	v7, _, _ =	vpop (xrf0)  }
0x197: {  	v11, _, _ =	vpop (xrf0)  }
0x198: {  	(v2sf) =	vpush v7, $0xF;
	v7 =	vxor.u32 $0x80000000, v11  }
0x199: {  	[dreg:$0xf] =	wrdreg s30;
	s30 =	simm.s32 $0x0;
	(xrf0) =	vmax.scan.msk.u32 $0xffff, v7  }
0x19a: {  	v1 =	vmov s26;
	v7 =	vadd.s32 s30, v5;
	(xrf0) =	vadd.scan.msk.s32 $0xffff, v10  }
0x19b: {  	v3 =	vimm.s32 $0x0;
	vm0 =	vlt.s32 v7, v1  }
0x19c: {  	[dreg:$0xd] =	wrdreg s17;
	v7 =	vsel vm0, $0x1, v3  }
0x19d: {  	[dreg:$0xc] =	wrdreg s16;
	s16 =	simm.s32 $0x19040;
	(xrf0) =	vadd.scan.msk.s32 $0xffff, v7;
	s17 =	spop (v2sf)  }
0x19e: {  	v12 =	vld [tilespmem:s16+$0x0];
	s0 =	sadd.s32 $0x0, s17  }
0x19f: {  	v7, _, _ =	vpop (xrf0);
	s0 =	sadd.s32 $0x80000000, s0  }
0x1a0: {  	v13, _, _ =	vpop (xrf0);
	(v2sf) =	vpush v7, $0xF;
	v7 =	vadd.s32 s0, v9  }
0x1a1: {  	v14 =	vxor.u32 $0x80000000, v13  }
0x1a2: {  	vm10 =	vlt.s32 v7, v1;
	(xrf0) =	vmax.scan.msk.u32 $0xffff, v14  }
0x1a3: {  	v61 =	vsel vm10, $0x1, v3;
	(xrf0) =	vadd.scan.msk.s32 $0xffff, v12;
	v7, _, _ =	vpop (xrf0)  }
0x1a4: {  	(v2sf) =	vpush v7, $0xF;
	v7 =	vbroadcast v7, $0xF;
	(xrf0) =	vadd.scan.msk.s32 $0xffff, v61;
	_ =	sdelay $0x1  }
0x1a5: {  	v0 =	vlaneseq.u32;
	s1 =	simm.s32 $0x19050  }
0x1a6: {  	v62 =	vld [tilespmem:s1+$0x0];
	v4 =	vsub.s32 v5, v4;
	s6 =	spop (v2sf);
	vm11 =	veq.s32 v7, v0  }
0x1a7: {  	[dreg:$0xe] =	wrdreg s18;
	s18 =	sadd.s32 s6, s0;
	v4 =	vnsel vm11, $0x0, v4;
	v7, _, _ =	vpop (xrf0)  }
0x1a8: {  	s24 =	sadd.s32 $0x80000000, s18;
	(xrf0) =	vadd.scan.msk.s32 $0xffff, v4;
	v5, _, _ =	vpop (xrf0)  }
0x1a9: {  	(v2sf) =	vpush v7, $0xF;
	v4 =	vadd.s32 s24, v11;
	v7 =	vxor.u32 $0x80000000, v5;
	v15, _, _ =	vpop (xrf0)  }
0x1aa: {  	vm12 =	vlt.s32 v4, v1;
	(xrf0) =	vmax.scan.msk.u32 $0xffff, v7;
	v7 =	vbroadcast v15, $0xF  }
0x1ab: {  	v4 =	vsel vm12, $0x1, v3;
	(xrf0) =	vadd.scan.msk.s32 $0xffff, v62  }
0x1ac: {  	(xrf0) =	vadd.scan.msk.s32 $0xffff, v4;
	v4 =	vsub.s32 v9, v6;
	vm13 =	veq.s32 v7, v0  }
0x1ad: {  	v4 =	vnsel vm13, $0x0, v4  }
0x1ae: {  	(v2sf) =	vpush v15, $0xF;
	v6, _, _ =	vpop (xrf0);
	(xrf0) =	vadd.scan.msk.s32 $0xffff, v4  }
0x1af: {  	[dreg:$0x10] =	wrdreg s31  }
0x1b0: {  	s11 =	simm.s32 $0x10;
	s12 =	simm.s32 $0x20;
	s9 =	simm.s32 $0x30;
	(v2sf) =	vpush v6, $0xF  }
0x1b1: {  	s7 =	simm.s32 $0x19060;
	s31 =	simm.s32 $0x60;
	s8 =	spop (v2sf);
	v9, _, _ =	vpop (xrf0)  }
0x1b2: {  	p4 =	por $0x1, $0x1;
	p1 =	sge.s32 s0, s26;
	v4 =	vld [tilespmem:s7+$0x0];
	s19 =	sadd.s32 s8, s24;
	v7, _, _ =	vpop (xrf0)  }
0x1b3: {  	p1 =	por p1, p1;
	v11 =	vsub.s32 v11, v8;
	s14 =	sadd.s32 $0x80000000, s19;
	v63, _, _ =	vpop (xrf0);
	s20 =	spop (v2sf);
	(v2sf) =	vpush v9, $0xF  }
0x1b4: {  	s1 =	simm.s32 $0x50;
	s16 =	simm.s32 $0x70;
	p3 =	por p1, p1;
	v8 =	vsub.s32 v13, v10;
	v16 =	vadd.s32 s14, v13;
	(v2sf) =	vpush v63, $0xF;
	v10, _, _ =	vpop (xrf0)  }
0x1b5: {  	s13 =	simm.s32 $0x0;
	s15 =	simm.s32 $0x19070;
	p3 =	por !p4, !p3;
	v17 =	vxor.u32 $0x80000000, v7;
	v18 =	vbroadcast v63, $0xF;
	(v2sf) =	vpush v10, $0xF  }
0x1b6: {  	p3 =	por !p3, !p3;
	s6 =	simm.s32 $0x40;
	p2 =	sge.s32 s24, s26;
	vm14 =	vlt.s32 v16, v1;
	(xrf0) =	vmax.scan.msk.u32 $0xffff, v17  }
0x1b7: {  	p1 =	por p2, p2;
	s7 =	simm.s32 $0x0;
	s8 =	simm.s32 $0x0;
	v6 =	vsel vm14, $0x1, v3;
	(xrf0) =	vadd.scan.msk.s32 $0xffff, v4;
	vm15 =	veq.s32 v18, v0  }
0x1b8: {  	s8 =	simm.s32 @p3 $0x1;
	p2 =	sge.s32 s14, s26;
	s10 =	sadd.s32 $0x0, s20;
	(xrf0) =	vadd.scan.msk.s32 $0xffff, v6;
	v11 =	vnsel vm15, $0x0, v11  }
0x1b9: {  	v9 =	vsub.s32 v5, v12;
	s7 =	smov.u32 @p3 s10;
	s10 =	smov.u32 s14;
	v6 =	vsub.s32 v7, v62;
	s17 =	spop (v2sf);
	(xrf0) =	vadd.scan.msk.s32 $0xffff, v11  }
.LBB2_20:
0x1ba: {  	p4 =	sne.s32 s16, $0xFF0;
	s14 =	sadd.s32 s17, s14  }
0x1bb: {  	s17 =	smov.u32 s31;
	s31 =	smov.u32 s16;
	p6 =	por p1, p1  }
0x1bc: {  	v10 =	vld [tilespmem:s15+$0x0];
	p1 =	por p2, p2;
	p5 =	por p3, p3;
	p3 =	seq.s32 s8, $0x0  }
0x1bd: {  	v11, _, _ =	vpop (xrf0);
	s14 =	sadd.s32 $0x80000000, s14;
	s18 =	spop (v2sf);
	p3 =	por !p3, !p6  }
0x1be: {  	(v2sf) =	vpush v11, $0xF;
	v11 =	vadd.s32 s14, v5;
	p2 =	sge.s32 s14, s26;
	s18 =	sadd.s32 s11, s18;
	v5 =	vmov v7;
	v7, _, _ =	vpop (xrf0);
	p3 =	por !p3, !p3  }
0x1bf: {  	s11 =	smov.u32 s12;
	v12 =	vxor.u32 $0x80000000, v7;
	v13 =	vsub.s32 v7, v4;
	vm0 =	vlt.s32 v11, v1;
	v4, _, _ =	vpop (xrf0);
	s19 =	spop (v2sf);
	s7 =	smov.u32 @p3 s18  }
.Ltmp10:
0x1c0: {  	s8 =	simm.s32 @p3 $0x1;
	(xrf0) =	vmax.scan.msk.u32 $0xffff, v12;
	v11 =	vsel vm0, $0x1, v3;
	v12 =	vbroadcast v4, $0xF;
	(v2sf) =	vpush v4, $0xF;
	s12 =	sadd.s32 s13, s19;
	(pc) =	sbr.rel @p4 .LBB2_20-.Ltmp10, $4  }
0x1c1: {  	s13 =	smov.u32 s0;
	s0 =	smov.u32 s24;
	(xrf0) =	vadd.scan.msk.s32 $0xffff, v10;
	v14, _, _ =	vpop (xrf0);
	s30 =	smov.u32 @p5 s12;
	v4 =	vmov v10  }
0x1c2: {  	s24 =	smov.u32 s10;
	s10 =	smov.u32 s14;
	s12 =	smov.u32 s9;
	(xrf0) =	vadd.scan.msk.s32 $0xffff, v11;
	vm0 =	veq.s32 v12, v0;
	(v2sf) =	vpush v14, $0xF  }
0x1c3: {  	s9 =	smov.u32 s6;
	s6 =	smov.u32 s1;
	s1 =	smov.u32 s17;
	v10 =	vnsel vm0, $0x0, v8;
	v8 =	vmovc v9;
	v9 =	vmov v6;
	v6 =	vmov v13  }
0x1c4: {  	s15 =	sadd.s32 $0x10, s15;
	s16 =	sadd.s32 $0x10, s16;
	s17 =	spop (v2sf);
	(xrf0) =	vadd.scan.msk.s32 $0xffff, v10  }
0x1c5: {  	_ = 	snop  }
0x1c6: {  	v10, _, _ =	vpop (xrf0)  }
0x1c7: {  	(v2sf) =	vpush v10, $0xF;
	_ =	sdelay $0x3  }
0x1c8: {  	s14 =	sadd.s32 s17, s14  }
0x1c9: {  	s14 =	sadd.s32 $0x80000000, s14  }
0x1ca: {  	v54, _, _ =	vpop (xrf0);
	v5 =	vadd.s32 s14, v5  }
0x1cb: {  	v11 =	vxor.u32 $0x80000000, v54;
	vm0 =	vlt.s32 v5, v1  }
0x1cc: {  	(xrf0) =	vmax.scan.msk.u32 $0xffff, v11;
	v5 =	vsel vm0, $0x1, v3  }
0x1cd: {  	(xrf0) =	vadd.scan.msk.s32 $0xffff, v5  }
0x1ce: {  	s18 =	spop (v2sf)  }
0x1cf: {  	s19 =	spop (v2sf)  }
0x1d0: {  	v55, _, _ =	vpop (xrf0);
	s15 =	spop (v2sf)  }
0x1d1: {  	v56, _, _ =	vpop (xrf0);
	s20 =	spop (v2sf)  }
0x1d2: {  	v12 =	vbroadcast v55, $0xF;
	s15 =	sadd.s32 s15, s14;
	v13, _, _ =	vpop (xrf0);
	s17 =	spop (v2sf)  }
0x1d3: {  	s15 =	sadd.s32 $0x80000000, s15;
	v14, _, _ =	vpop (xrf0);
	s16 =	spop (v2sf)  }
0x1d4: {  	vm10 =	veq.s32 v12, v0;
	v7 =	vadd.s32 s15, v7;
	v57 =	vbroadcast v14, $0xF;
	s16 =	sadd.s32 s16, s15  }
0x1d5: {  	v8 =	vnsel vm10, $0x0, v8;
	vm11 =	vlt.s32 v7, v1;
	s16 =	sadd.s32 $0x80000000, s16  }
0x1d6: {  	(xrf0) =	vadd.scan.msk.s32 $0xffff, v8;
	v7 =	vsel vm11, $0x1, v3;
	vm12 =	veq.s32 v57, v0;
	v58 =	vadd.s32 s16, v54  }
0x1d7: {  	(xrf0) =	vadd.scan.msk.s32 $0xffff, v7;
	v59 =	vnsel vm12, $0x0, v9;
	vm13 =	vlt.s32 v58, v1  }
0x1d8: {  	(xrf0) =	vadd.scan.msk.s32 $0xffff, v59;
	v1 =	vsel vm13, $0x1, v3  }
0x1d9: {  	(xrf0) =	vadd.scan.msk.s32 $0xffff, v1  }
0x1da: {  	(v2sf) =	vpush v55, $0xF  }
0x1db: {  	(v2sf) =	vpush v56, $0xF  }
0x1dc: {  	(v2sf) =	vpush v13, $0xF;
	v1, _, _ =	vpop (xrf0)  }
0x1dd: {  	v3, _, _ =	vpop (xrf0)  }
0x1de: {  	v60, _, _ =	vpop (xrf0)  }
0x1df: {  	v61 =	vbroadcast v3, $0xF;
	v62, _, _ =	vpop (xrf0)  }
0x1e0: {  	p1 =	por p1, p1;
	p4 =	seq.s32 s8, $0x0;
	v63 =	vbroadcast v62, $0xF  }
0x1e1: {  	p1 =	por !p4, !p1;
	v4 =	vsub.s32 v54, v4;
	(v2sf) =	vpush v14, $0xF;
	vm14 =	veq.s32 v61, v0  }
0x1e2: {  	p5 =	por p2, p2;
	p2 =	por p3, p3;
	p4 =	por !p1, !p1;
	(v2sf) =	vpush v1, $0xF;
	v1 =	vnsel vm14, $0x0, v6;
	vm15 =	veq.s32 v63, v0  }
0x1e3: {  	s11 =	sadd.s32 s11, s18;
	p1 =	por p5, p5;
	s8 =	simm.s32 @p4 $0x1;
	(xrf0) =	vadd.scan.msk.s32 $0xffff, v1;
	v0 =	vnsel vm15, $0x0, v4  }
0x1e4: {  	p5 =	sge.s32 s14, s26;
	s7 =	smov.u32 @p4 s11;
	p6 =	seq.s32 s8, $0x0;
	(xrf0) =	vadd.scan.msk.s32 $0xffff, v0  }
0x1e5: {  	s11 =	sadd.s32 s13, s19;
	p3 =	por p4, p4;
	p1 =	por !p6, !p1  }
0x1e6: {  	s30 =	smov.u32 @p2 s11;
	p2 =	por p5, p5;
	p1 =	por !p1, !p1;
	(v2sf) =	vpush v3, $0xF  }
0x1e7: {  	p5 =	por p2, p2;
	s8 =	simm.s32 @p1 $0x1;
	p6 =	sge.s32 s15, s26;
	(v2sf) =	vpush v60, $0xF  }
0x1e8: {  	p2 =	por p6, p6;
	p6 =	seq.s32 s8, $0x0;
	s0 =	sadd.s32 s0, s17  }
0x1e9: {  	s30 =	smov.u32 @p3 s0;
	p3 =	por !p6, !p5;
	s13 =	spop (v2sf);
	(v2sf) =	vpush v62, $0xF;
	v0, _, _ =	vpop (xrf0)  }
0x1ea: {  	s12 =	sadd.s32 s12, s20;
	p3 =	por !p3, !p3;
	s18 =	spop (v2sf);
	(v2sf) =	vpush v0, $0xF;
	v0, _, _ =	vpop (xrf0)  }
0x1eb: {  	s7 =	smov.u32 @p1 s12;
	s8 =	simm.s32 @p3 $0x1;
	s19 =	spop (v2sf);
	(v2sf) =	vpush v0, $0xF  }
0x1ec: {  	p1 =	por p1, p1;
	p6 =	seq.s32 s8, $0x0;
	s0 =	sadd.s32 s24, s18  }
0x1ed: {  	s9 =	sadd.s32 s9, s13;
	s30 =	smov.u32 @p1 s0;
	p1 =	por p2, p2  }
0x1ee: {  	p5 =	sge.s32 s16, s26;
	s7 =	smov.u32 @p3 s9;
	p1 =	por !p6, !p1  }
0x1ef: {  	p3 =	por p3, p3;
	p2 =	por p5, p5;
	p1 =	por !p1, !p1  }
0x1f0: {  	p2 =	por p2, p2;
	s8 =	simm.s32 @p1 $0x1;
	s13 =	sadd.s32 s19, s16  }
0x1f1: {  	s20 =	spop (v2sf);
	p4 =	seq.s32 s8, $0x0;
	s0 =	sadd.s32 $0x80000000, s13  }
0x1f2: {  	p2 =	por !p4, !p2;
	p5 =	sge.s32 s0, s26;
	s0 =	sadd.s32 s6, s20  }
0x1f3: {  	p2 =	por !p2, !p2;
	s7 =	smov.u32 @p1 s0;
	p6 =	por p5, p5  }
0x1f4: {  	p1 =	por p1, p1;
	s8 =	simm.s32 @p2 $0x1;
	s17 =	spop (v2sf)  }
0x1f5: {  	p5 =	por p6, p6;
	s0 =	sadd.s32 s10, s17;
	s18 =	spop (v2sf)  }
0x1f6: {  	s30 =	smov.u32 @p3 s0;
	s0 =	sadd.s32 s1, s18;
	s19 =	spop (v2sf)  }
0x1f7: {  	p6 =	seq.s32 s8, $0x0;
	s7 =	smov.u32 @p2 s0;
	s0 =	sadd.s32 s14, s19  }
0x1f8: {  	p2 =	por p2, p2;
	s30 =	smov.u32 @p1 s0;
	s20 =	spop (v2sf)  }
0x1f9: {  	p1 =	por !p6, !p5;
	s0 =	sadd.s32 s31, s20;
	s24 =	spop (v2sf)  }
0x1fa: {  	p1 =	por !p1, !p1;
	s1 =	sadd.s32 s15, s24;
	s26 =	spop (v2sf)  }
0x1fb: {  	s30 =	smov.u32 @p2 s1;
	p2 =	por p1, p1;
	s1 =	sadd.s32 s16, s26  }
0x1fc: {  	s7 =	smov.u32 @p1 s0;
	s30 =	smov.u32 @p2 s1  }
0x1fd: {  	s0 =	sadd.s32 s28, s7;
	s1 =	sadd.s32 s30, s29  }
0x1fe: {  	v0 =	vmov s0;
	s1 =	ssub.s32 $0x799999, s1  }
0x1ff: {  	[tilespmem:$0x1A100] =	vst v0;
	v0 =	vmov s1  }
0x200: {  	s28 =	simm.s32 $0x1A100;
	s24 =	rddreg [dreg:$0x4];
	s29 =	simm.s32 $0x3;
	[tilespmem:$0x1A110] =	vst v0  }
0x201: {  	[spmem:s24] =	stream.linear.scatter [tilespmem:s28], [sflag:$0x3], $0x80, $0x38;
	[tilespmem:$0x1B218] =	vst v63  }
0x202: {  	_ =	swait.ge [sflag:s29], $0x80  }
0x203: {  	s10 =	rddreg [dreg:$0x6]  }
0x204: {  	s11 =	rddreg [dreg:$0x7]  }
0x205: {  	s12 =	rddreg [dreg:$0x8]  }
0x206: {  	s13 =	rddreg [dreg:$0x9]  }
0x207: {  	s14 =	rddreg [dreg:$0xa]  }
0x208: {  	s15 =	rddreg [dreg:$0xb]  }
0x209: {  	s16 =	rddreg [dreg:$0xc]  }
0x20a: {  	s17 =	rddreg [dreg:$0xd]  }
0x20b: {  	s18 =	rddreg [dreg:$0xe]  }
0x20c: {  	[sflag:s29] =	ssyncset.done $0x0;
	s30 =	rddreg [dreg:$0xf]  }
0x20d: {  	s31 =	rddreg [dreg:$0x10];
	[sflag:s29] =	ssyncadd.s32 $0xFFFFFF80  }
0x20e: {  	s19 =	rddreg [dreg:$0x5]  }
0x20f: {  	s20 =	rddreg [dreg:$0x1]  }
.LBB2_22:
0x210: {  	[bflag:$0x0] =	sbarrier.arrive $0xFFFF;
	s0 =	simm.s32 $0x1A100  }
0x211: {  	[tilespmem:s0], [sflag:$0x3] =	stream.linear.gather [spmem:s24], $0x80, $0x38;
	[tilespmem:$0x1B218] =	vst v63  }
0x212: {  	_ =	swait.ge [sflag:s25], $0x80  }
0x213: {  	[sflag:s25] =	ssyncset.done $0x0  }
0x214: {  	[sflag:s25] =	ssyncadd.s32 $0xFFFFFF80  }
0x215: {  	s0 =	simm.s32 $0x8040;
	v0 =	vld [tilespmem:$0x1A100]  }
0x216: {  	v1 =	vld [tilespmem:$0x1A110];
	[tilespmem:s0+$0xFFFFFFC0] =	vst v2  }
0x217: {  	[tilespmem:s0+$0x30] =	vst v2  }
0x218: {  	[tilespmem:s0+$0x20] =	vst v2  }
0x219: {  	[tilespmem:s0+$0x10] =	vst v2  }
0x21a: {  	[tilespmem:s0+$0x0] =	vst v2  }
0x21b: {  	[tilespmem:s0+$0xFFFFFFF0] =	vst v2  }
0x21c: {  	s1 =	simm.s32 $0x0;
	[tilespmem:s0+$0xFFFFFFE0] =	vst v2  }
.LBB2_23:
0x21d: {  	s1 =	sadd.s32 $0x8, s1;
	[tilespmem:s0+$0xFFFFFFD0] =	vst v2;
	s0 =	sadd.s32 $0x80, s0  }
0x21e: {  	[tilespmem:s0+$0xFFFFFFC0] =	vst v2;
	p1 =	slt.u32 s1, $0xFF8  }
0x21f: {  	[tilespmem:s0+$0x30] =	vst v2  }
.Ltmp11:
0x220: {  	[tilespmem:s0+$0x20] =	vst v2;
	(pc) =	sbr.rel @p1 .LBB2_23-.Ltmp11, $4  }
0x221: {  	[tilespmem:s0+$0x10] =	vst v2  }
0x222: {  	[tilespmem:s0+$0x0] =	vst v2  }
0x223: {  	[tilespmem:s0+$0xFFFFFFF0] =	vst v2  }
0x224: {  	[tilespmem:s0+$0xFFFFFFE0] =	vst v2  }
0x225: {  	[tilespmem:s0+$0xFFFFFFD0] =	vst v2;
	s24 =	simm.s32 $0x0;
	s25 =	simm.s32 $0x1;
	s26 =	simm.s32 $0x8000  }
0x226: {  	[tilespmem:s24], [sflag:$0x1] =	stream.linear.gather [hbm4b:s23+s24], $0x4000, $0x38;
	[tilespmem:$0x1B218] =	vst v63  }
0x227: {  	v2 =	vimm.s32 $0x1;
	s28 =	simm.s32 $0x2;
	s29 =	simm.s32 $0x0;
	s23 =	simm.s32 $0x4000  }
.LBB2_25:
0x228: {  	s0 =	sshll.u32 s29, $0xC  }
0x229: {  	s9 =	sand.u32 $0x6000, s24;
	s0 =	sadd.s32 s5, s0  }
0x22a: {  	[tilespmem:s23], [sflag:$0x2] =	stream.linear.gather [hbm4b:s0+s24], $0x4000, $0x38;
	[tilespmem:$0x1B218] =	vst v63  }
0x22b: {  	s1 =	sand.u32 $0x2000, s24;
	s0 =	sshrl.u32 s9, $0x2;
	_ =	swait.ge [sflag:s25], $0x4000  }
0x22c: {  	s6 =	sand.u32 $0x380, s24;
	s0 =	sor.u32 s0, s1;
	[sflag:s25] =	ssyncset.done $0x0  }
0x22d: {  	s0 =	sor.u32 s6, s0;
	[sflag:s25] =	ssyncadd.s32 $0xFFFFC000  }
0x22e: {  	v3 =	vld [tilespmem:s0+$0x40]  }
0x22f: {  	v4 =	vld [tilespmem:s0+$0x30]  }
0x230: {  	v5 =	vld [tilespmem:s0+$0x20]  }
0x231: {  	v6 =	vld [tilespmem:s0+$0x10]  }
0x232: {  	v7 =	vld [tilespmem:s0+$0x0]  }
0x233: {  	v8 =	vld [tilespmem:s0+$0x50]  }
0x234: {  	v9 =	vld [tilespmem:s0+$0x60]  }
0x235: {  	v10 =	vld [tilespmem:s0+$0x70]  }
0x236: {  	v11 =	vld [tilespmem:s0+$0x400]  }
0x237: {  	v12 =	vld [tilespmem:s0+$0x410];
	v13 =	vshrl.u32 v7, $0x10  }
0x238: {  	v15 =	vld [tilespmem:s0+$0x420];
	v14 =	vshrl.u32 v6, $0x10;
	vm0 =	veq.s32 v13, v0  }
0x239: {  	v57 =	vld [tilespmem:s0+$0x430];
	v56 =	vshrl.u32 v5, $0x10;
	v7 =	vand.u32 $0xFFFF, v7;
	vm1 =	veq.s32 v14, v0  }
0x23a: {  	v58 =	vld [tilespmem:s0+$0x440];
	v16 =	vshrl.u32 v4, $0x10;
	v6 =	vand.u32 $0xFFFF, v6;
	vm2 =	veq.s32 v56, v0  }
0x23b: {  	v59 =	vld [tilespmem:s0+$0x450];
	v17 =	vshrl.u32 v3, $0x10;
	v5 =	vand.u32 $0xFFFF, v5;
	vm3 =	veq.s32 v16, v0  }
0x23c: {  	v60 =	vld [tilespmem:s0+$0x460];
	v18 =	vshrl.u32 v8, $0x10;
	v4 =	vand.u32 $0xFFFF, v4;
	vm4 =	veq.s32 v17, v0  }
0x23d: {  	v61 =	vld [tilespmem:s0+$0x470];
	v19 =	vshrl.u32 v9, $0x10;
	v3 =	vand.u32 $0xFFFF, v3;
	vm5 =	veq.s32 v18, v0  }
0x23e: {  	v20 =	vshrl.u32 v10, $0x10;
	v8 =	vand.u32 $0xFFFF, v8;
	vm6 =	veq.s32 v19, v0;
	[tilespmem:v7+s26+$0x0] =	vst.idx.add.s32.msk vm0, v2  }
0x23f: {  	v9 =	vand.u32 $0xFFFF, v9;
	v7 =	vshrl.u32 v11, $0x10;
	vm0 =	veq.s32 v20, v0;
	[tilespmem:v6+s26+$0x0] =	vst.idx.add.s32.msk vm1, v2  }
0x240: {  	v10 =	vand.u32 $0xFFFF, v10;
	v6 =	vshrl.u32 v12, $0x10;
	vm1 =	veq.s32 v7, v0;
	[tilespmem:v5+s26+$0x0] =	vst.idx.add.s32.msk vm2, v2  }
0x241: {  	v7 =	vand.u32 $0xFFFF, v11;
	v5 =	vshrl.u32 v15, $0x10;
	vm7 =	veq.s32 v6, v0;
	[tilespmem:v4+s26+$0x0] =	vst.idx.add.s32.msk vm3, v2  }
0x242: {  	v6 =	vand.u32 $0xFFFF, v12;
	v4 =	vshrl.u32 v57, $0x10;
	vm3 =	veq.s32 v5, v0;
	[tilespmem:v3+s26+$0x0] =	vst.idx.add.s32.msk vm4, v2  }
0x243: {  	v62 =	vand.u32 $0xFFFF, v15;
	vm4 =	veq.s32 v4, v0;
	[tilespmem:v8+s26+$0x0] =	vst.idx.add.s32.msk vm5, v2  }
0x244: {  	v3 =	vshrl.u32 v58, $0x10;
	v8 =	vand.u32 $0xFFFF, v57;
	[tilespmem:v9+s26+$0x0] =	vst.idx.add.s32.msk vm6, v2  }
0x245: {  	v4 =	vshrl.u32 v59, $0x10;
	vm2 =	veq.s32 v3, v0;
	[tilespmem:v10+s26+$0x0] =	vst.idx.add.s32.msk vm0, v2  }
0x246: {  	v63 =	vshrl.u32 v60, $0x10;
	v5 =	vand.u32 $0xFFFF, v58;
	vm0 =	veq.s32 v4, v0;
	[tilespmem:v7+s26+$0x0] =	vst.idx.add.s32.msk vm1, v2  }
0x247: {  	v3 =	vand.u32 $0xFFFF, v59;
	v7 =	vshrl.u32 v61, $0x10;
	vm1 =	veq.s32 v63, v0;
	[tilespmem:v6+s26+$0x0] =	vst.idx.add.s32.msk vm7, v2  }
0x248: {  	v4 =	vand.u32 $0xFFFF, v60;
	[tilespmem:v62+s26+$0x0] =	vst.idx.add.s32.msk vm3, v2;
	vm3 =	veq.s32 v7, v0  }
0x249: {  	s7 =	simm.s32 $0x2000;
	s1 =	simm.s32 $0x0;
	s0 =	simm.s32 $0x100;
	v6 =	vand.u32 $0xFFFF, v61;
	[tilespmem:v8+s26+$0x0] =	vst.idx.add.s32.msk vm4, v2  }
.LBB2_26:
0x24a: {  	s6 =	smov.u32 s7  }
0x24b: {  	s8 =	sand.u32 $0x6000, s7;
	[tilespmem:v5+s26+$0x0] =	vst.idx.add.s32.msk vm2, v2;
	s1 =	sadd.s32 $0x20, s1;
	s6 =	sadd.s32 $0x2000, s7  }
0x24c: {  	s9 =	sand.u32 $0x2000, s0;
	p1 =	sne.s32 s7, $0x7E000;
	s8 =	sshrl.u32 s8, $0x2;
	[tilespmem:v3+s26+$0x0] =	vst.idx.add.s32.msk vm0, v2  }
0x24d: {  	s7 =	sand.u32 $0x380, s1;
	s8 =	sor.u32 s8, s9;
	[tilespmem:v4+s26+$0x0] =	vst.idx.add.s32.msk vm1, v2  }
0x24e: {  	s7 =	sor.u32 s7, s8;
	[tilespmem:v6+s26+$0x0] =	vst.idx.add.s32.msk vm3, v2  }
0x24f: {  	v3 =	vld [tilespmem:s7+$0x40]  }
0x250: {  	v4 =	vld [tilespmem:s7+$0x30]  }
0x251: {  	v5 =	vld [tilespmem:s7+$0x20]  }
0x252: {  	v6 =	vld [tilespmem:s7+$0x10]  }
0x253: {  	v7 =	vld [tilespmem:s7+$0x0]  }
0x254: {  	v8 =	vld [tilespmem:s7+$0x50];
	v9 =	vshrl.u32 v3, $0x10  }
0x255: {  	v10 =	vld [tilespmem:s7+$0x60];
	v11 =	vshrl.u32 v4, $0x10  }
0x256: {  	v12 =	vld [tilespmem:s7+$0x70];
	v13 =	vshrl.u32 v5, $0x10  }
0x257: {  	v14 =	vld [tilespmem:s7+$0x400];
	v15 =	vshrl.u32 v6, $0x10  }
0x258: {  	vm0 =	veq.s32 v11, v0;
	v16 =	vld [tilespmem:s7+$0x410];
	v17 =	vshrl.u32 v7, $0x10  }
0x259: {  	v7 =	vand.u32 $0xFFFF, v7;
	vm1 =	veq.s32 v15, v0;
	v11 =	vld [tilespmem:s7+$0x420];
	vm4 =	veq.s32 v17, v0  }
0x25a: {  	v6 =	vand.u32 $0xFFFF, v6;
	vm2 =	veq.s32 v13, v0;
	v17 =	vshrl.u32 v8, $0x10;
	v15 =	vld [tilespmem:s7+$0x430]  }
0x25b: {  	v5 =	vand.u32 $0xFFFF, v5;
	v18 =	vshrl.u32 v10, $0x10;
	v13 =	vld [tilespmem:s7+$0x440];
	v19 =	vshrl.u32 v12, $0x10  }
0x25c: {  	v4 =	vand.u32 $0xFFFF, v4;
	vm3 =	veq.s32 v9, v0;
	v20 =	vld [tilespmem:s7+$0x450];
	v21 =	vshrl.u32 v14, $0x10  }
0x25d: {  	v3 =	vand.u32 $0xFFFF, v3;
	vm5 =	veq.s32 v17, v0;
	v9 =	vld [tilespmem:s7+$0x460];
	v22 =	vshrl.u32 v16, $0x10  }
0x25e: {  	v8 =	vand.u32 $0xFFFF, v8;
	vm6 =	veq.s32 v18, v0;
	v17 =	vld [tilespmem:s7+$0x470];
	v23 =	vshrl.u32 v11, $0x10  }
0x25f: {  	v18 =	vshrl.u32 v15, $0x10;
	[tilespmem:v7+s26+$0x0] =	vst.idx.add.s32.msk vm4, v2;
	v7 =	vand.u32 $0xFFFF, v10;
	vm4 =	veq.s32 v19, v0  }
0x260: {  	vm7 =	veq.s32 v21, v0;
	v10 =	vshrl.u32 v13, $0x10;
	[tilespmem:v6+s26+$0x0] =	vst.idx.add.s32.msk vm1, v2;
	v6 =	vand.u32 $0xFFFF, v12  }
0x261: {  	v14 =	vand.u32 $0xFFFF, v14;
	vm8 =	veq.s32 v22, v0;
	v12 =	vshrl.u32 v20, $0x10;
	[tilespmem:v5+s26+$0x0] =	vst.idx.add.s32.msk vm2, v2  }
0x262: {  	v16 =	vand.u32 $0xFFFF, v16;
	vm9 =	veq.s32 v23, v0;
	v19 =	vshrl.u32 v9, $0x10;
	[tilespmem:v4+s26+$0x0] =	vst.idx.add.s32.msk vm0, v2  }
0x263: {  	v11 =	vand.u32 $0xFFFF, v11;
	vm10 =	veq.s32 v18, v0;
	v21 =	vshrl.u32 v17, $0x10;
	[tilespmem:v3+s26+$0x0] =	vst.idx.add.s32.msk vm3, v2  }
0x264: {  	vm2 =	veq.s32 v10, v0;
	[tilespmem:v8+s26+$0x0] =	vst.idx.add.s32.msk vm5, v2;
	v8 =	vand.u32 $0xFFFF, v15  }
0x265: {  	v5 =	vand.u32 $0xFFFF, v13;
	vm0 =	veq.s32 v12, v0;
	[tilespmem:v7+s26+$0x0] =	vst.idx.add.s32.msk vm6, v2  }
.Ltmp12:
0x266: {  	v3 =	vand.u32 $0xFFFF, v20;
	vm1 =	veq.s32 v19, v0;
	[tilespmem:v6+s26+$0x0] =	vst.idx.add.s32.msk vm4, v2;
	(pc) =	sbr.rel @p1 .LBB2_26-.Ltmp12, $4  }
0x267: {  	v4 =	vand.u32 $0xFFFF, v9;
	vm3 =	veq.s32 v21, v0;
	[tilespmem:v14+s26+$0x0] =	vst.idx.add.s32.msk vm7, v2  }
0x268: {  	v6 =	vand.u32 $0xFFFF, v17;
	[tilespmem:v16+s26+$0x0] =	vst.idx.add.s32.msk vm8, v2  }
0x269: {  	[tilespmem:v11+s26+$0x0] =	vst.idx.add.s32.msk vm9, v2  }
0x26a: {  	s0 =	sadd.s32 $0x100, s0;
	s7 =	smov.u32 s6;
	[tilespmem:v8+s26+$0x0] =	vst.idx.add.s32.msk vm10, v2  }
0x26b: {  	_ =	sdelay $0x4  }
0x26c: {  	[tilespmem:v5+s26+$0x0] =	vst.idx.add.s32.msk vm2, v2;
	s0 =	sshll.u32 s29, $0x1  }
0x26d: {  	[tilespmem:v3+s26+$0x0] =	vst.idx.add.s32.msk vm0, v2;
	s0 =	smin.u32 s0, $0x1C  }
0x26e: {  	[tilespmem:v4+s26+$0x0] =	vst.idx.add.s32.msk vm1, v2;
	s0 =	sshll.u32 s0, $0xB  }
0x26f: {  	[tilespmem:v6+s26+$0x0] =	vst.idx.add.s32.msk vm3, v2;
	s1 =	sadd.s32 s0, s4;
	s0 =	simm.s32 $0x0  }
0x270: {  	[tilespmem:s0], [sflag:$0x1] =	stream.linear.gather [hbm4b:s1+s0], $0x4000, $0x38;
	[tilespmem:$0x1B218] =	vst v63  }
0x271: {  	s9 =	sand.u32 $0x6000, s0  }
0x272: {  	s6 =	sand.u32 $0x2000, s0;
	_ =	swait.ge [sflag:s28], $0x4000;
	s1 =	sshrl.u32 s9, $0x2  }
0x273: {  	s7 =	sand.u32 $0x380, s0;
	[sflag:s28] =	ssyncset.done $0x0;
	s1 =	sor.u32 s1, s6  }
0x274: {  	[sflag:s28] =	ssyncadd.s32 $0xFFFFC000;
	s1 =	sor.u32 s7, s1  }
0x275: {  	v3 =	vld [tilespmem:s1+$0x4040]  }
0x276: {  	v4 =	vld [tilespmem:s1+$0x4030]  }
0x277: {  	v5 =	vld [tilespmem:s1+$0x4020]  }
0x278: {  	v6 =	vld [tilespmem:s1+$0x4010]  }
0x279: {  	v7 =	vld [tilespmem:s1+$0x4000]  }
0x27a: {  	v8 =	vld [tilespmem:s1+$0x4050]  }
0x27b: {  	v9 =	vld [tilespmem:s1+$0x4060]  }
0x27c: {  	v10 =	vld [tilespmem:s1+$0x4070]  }
0x27d: {  	v11 =	vld [tilespmem:s1+$0x4400]  }
0x27e: {  	v12 =	vld [tilespmem:s1+$0x4410];
	v13 =	vshrl.u32 v7, $0x10  }
0x27f: {  	v15 =	vld [tilespmem:s1+$0x4420];
	v14 =	vshrl.u32 v6, $0x10;
	vm0 =	veq.s32 v13, v0  }
0x280: {  	v57 =	vld [tilespmem:s1+$0x4430];
	v56 =	vshrl.u32 v5, $0x10;
	v7 =	vand.u32 $0xFFFF, v7;
	vm1 =	veq.s32 v14, v0  }
0x281: {  	v58 =	vld [tilespmem:s1+$0x4440];
	v16 =	vshrl.u32 v4, $0x10;
	v6 =	vand.u32 $0xFFFF, v6;
	vm2 =	veq.s32 v56, v0  }
0x282: {  	v59 =	vld [tilespmem:s1+$0x4450];
	v17 =	vshrl.u32 v3, $0x10;
	v5 =	vand.u32 $0xFFFF, v5;
	vm3 =	veq.s32 v16, v0  }
0x283: {  	v60 =	vld [tilespmem:s1+$0x4460];
	v18 =	vshrl.u32 v8, $0x10;
	v4 =	vand.u32 $0xFFFF, v4;
	vm4 =	veq.s32 v17, v0  }
0x284: {  	v61 =	vld [tilespmem:s1+$0x4470];
	v19 =	vshrl.u32 v9, $0x10;
	v3 =	vand.u32 $0xFFFF, v3;
	vm5 =	veq.s32 v18, v0  }
0x285: {  	v20 =	vshrl.u32 v10, $0x10;
	v8 =	vand.u32 $0xFFFF, v8;
	vm6 =	veq.s32 v19, v0;
	[tilespmem:v7+s26+$0x0] =	vst.idx.add.s32.msk vm0, v2  }
0x286: {  	v9 =	vand.u32 $0xFFFF, v9;
	v7 =	vshrl.u32 v11, $0x10;
	vm0 =	veq.s32 v20, v0;
	[tilespmem:v6+s26+$0x0] =	vst.idx.add.s32.msk vm1, v2  }
0x287: {  	v10 =	vand.u32 $0xFFFF, v10;
	v6 =	vshrl.u32 v12, $0x10;
	vm1 =	veq.s32 v7, v0;
	[tilespmem:v5+s26+$0x0] =	vst.idx.add.s32.msk vm2, v2  }
0x288: {  	v7 =	vand.u32 $0xFFFF, v11;
	v5 =	vshrl.u32 v15, $0x10;
	vm7 =	veq.s32 v6, v0;
	[tilespmem:v4+s26+$0x0] =	vst.idx.add.s32.msk vm3, v2  }
0x289: {  	v6 =	vand.u32 $0xFFFF, v12;
	v4 =	vshrl.u32 v57, $0x10;
	vm3 =	veq.s32 v5, v0;
	[tilespmem:v3+s26+$0x0] =	vst.idx.add.s32.msk vm4, v2  }
0x28a: {  	v5 =	vand.u32 $0xFFFF, v15;
	vm4 =	veq.s32 v4, v0;
	[tilespmem:v8+s26+$0x0] =	vst.idx.add.s32.msk vm5, v2  }
0x28b: {  	v3 =	vshrl.u32 v58, $0x10;
	v8 =	vand.u32 $0xFFFF, v57;
	[tilespmem:v9+s26+$0x0] =	vst.idx.add.s32.msk vm6, v2  }
0x28c: {  	v62 =	vshrl.u32 v59, $0x10;
	vm2 =	veq.s32 v3, v0;
	[tilespmem:v10+s26+$0x0] =	vst.idx.add.s32.msk vm0, v2  }
0x28d: {  	v63 =	vshrl.u32 v60, $0x10;
	v4 =	vand.u32 $0xFFFF, v58;
	vm0 =	veq.s32 v62, v0;
	[tilespmem:v7+s26+$0x0] =	vst.idx.add.s32.msk vm1, v2  }
0x28e: {  	v3 =	vand.u32 $0xFFFF, v59;
	v7 =	vshrl.u32 v61, $0x10;
	vm1 =	veq.s32 v63, v0;
	[tilespmem:v6+s26+$0x0] =	vst.idx.add.s32.msk vm7, v2  }
0x28f: {  	[tilespmem:v5+s26+$0x0] =	vst.idx.add.s32.msk vm3, v2;
	v5 =	vand.u32 $0xFFFF, v60;
	vm3 =	veq.s32 v7, v0  }
0x290: {  	s7 =	simm.s32 $0x2000;
	s1 =	simm.s32 $0x100;
	v6 =	vand.u32 $0xFFFF, v61;
	[tilespmem:v8+s26+$0x0] =	vst.idx.add.s32.msk vm4, v2  }
.LBB2_28:
0x291: {  	s6 =	smov.u32 s7  }
0x292: {  	s8 =	sand.u32 $0x6000, s7;
	[tilespmem:v4+s26+$0x0] =	vst.idx.add.s32.msk vm2, v2;
	s0 =	sadd.s32 $0x20, s0;
	s6 =	sadd.s32 $0x2000, s7  }
0x293: {  	s9 =	sand.u32 $0x2000, s1;
	p1 =	sne.s32 s7, $0x7E000;
	s8 =	sshrl.u32 s8, $0x2;
	[tilespmem:v3+s26+$0x0] =	vst.idx.add.s32.msk vm0, v2  }
0x294: {  	s7 =	sand.u32 $0x380, s0;
	s8 =	sor.u32 s8, s9;
	[tilespmem:v5+s26+$0x0] =	vst.idx.add.s32.msk vm1, v2  }
0x295: {  	s7 =	sor.u32 s7, s8;
	[tilespmem:v6+s26+$0x0] =	vst.idx.add.s32.msk vm3, v2  }
0x296: {  	v3 =	vld [tilespmem:s7+$0x4040]  }
0x297: {  	v4 =	vld [tilespmem:s7+$0x4030]  }
0x298: {  	v5 =	vld [tilespmem:s7+$0x4020]  }
0x299: {  	v6 =	vld [tilespmem:s7+$0x4010]  }
0x29a: {  	v7 =	vld [tilespmem:s7+$0x4000]  }
0x29b: {  	v8 =	vld [tilespmem:s7+$0x4050];
	v9 =	vshrl.u32 v3, $0x10  }
0x29c: {  	v10 =	vld [tilespmem:s7+$0x4060];
	v11 =	vshrl.u32 v4, $0x10  }
0x29d: {  	v12 =	vld [tilespmem:s7+$0x4070];
	v13 =	vshrl.u32 v5, $0x10  }
0x29e: {  	v14 =	vld [tilespmem:s7+$0x4400];
	v15 =	vshrl.u32 v6, $0x10  }
0x29f: {  	vm0 =	veq.s32 v11, v0;
	v16 =	vld [tilespmem:s7+$0x4410];
	v17 =	vshrl.u32 v7, $0x10  }
0x2a0: {  	v7 =	vand.u32 $0xFFFF, v7;
	vm1 =	veq.s32 v15, v0;
	v11 =	vld [tilespmem:s7+$0x4420];
	vm4 =	veq.s32 v17, v0  }
0x2a1: {  	v6 =	vand.u32 $0xFFFF, v6;
	vm2 =	veq.s32 v13, v0;
	v17 =	vshrl.u32 v8, $0x10;
	v15 =	vld [tilespmem:s7+$0x4430]  }
0x2a2: {  	v5 =	vand.u32 $0xFFFF, v5;
	v18 =	vshrl.u32 v10, $0x10;
	v13 =	vld [tilespmem:s7+$0x4440];
	v19 =	vshrl.u32 v12, $0x10  }
0x2a3: {  	v4 =	vand.u32 $0xFFFF, v4;
	vm3 =	veq.s32 v9, v0;
	v20 =	vld [tilespmem:s7+$0x4450];
	v21 =	vshrl.u32 v14, $0x10  }
0x2a4: {  	v3 =	vand.u32 $0xFFFF, v3;
	vm5 =	veq.s32 v17, v0;
	v9 =	vld [tilespmem:s7+$0x4460];
	v22 =	vshrl.u32 v16, $0x10  }
0x2a5: {  	v8 =	vand.u32 $0xFFFF, v8;
	vm6 =	veq.s32 v18, v0;
	v17 =	vld [tilespmem:s7+$0x4470];
	v23 =	vshrl.u32 v11, $0x10  }
0x2a6: {  	v18 =	vshrl.u32 v15, $0x10;
	[tilespmem:v7+s26+$0x0] =	vst.idx.add.s32.msk vm4, v2;
	v7 =	vand.u32 $0xFFFF, v10;
	vm4 =	veq.s32 v19, v0  }
0x2a7: {  	vm7 =	veq.s32 v21, v0;
	v10 =	vshrl.u32 v13, $0x10;
	[tilespmem:v6+s26+$0x0] =	vst.idx.add.s32.msk vm1, v2;
	v6 =	vand.u32 $0xFFFF, v12  }
0x2a8: {  	vm8 =	veq.s32 v22, v0;
	v12 =	vshrl.u32 v20, $0x10;
	[tilespmem:v5+s26+$0x0] =	vst.idx.add.s32.msk vm2, v2;
	v5 =	vand.u32 $0xFFFF, v14  }
0x2a9: {  	v16 =	vand.u32 $0xFFFF, v16;
	vm9 =	veq.s32 v23, v0;
	v14 =	vshrl.u32 v9, $0x10;
	[tilespmem:v4+s26+$0x0] =	vst.idx.add.s32.msk vm0, v2  }
0x2aa: {  	v11 =	vand.u32 $0xFFFF, v11;
	vm10 =	veq.s32 v18, v0;
	v19 =	vshrl.u32 v17, $0x10;
	[tilespmem:v3+s26+$0x0] =	vst.idx.add.s32.msk vm3, v2  }
0x2ab: {  	vm2 =	veq.s32 v10, v0;
	[tilespmem:v8+s26+$0x0] =	vst.idx.add.s32.msk vm5, v2;
	v8 =	vand.u32 $0xFFFF, v15  }
0x2ac: {  	v4 =	vand.u32 $0xFFFF, v13;
	vm0 =	veq.s32 v12, v0;
	[tilespmem:v7+s26+$0x0] =	vst.idx.add.s32.msk vm6, v2  }
.Ltmp13:
0x2ad: {  	v3 =	vand.u32 $0xFFFF, v20;
	vm1 =	veq.s32 v14, v0;
	[tilespmem:v6+s26+$0x0] =	vst.idx.add.s32.msk vm4, v2;
	(pc) =	sbr.rel @p1 .LBB2_28-.Ltmp13, $4  }
0x2ae: {  	vm3 =	veq.s32 v19, v0;
	[tilespmem:v5+s26+$0x0] =	vst.idx.add.s32.msk vm7, v2;
	v5 =	vand.u32 $0xFFFF, v9  }
0x2af: {  	v6 =	vand.u32 $0xFFFF, v17;
	[tilespmem:v16+s26+$0x0] =	vst.idx.add.s32.msk vm8, v2  }
0x2b0: {  	[tilespmem:v11+s26+$0x0] =	vst.idx.add.s32.msk vm9, v2  }
0x2b1: {  	s1 =	sadd.s32 $0x100, s1;
	s7 =	smov.u32 s6;
	[tilespmem:v8+s26+$0x0] =	vst.idx.add.s32.msk vm10, v2  }
0x2b2: {  	_ =	sdelay $0x1  }
0x2b3: {  	s29 =	sadd.s32 $0x1, s29  }
0x2b4: {  	p1 =	sne.s32 s29, $0x10  }
.Ltmp14:
0x2b5: {  	_ = 	snop;
	(pc) =	sbr.rel @p1 .LBB2_25-.Ltmp14, $4  }
0x2b6: {  	[tilespmem:v4+s26+$0x0] =	vst.idx.add.s32.msk vm2, v2  }
0x2b7: {  	[tilespmem:v3+s26+$0x0] =	vst.idx.add.s32.msk vm0, v2  }
0x2b8: {  	[tilespmem:v5+s26+$0x0] =	vst.idx.add.s32.msk vm1, v2  }
0x2b9: {  	[tilespmem:v6+s26+$0x0] =	vst.idx.add.s32.msk vm3, v2  }
0x2ba: {  	s0 =	simm.s32 $0x1  }
0x2bb: {  	_ =	swait.ge [sflag:s0], $0x4000  }
0x2bc: {  	[sflag:s0] =	ssyncset.done $0x0  }
0x2bd: {  	v2 =	vimm.s32 $0x0;
	s1 =	simm.s32 $0x8040;
	v4 =	vlaneseq.u32;
	v3 =	vimm.s32 $0x0;
	[sflag:s0] =	ssyncadd.s32 $0xFFFFC000;
	s0 =	simm.s32 $0x0  }
.LBB2_31:
0x2be: {  	v7 =	vld [tilespmem:s1+$0xFFFFFFC0]  }
0x2bf: {  	v8 =	vld [tilespmem:s1+$0xFFFFFFD0]  }
0x2c0: {  	v9 =	vld [tilespmem:s1+$0xFFFFFFE0]  }
0x2c1: {  	v6 =	vld [tilespmem:s1+$0xFFFFFFF0]  }
0x2c2: {  	v5 =	vld [tilespmem:s1+$0x0]  }
0x2c3: {  	v10 =	vadd.s32 v2, v7;
	v7 =	vld [tilespmem:s1+$0x10]  }
0x2c4: {  	v10 =	vadd.s32 v8, v10;
	v8 =	vld [tilespmem:s1+$0x20]  }
0x2c5: {  	s4 =	simm.s32 $0x0;
	s5 =	sadd.s32 $0x80, s1;
	v10 =	vadd.s32 v9, v10;
	v9 =	vld [tilespmem:s1+$0x30]  }
.LBB2_32:
0x2c6: {  	v11 =	vld [tilespmem:s5+$0xFFFFFFC0];
	s4 =	sadd.s32 $0x8, s4;
	v6 =	vadd.s32 v6, v10  }
0x2c7: {  	v10 =	vld [tilespmem:s5+$0xFFFFFFD0];
	p1 =	slt.u32 s4, $0xF8;
	v5 =	vadd.s32 v5, v6  }
0x2c8: {  	v12 =	vld [tilespmem:s5+$0xFFFFFFE0];
	v5 =	vadd.s32 v7, v5  }
.Ltmp15:
0x2c9: {  	v6 =	vld [tilespmem:s5+$0xFFFFFFF0];
	v7 =	vadd.s32 v8, v5;
	(pc) =	sbr.rel @p1 .LBB2_32-.Ltmp15, $4  }
0x2ca: {  	v5 =	vld [tilespmem:s5+$0x0];
	v7 =	vadd.s32 v9, v7  }
0x2cb: {  	v8 =	vadd.s32 v7, v11;
	v7 =	vld [tilespmem:s5+$0x10]  }
0x2cc: {  	v9 =	vadd.s32 v10, v8;
	v8 =	vld [tilespmem:s5+$0x20]  }
0x2cd: {  	v10 =	vadd.s32 v12, v9;
	v9 =	vld [tilespmem:s5+$0x30];
	s5 =	sadd.s32 $0x80, s5  }
0x2ce: {  	v6 =	vadd.s32 v6, v10  }
0x2cf: {  	v5 =	vadd.s32 v5, v6  }
0x2d0: {  	v5 =	vadd.s32 v7, v5  }
0x2d1: {  	v5 =	vadd.s32 v8, v5  }
0x2d2: {  	v5 =	vadd.s32 v9, v5  }
0x2d3: {  	(xrf0) =	vadd.scan.msk.s32 $0xffff, v5;
	_ =	sdelay $0x3  }
0x2d4: {  	v6 =	vmov s0;
	s0 =	sadd.s32 $0x1, s0  }
0x2d5: {  	p1 =	sne.s32 s0, $0x10  }
.Ltmp16:
0x2d6: {  	v5, _, _ =	vpop (xrf0);
	(pc) =	sbr.rel @p1 .LBB2_31-.Ltmp16, $4  }
0x2d7: {  	v5 =	vbroadcast v5, $0xF  }
0x2d8: {  	vm0 =	veq.s32 v6, v4  }
0x2d9: {  	v5 =	vnsel vm0, $0x0, v5  }
0x2da: {  	s1 =	sadd.s32 $0x1000, s1;
	v3 =	vadd.s32 v3, v5  }
0x2db: {  	[tilespmem:$0x1A000] =	vst v3;
	s0 =	simm.s32 $0x1A000;
	s23 =	simm.s32 $0x3  }
0x2dc: {  	[spmem:s10] =	stream.linear.scatter [tilespmem:s0], [sflag:$0x3], $0x80, $0x38;
	[tilespmem:$0x1B218] =	vst v63  }
0x2dd: {  	_ =	swait.ge [sflag:s23], $0x80  }
0x2de: {  	[sflag:s23] =	ssyncset.done $0x0  }
0x2df: {  	[sflag:s23] =	ssyncadd.s32 $0xFFFFFF80  }
0x2e0: {  	s1 =	simm.s32 $0x1A080;
	[bflag:$0x0] =	sbarrier.arrive $0xFFFF  }
0x2e1: {  	[tilespmem:s1], [sflag:$0x3] =	stream.linear.gather [spmem:s3], $0x80, $0x38;
	[tilespmem:$0x1B218] =	vst v63  }
0x2e2: {  	_ =	swait.ge [sflag:s23], $0x80  }
0x2e3: {  	[sflag:s23] =	ssyncset.done $0x0  }
0x2e4: {  	[sflag:s23] =	ssyncadd.s32 $0xFFFFFF80  }
0x2e5: {  	v2 =	vld [tilespmem:$0x1A080];
	[tilespmem:s1], [sflag:$0x3] =	stream.linear.gather [spmem:s11], $0x80, $0x38  }
0x2e6: {  	_ =	swait.ge [sflag:s23], $0x80  }
0x2e7: {  	[sflag:s23] =	ssyncset.done $0x0  }
0x2e8: {  	[sflag:s23] =	ssyncadd.s32 $0xFFFFFF80  }
0x2e9: {  	v3 =	vld [tilespmem:$0x1A080];
	[tilespmem:s1], [sflag:$0x3] =	stream.linear.gather [spmem:s12], $0x80, $0x38  }
0x2ea: {  	_ =	swait.ge [sflag:s23], $0x80  }
0x2eb: {  	[sflag:s23] =	ssyncset.done $0x0  }
0x2ec: {  	[sflag:s23] =	ssyncadd.s32 $0xFFFFFF80  }
0x2ed: {  	v4 =	vld [tilespmem:$0x1A080];
	[tilespmem:s1], [sflag:$0x3] =	stream.linear.gather [spmem:s13], $0x80, $0x38  }
0x2ee: {  	_ =	swait.ge [sflag:s23], $0x80  }
0x2ef: {  	[sflag:s23] =	ssyncset.done $0x0  }
0x2f0: {  	[sflag:s23] =	ssyncadd.s32 $0xFFFFFF80  }
0x2f1: {  	v5 =	vld [tilespmem:$0x1A080];
	[tilespmem:s1], [sflag:$0x3] =	stream.linear.gather [spmem:s14], $0x80, $0x38  }
0x2f2: {  	_ =	swait.ge [sflag:s23], $0x80  }
0x2f3: {  	[sflag:s23] =	ssyncset.done $0x0  }
0x2f4: {  	[sflag:s23] =	ssyncadd.s32 $0xFFFFFF80  }
0x2f5: {  	v6 =	vld [tilespmem:$0x1A080];
	[tilespmem:s1], [sflag:$0x3] =	stream.linear.gather [spmem:s15], $0x80, $0x38  }
0x2f6: {  	_ =	swait.ge [sflag:s23], $0x80  }
0x2f7: {  	[sflag:s23] =	ssyncset.done $0x0  }
0x2f8: {  	[sflag:s23] =	ssyncadd.s32 $0xFFFFFF80  }
0x2f9: {  	v7 =	vld [tilespmem:$0x1A080];
	[tilespmem:s1], [sflag:$0x3] =	stream.linear.gather [spmem:s16], $0x80, $0x38  }
0x2fa: {  	_ =	swait.ge [sflag:s23], $0x80  }
0x2fb: {  	[sflag:s23] =	ssyncset.done $0x0  }
0x2fc: {  	[sflag:s23] =	ssyncadd.s32 $0xFFFFFF80  }
0x2fd: {  	v8 =	vld [tilespmem:$0x1A080];
	[tilespmem:s1], [sflag:$0x3] =	stream.linear.gather [spmem:s17], $0x80, $0x38  }
0x2fe: {  	_ =	swait.ge [sflag:s23], $0x80  }
0x2ff: {  	[sflag:s23] =	ssyncset.done $0x0  }
0x300: {  	[sflag:s23] =	ssyncadd.s32 $0xFFFFFF80  }
0x301: {  	v9 =	vld [tilespmem:$0x1A080];
	[tilespmem:s1], [sflag:$0x3] =	stream.linear.gather [spmem:s18], $0x80, $0x38  }
0x302: {  	_ =	swait.ge [sflag:s23], $0x80  }
0x303: {  	[sflag:s23] =	ssyncset.done $0x0  }
0x304: {  	[sflag:s23] =	ssyncadd.s32 $0xFFFFFF80  }
0x305: {  	v10 =	vld [tilespmem:$0x1A080];
	[tilespmem:s1], [sflag:$0x3] =	stream.linear.gather [spmem:s30], $0x80, $0x38  }
0x306: {  	_ =	swait.ge [sflag:s23], $0x80  }
0x307: {  	[sflag:s23] =	ssyncset.done $0x0  }
0x308: {  	s24 =	rddreg [dreg:$0x11];
	[sflag:s23] =	ssyncadd.s32 $0xFFFFFF80  }
0x309: {  	v11 =	vld [tilespmem:$0x1A080];
	[tilespmem:s1], [sflag:$0x3] =	stream.linear.gather [spmem:s24], $0x80, $0x38  }
0x30a: {  	_ =	swait.ge [sflag:s23], $0x80  }
0x30b: {  	[sflag:s23] =	ssyncset.done $0x0  }
0x30c: {  	s25 =	rddreg [dreg:$0x12];
	[sflag:s23] =	ssyncadd.s32 $0xFFFFFF80  }
0x30d: {  	v12 =	vld [tilespmem:$0x1A080];
	[tilespmem:s1], [sflag:$0x3] =	stream.linear.gather [spmem:s25], $0x80, $0x38  }
0x30e: {  	_ =	swait.ge [sflag:s23], $0x80  }
0x30f: {  	[sflag:s23] =	ssyncset.done $0x0  }
0x310: {  	s26 =	rddreg [dreg:$0x13];
	[sflag:s23] =	ssyncadd.s32 $0xFFFFFF80  }
0x311: {  	v13 =	vld [tilespmem:$0x1A080];
	[tilespmem:s1], [sflag:$0x3] =	stream.linear.gather [spmem:s26], $0x80, $0x38  }
0x312: {  	_ =	swait.ge [sflag:s23], $0x80  }
0x313: {  	[sflag:s23] =	ssyncset.done $0x0  }
0x314: {  	s28 =	rddreg [dreg:$0x14];
	[sflag:s23] =	ssyncadd.s32 $0xFFFFFF80  }
0x315: {  	v14 =	vld [tilespmem:$0x1A080];
	[tilespmem:s1], [sflag:$0x3] =	stream.linear.gather [spmem:s28], $0x80, $0x38  }
0x316: {  	_ =	swait.ge [sflag:s23], $0x80  }
0x317: {  	[sflag:s23] =	ssyncset.done $0x0  }
0x318: {  	[sflag:s23] =	ssyncadd.s32 $0xFFFFFF80  }
0x319: {  	v15 =	vld [tilespmem:$0x1A080];
	[tilespmem:s1], [sflag:$0x3] =	stream.linear.gather [spmem:s21], $0x80, $0x38  }
0x31a: {  	_ =	swait.ge [sflag:s23], $0x80  }
0x31b: {  	[sflag:s23] =	ssyncset.done $0x0  }
0x31c: {  	[sflag:s23] =	ssyncadd.s32 $0xFFFFFF80  }
0x31d: {  	v16 =	vld [tilespmem:$0x1A080];
	[tilespmem:s1], [sflag:$0x3] =	stream.linear.gather [spmem:s22], $0x80, $0x38  }
0x31e: {  	v1 =	vxor.u32 $0x80000000, v1;
	_ =	swait.ge [sflag:s23], $0x80  }
0x31f: {  	(xrf0) =	vmax.scan.msk.u32 $0xffff, v1;
	_ =	sdelay $0x1  }
0x320: {  	v1 =	vadd.s32 v2, v3  }
0x321: {  	v1 =	vadd.s32 v1, v4  }
0x322: {  	v1 =	vadd.s32 v1, v5  }
0x323: {  	v1 =	vadd.s32 v1, v6  }
0x324: {  	v1 =	vadd.s32 v1, v7;
	v2, _, _ =	vpop (xrf0)  }
0x325: {  	v1 =	vadd.s32 v1, v8;
	(v2sf) =	vpush v2, $0xF  }
0x326: {  	v1 =	vadd.s32 v1, v9  }
0x327: {  	[sflag:s23] =	ssyncset.done $0x0;
	v1 =	vadd.s32 v1, v10  }
0x328: {  	[sflag:s23] =	ssyncadd.s32 $0xFFFFFF80;
	v1 =	vadd.s32 v1, v11  }
0x329: {  	v2 =	vld [tilespmem:$0x1A080];
	v1 =	vadd.s32 v1, v12  }
0x32a: {  	v1 =	vadd.s32 v1, v13  }
0x32b: {  	v1 =	vadd.s32 v1, v14  }
0x32c: {  	v1 =	vadd.s32 v1, v15  }
0x32d: {  	v1 =	vadd.s32 v1, v16  }
0x32e: {  	v2 =	vadd.s32 v1, v2  }
0x32f: {  	(xrf0) =	vadd.scan.msk.s32 $0xffff, v2;
	_ =	sdelay $0x4  }
0x330: {  	s29 =	spop (v2sf)  }
0x331: {  	v3, _, _ =	vpop (xrf0);
	s1 =	sxor.u32 $0x80000000, s29  }
0x332: {  	v1 =	vimm.s32 $0x0;
	vm0 =	vlt.s32 v3, s1  }
0x333: {  	v61 =	vsel vm0, $0x1, v1  }
0x334: {  	(xrf0) =	vadd.scan.msk.s32 $0xffff, v61;
	_ =	sdelay $0x5  }
0x335: {  	v4, _, _ =	vpop (xrf0)  }
0x336: {  	v62 =	vbroadcast v4, $0xF  }
0x337: {  	v63 =	vlaneseq.u32  }
0x338: {  	v2 =	vsub.s32 v3, v2;
	vm15 =	veq.s32 v62, v63  }
0x339: {  	v2 =	vnsel vm15, $0x0, v2  }
0x33a: {  	(xrf0) =	vadd.scan.msk.s32 $0xffff, v2;
	_ =	sdelay $0x2  }
0x33b: {  	(v2sf) =	vpush v4, $0xF;
	_ =	sdelay $0x2  }
0x33c: {  	v2, _, _ =	vpop (xrf0)  }
0x33d: {  	(v2sf) =	vpush v2, $0xF;
	_ =	sdelay $0xa  }
0x33e: {  	s30 =	spop (v2sf)  }
0x33f: {  	s3 =	sshll.u32 s30, $0xC  }
0x340: {  	s6 =	simm.s32 $0x80;
	s7 =	simm.s32 $0x400;
	s5 =	sadd.s32 $0x8000, s3  }
0x341: {  	[spmem:s31] =	stream.strided.scatter [tilespmem:s5], [sflag:$0x3], $0x1000, s7, s6, $0x38;
	[tilespmem:$0x1B218] =	vst v63  }
0x342: {  	s4 =	spop (v2sf)  }
0x343: {  	_ =	swait.ge [sflag:s23], $0x1000  }
0x344: {  	[sflag:s23] =	ssyncset.done $0x0  }
0x345: {  	[sflag:s23] =	ssyncadd.s32 $0xFFFFF000  }
0x346: {  	[bflag:$0x0] =	sbarrier.arrive $0xFFFF  }
0x347: {  	_ =	sfence.sel @p0 $0x180000  }
0x348: {  	[bflag:$0x0] =	sbarrier.arrive @p0 $0xFFFF  }
0x349: {  	_ =	strace @p0 $0x90000047  }
0x34a: {  	[bflag:$0x2] =	sbarrier.arrive @p0 $0xFFFF  }
0x34b: {  	_ =	shalt @p0  }
.LBB2_35:
0x34c: {  	s5 =	simm.s32 $0x19040  }
0x34d: {  	[tilespmem:s5+$0xFFFFFFC0] =	vst v1  }
0x34e: {  	[tilespmem:s5+$0x30] =	vst v1  }
0x34f: {  	[tilespmem:s5+$0x20] =	vst v1  }
0x350: {  	[tilespmem:s5+$0x10] =	vst v1  }
0x351: {  	[tilespmem:s5+$0x0] =	vst v1  }
0x352: {  	[tilespmem:s5+$0xFFFFFFF0] =	vst v1  }
0x353: {  	s4 =	ssub.s32 s1, s4;
	s0 =	simm.s32 $0x0;
	[tilespmem:s5+$0xFFFFFFE0] =	vst v1  }
.LBB2_36:
0x354: {  	s0 =	sadd.s32 $0x8, s0;
	[tilespmem:s5+$0xFFFFFFD0] =	vst v1;
	s5 =	sadd.s32 $0x80, s5  }
0x355: {  	[tilespmem:s5+$0xFFFFFFC0] =	vst v1;
	p0 =	slt.u32 s0, $0xF8  }
0x356: {  	[tilespmem:s5+$0x30] =	vst v1  }
.Ltmp17:
0x357: {  	[tilespmem:s5+$0x20] =	vst v1;
	(pc) =	sbr.rel @p0 .LBB2_36-.Ltmp17, $4  }
0x358: {  	[tilespmem:s5+$0x10] =	vst v1  }
0x359: {  	[tilespmem:s5+$0x0] =	vst v1  }
0x35a: {  	[tilespmem:s5+$0xFFFFFFF0] =	vst v1  }
0x35b: {  	[tilespmem:s5+$0xFFFFFFE0] =	vst v1  }
0x35c: {  	s0 =	simm.s32 $0x0;
	s1 =	simm.s32 $0x80  }
0x35d: {  	[tilespmem:s5+$0xFFFFFFD0] =	vst v1;
	s5 =	simm.s32 $0x400;
	s6 =	simm.s32 $0x18000;
	s7 =	simm.s32 $0x3  }
.LBB2_38:
0x35e: {  	s8 =	sshll.u32 s0, $0xC  }
0x35f: {  	s9 =	sshll.u32 s0, $0x7;
	s8 =	sand.u32 $0x8000, s8  }
0x360: {  	s9 =	sand.u32 $0x380, s9;
	s8 =	sadd.s32 s8, s2  }
0x361: {  	s8 =	sadd.s32 s9, s8  }
0x362: {  	[tilespmem:s6], [sflag:$0x3] =	stream.strided.gather [spmem:s8], $0x1000, s5, s1, $0x38;
	[tilespmem:$0x1B218] =	vst v63  }
0x363: {  	_ =	swait.ge [sflag:s7], $0x1000  }
0x364: {  	[sflag:s7] =	ssyncset.done $0x0  }
0x365: {  	s8 =	simm.s32 $0x19040;
	[sflag:s7] =	ssyncadd.s32 $0xFFFFF000  }
0x366: {  	s9 =	simm.s32 $0x18040;
	v1 =	vld [tilespmem:s8+$0xFFFFFFC0]  }
0x367: {  	v2 =	vld [tilespmem:s9+$0xFFFFFFC0];
	_ =	sdelay $0x4  }
0x368: {  	v1 =	vadd.s32 v1, v2  }
0x369: {  	[tilespmem:s8+$0xFFFFFFC0] =	vst v1;
	v1 =	vld [tilespmem:s8+$0xFFFFFFD0]  }
0x36a: {  	v2 =	vld [tilespmem:s9+$0xFFFFFFD0];
	_ =	sdelay $0x4  }
0x36b: {  	v1 =	vadd.s32 v1, v2  }
0x36c: {  	[tilespmem:s8+$0xFFFFFFD0] =	vst v1;
	v1 =	vld [tilespmem:s8+$0xFFFFFFE0]  }
0x36d: {  	v2 =	vld [tilespmem:s9+$0xFFFFFFE0];
	_ =	sdelay $0x4  }
0x36e: {  	v1 =	vadd.s32 v1, v2  }
0x36f: {  	[tilespmem:s8+$0xFFFFFFE0] =	vst v1;
	v1 =	vld [tilespmem:s8+$0xFFFFFFF0]  }
0x370: {  	v2 =	vld [tilespmem:s9+$0xFFFFFFF0];
	_ =	sdelay $0x4  }
0x371: {  	v1 =	vadd.s32 v1, v2  }
0x372: {  	[tilespmem:s8+$0xFFFFFFF0] =	vst v1;
	v1 =	vld [tilespmem:s8+$0x0]  }
0x373: {  	v2 =	vld [tilespmem:s9+$0x0];
	_ =	sdelay $0x4  }
0x374: {  	v1 =	vadd.s32 v1, v2  }
0x375: {  	[tilespmem:s8+$0x0] =	vst v1;
	v1 =	vld [tilespmem:s8+$0x10]  }
0x376: {  	v2 =	vld [tilespmem:s9+$0x10];
	_ =	sdelay $0x4  }
0x377: {  	v1 =	vadd.s32 v1, v2  }
0x378: {  	[tilespmem:s8+$0x10] =	vst v1;
	v1 =	vld [tilespmem:s8+$0x20]  }
0x379: {  	v2 =	vld [tilespmem:s9+$0x20];
	_ =	sdelay $0x4  }
0x37a: {  	v1 =	vadd.s32 v1, v2  }
0x37b: {  	[tilespmem:s8+$0x20] =	vst v1;
	v1 =	vld [tilespmem:s8+$0x30]  }
0x37c: {  	v2 =	vld [tilespmem:s9+$0x30];
	_ =	sdelay $0x4  }
0x37d: {  	s10 =	simm.s32 $0x0;
	s11 =	simm.s32 $0x190C0;
	v1 =	vadd.s32 v1, v2  }
.LBB2_39:
0x37e: {  	v2 =	vld [tilespmem:s11+$0xFFFFFFC0];
	[tilespmem:s8+$0x30] =	vst v1;
	s9 =	sadd.s32 $0x80, s9;
	s8 =	smov.u32 s11  }
0x37f: {  	s10 =	sadd.s32 $0x8, s10;
	v1 =	vld [tilespmem:s9+$0xFFFFFFC0]  }
0x380: {  	p0 =	slt.u32 s10, $0xF8;
	_ =	sdelay $0x3  }
0x381: {  	v1 =	vadd.s32 v2, v1  }
0x382: {  	[tilespmem:s11+$0xFFFFFFC0] =	vst v1;
	v1 =	vld [tilespmem:s11+$0xFFFFFFD0]  }
0x383: {  	v2 =	vld [tilespmem:s9+$0xFFFFFFD0];
	_ =	sdelay $0x4  }
0x384: {  	v1 =	vadd.s32 v1, v2  }
0x385: {  	[tilespmem:s11+$0xFFFFFFD0] =	vst v1;
	v1 =	vld [tilespmem:s11+$0xFFFFFFE0]  }
0x386: {  	v2 =	vld [tilespmem:s9+$0xFFFFFFE0];
	_ =	sdelay $0x4  }
0x387: {  	v1 =	vadd.s32 v1, v2  }
0x388: {  	[tilespmem:s11+$0xFFFFFFE0] =	vst v1;
	v1 =	vld [tilespmem:s11+$0xFFFFFFF0]  }
0x389: {  	v2 =	vld [tilespmem:s9+$0xFFFFFFF0];
	_ =	sdelay $0x4  }
0x38a: {  	v1 =	vadd.s32 v1, v2  }
0x38b: {  	[tilespmem:s11+$0xFFFFFFF0] =	vst v1;
	v1 =	vld [tilespmem:s11+$0x0]  }
0x38c: {  	v2 =	vld [tilespmem:s9+$0x0];
	_ =	sdelay $0x4  }
0x38d: {  	v1 =	vadd.s32 v1, v2  }
0x38e: {  	[tilespmem:s11+$0x0] =	vst v1;
	v1 =	vld [tilespmem:s11+$0x10]  }
0x38f: {  	v2 =	vld [tilespmem:s9+$0x10];
	_ =	sdelay $0x4  }
0x390: {  	v1 =	vadd.s32 v1, v2  }
0x391: {  	[tilespmem:s11+$0x10] =	vst v1;
	v1 =	vld [tilespmem:s11+$0x20]  }
0x392: {  	v2 =	vld [tilespmem:s9+$0x20];
	_ =	sdelay $0x4  }
0x393: {  	v1 =	vadd.s32 v1, v2  }
0x394: {  	[tilespmem:s11+$0x20] =	vst v1;
	v1 =	vld [tilespmem:s11+$0x30]  }
0x395: {  	v2 =	vld [tilespmem:s9+$0x30]  }
.Ltmp18:
0x396: {  	(pc) =	sbr.rel @p0 .LBB2_39-.Ltmp18, $2  }
0x397: {  	_ =	sdelay $0x2  }
0x398: {  	s11 =	sadd.s32 $0x80, s11;
	v1 =	vadd.s32 v1, v2  }
0x399: {  	s0 =	sadd.s32 $0x1, s0  }
0x39a: {  	p0 =	seq.s32 s0, $0x10  }
.Ltmp19:
0x39b: {  	_ = 	snop;
	(pc) =	sbr.rel @!p0 .LBB2_38-.Ltmp19, $2  }
0x39c: {  	_ =	sdelay $0x2  }
0x39d: {  	[tilespmem:s8+$0x30] =	vst v1  }
0x39e: {  	s0 =	simm.s32 $0x19000  }
0x39f: {  	v3 =	vld [tilespmem:s0+$0x0];
	_ =	sdelay $0x2  }
0x3a0: {  	s23 =	simm.s32 $0x19010  }
0x3a1: {  	v4 =	vld [tilespmem:s23+$0x0]  }
0x3a2: {  	(xrf0) =	vadd.scan.msk.s32 $0xffff, v3;
	_ =	sdelay $0x3  }
0x3a3: {  	(xrf0) =	vadd.scan.msk.s32 $0xffff, v4  }
0x3a4: {  	s24 =	simm.s32 $0x19020  }
0x3a5: {  	v3 =	vld [tilespmem:s24+$0x0];
	v4, _, _ =	vpop (xrf0)  }
0x3a6: {  	v5 =	vxor.u32 $0x80000000, v4  }
0x3a7: {  	(xrf0) =	vmax.scan.msk.u32 $0xffff, v5;
	_ =	sdelay $0x1  }
0x3a8: {  	v5, _, _ =	vpop (xrf0)  }
0x3a9: {  	(xrf0) =	vadd.scan.msk.s32 $0xffff, v3;
	v3 =	vxor.u32 $0x80000000, v5  }
0x3aa: {  	s25 =	simm.s32 $0x19030;
	(xrf0) =	vmax.scan.msk.u32 $0xffff, v3  }
0x3ab: {  	v3 =	vld [tilespmem:s25+$0x0]  }
0x3ac: {  	v6, _, _ =	vpop (xrf0)  }
0x3ad: {  	(v2sf) =	vpush v6, $0xF;
	_ =	sdelay $0x1  }
0x3ae: {  	v6, _, _ =	vpop (xrf0)  }
0x3af: {  	(xrf0) =	vadd.scan.msk.s32 $0xffff, v3;
	v3 =	vxor.u32 $0x80000000, v6;
	v7, _, _ =	vpop (xrf0)  }
0x3b0: {  	(xrf0) =	vmax.scan.msk.u32 $0xffff, v3;
	(v2sf) =	vpush v7, $0xF;
	_ =	sdelay $0x1  }
0x3b1: {  	s26 =	simm.s32 $0x19040  }
0x3b2: {  	v3 =	vld [tilespmem:s26+$0x0];
	_ =	sdelay $0x1  }
0x3b3: {  	v7, _, _ =	vpop (xrf0)  }
0x3b4: {  	s28 =	simm.s32 $0x19050;
	v8, _, _ =	vpop (xrf0)  }
0x3b5: {  	s2 =	simm.s32 $0x0;
	(v2sf) =	vpush v8, $0xF;
	v8 =	vld [tilespmem:s28+$0x0]  }
0x3b6: {  	v2 =	vmov s4;
	v4 =	vadd.s32 s2, v4;
	(xrf0) =	vadd.scan.msk.s32 $0xffff, v3  }
0x3b7: {  	v1 =	vimm.s32 $0x0;
	vm0 =	vlt.s32 v4, v2;
	v3 =	vxor.u32 $0x80000000, v7  }
0x3b8: {  	v4 =	vsel vm0, $0x1, v1;
	(xrf0) =	vmax.scan.msk.u32 $0xffff, v3  }
0x3b9: {  	(xrf0) =	vadd.scan.msk.s32 $0xffff, v4;
	s29 =	spop (v2sf)  }
0x3ba: {  	(xrf0) =	vadd.scan.msk.s32 $0xffff, v8;
	s0 =	sadd.s32 $0x0, s29  }
0x3bb: {  	s1 =	simm.s32 $0x19060;
	s0 =	sadd.s32 $0x80000000, s0  }
0x3bc: {  	v4, _, _ =	vpop (xrf0);
	v8 =	vld [tilespmem:s1+$0x0];
	v3 =	vadd.s32 s0, v5  }
0x3bd: {  	s30 =	spop (v2sf);
	vm13 =	vlt.s32 v3, v2;
	v3 =	vxor.u32 $0x80000000, v4  }
0x3be: {  	v5, _, _ =	vpop (xrf0);
	s1 =	sadd.s32 s30, s0  }
0x3bf: {  	v10, _, _ =	vpop (xrf0);
	v9 =	vsel vm13, $0x1, v1;
	(xrf0) =	vmax.scan.msk.u32 $0xffff, v3;
	s1 =	sadd.s32 $0x80000000, s1  }
0x3c0: {  	(xrf0) =	vadd.scan.msk.s32 $0xffff, v9;
	v6 =	vadd.s32 s1, v6;
	v3, _, _ =	vpop (xrf0)  }
0x3c1: {  	(v2sf) =	vpush v5, $0xF;
	(xrf0) =	vadd.scan.msk.s32 $0xffff, v8;
	vm14 =	vlt.s32 v6, v2;
	v6 =	vxor.u32 $0x80000000, v3  }
0x3c2: {  	v8 =	vsel vm14, $0x1, v1;
	(xrf0) =	vmax.scan.msk.u32 $0xffff, v6;
	_ =	sdelay $0x1  }
0x3c3: {  	(v2sf) =	vpush v10, $0xF  }
0x3c4: {  	(xrf0) =	vadd.scan.msk.s32 $0xffff, v8;
	v8, _, _ =	vpop (xrf0)  }
0x3c5: {  	v9, _, _ =	vpop (xrf0)  }
0x3c6: {  	s10 =	simm.s32 $0x10;
	p1 =	por $0x1, $0x1;
	s31 =	spop (v2sf);
	(v2sf) =	vpush v8, $0xF;
	v5, _, _ =	vpop (xrf0)  }
0x3c7: {  	s9 =	simm.s32 $0x20;
	s5 =	simm.s32 $0x19070;
	p0 =	sge.s32 s0, s4;
	(v2sf) =	vpush v9, $0xF;
	v8, _, _ =	vpop (xrf0)  }
0x3c8: {  	p0 =	por !p1, !p0;
	p6 =	sge.s32 s1, s4;
	v6 =	vld [tilespmem:s5+$0x0];
	s1 =	sadd.s32 s31, s1;
	(v2sf) =	vpush v8, $0xF  }
0x3c9: {  	p0 =	por !p0, !p0;
	s0 =	simm.s32 $0x0;
	s12 =	sadd.s32 $0x80000000, s1  }
0x3ca: {  	s7 =	simm.s32 $0x30;
	s8 =	simm.s32 $0x40;
	s0 =	simm.s32 @p0 $0x1;
	v7 =	vadd.s32 s12, v7  }
0x3cb: {  	s6 =	simm.s32 $0x50;
	s13 =	simm.s32 $0x19080;
	p2 =	seq.s32 s0, $0x0;
	vm15 =	vlt.s32 v7, v2;
	v7 =	vxor.u32 $0x80000000, v5  }
0x3cc: {  	s14 =	simm.s32 $0x80;
	s11 =	simm.s32 $0x0;
	p1 =	por !p2, !p6  }
0x3cd: {  	p0 =	por p0, p0;
	s5 =	simm.s32 $0x60;
	p1 =	por !p1, !p1;
	(xrf0) =	vadd.scan.msk.s32 $0xffff, v6  }
0x3ce: {  	s0 =	simm.s32 @p1 $0x1;
	s1 =	simm.s32 $0x70;
	p2 =	sge.s32 s12, s4;
	v6 =	vsel vm15, $0x1, v1;
	(xrf0) =	vmax.scan.msk.u32 $0xffff, v7;
	v7, _, _ =	vpop (xrf0)  }
.LBB2_42:
0x3cf: {  	p3 =	sne.s32 s14, $0xFF0;
	s15 =	spop (v2sf)  }
0x3d0: {  	s16 =	smov.u32 s6;
	s6 =	smov.u32 s5;
	s5 =	smov.u32 s1  }
0x3d1: {  	v8 =	vld [tilespmem:s13+$0x0];
	(xrf0) =	vadd.scan.msk.s32 $0xffff, v6;
	s1 =	smov.u32 s14;
	p4 =	por p0, p0;
	p0 =	por p1, p1;
	(v2sf) =	vpush v7, $0xF  }
0x3d2: {  	p1 =	seq.s32 s0, $0x0;
	s12 =	sadd.s32 s15, s12;
	s15 =	spop (v2sf)  }
.Ltmp20:
0x3d3: {  	s12 =	sadd.s32 $0x80000000, s12;
	s11 =	sadd.s32 s11, s15;
	(pc) =	sbr.rel @p3 .LBB2_42-.Ltmp20, $4  }
0x3d4: {  	p1 =	por !p1, !p2;
	v6 =	vadd.s32 s12, v4;
	p2 =	sge.s32 s12, s4;
	v4 =	vmov v3;
	v3 =	vmov v5;
	s2 =	smov.u32 @p4 s11  }
0x3d5: {  	p1 =	por !p1, !p1;
	vm0 =	vlt.s32 v6, v2;
	s11 =	smov.u32 s10;
	s10 =	smov.u32 s9;
	v5, _, _ =	vpop (xrf0)  }
0x3d6: {  	s0 =	simm.s32 @p1 $0x1;
	s9 =	smov.u32 s7;
	s7 =	smov.u32 s8;
	v6 =	vsel vm0, $0x1, v1;
	(xrf0) =	vadd.scan.msk.s32 $0xffff, v8;
	v9 =	vxor.u32 $0x80000000, v5;
	v8, _, _ =	vpop (xrf0)  }
0x3d7: {  	s13 =	sadd.s32 $0x10, s13;
	s14 =	sadd.s32 $0x10, s14;
	s8 =	smov.u32 s16;
	(xrf0) =	vmax.scan.msk.u32 $0xffff, v9;
	(v2sf) =	vpush v8, $0xF;
	v7, _, _ =	vpop (xrf0)  }
0x3d8: {  	_ =	sdelay $0x3  }
0x3d9: {  	v8, _, _ =	vpop (xrf0)  }
0x3da: {  	(v2sf) =	vpush v7, $0xF;
	v50, _, _ =	vpop (xrf0)  }
0x3db: {  	(v2sf) =	vpush v50, $0xF;
	_ =	sdelay $0x7  }
0x3dc: {  	(xrf0) =	vadd.scan.msk.s32 $0xffff, v6;
	s13 =	spop (v2sf)  }
0x3dd: {  	s12 =	sadd.s32 s13, s12  }
0x3de: {  	s31 =	spop (v2sf);
	s12 =	sadd.s32 $0x80000000, s12;
	v51 =	vxor.u32 $0x80000000, v8  }
0x3df: {  	s14 =	spop (v2sf);
	v4 =	vadd.s32 s12, v4;
	(xrf0) =	vmax.scan.msk.u32 $0xffff, v51  }
0x3e0: {  	s14 =	sadd.s32 s14, s12;
	vm0 =	vlt.s32 v4, v2;
	s15 =	spop (v2sf)  }
0x3e1: {  	s14 =	sadd.s32 $0x80000000, s14;
	v4 =	vsel vm0, $0x1, v1;
	s16 =	spop (v2sf)  }
0x3e2: {  	v3 =	vadd.s32 s14, v3;
	v52, _, _ =	vpop (xrf0);
	(xrf0) =	vadd.scan.msk.s32 $0xffff, v4;
	s16 =	sadd.s32 s16, s14;
	s17 =	spop (v2sf)  }
0x3e3: {  	vm13 =	vlt.s32 v3, v2;
	(v2sf) =	vpush v52, $0xF;
	s16 =	sadd.s32 $0x80000000, s16;
	s18 =	spop (v2sf)  }
0x3e4: {  	v3 =	vsel vm13, $0x1, v1;
	s18 =	sadd.s32 s18, s16  }
0x3e5: {  	p3 =	seq.s32 s0, $0x0;
	v53, _, _ =	vpop (xrf0);
	(xrf0) =	vadd.scan.msk.s32 $0xffff, v3;
	v54 =	vadd.s32 s16, v5;
	s18 =	sadd.s32 $0x80000000, s18  }
0x3e6: {  	p2 =	por !p3, !p2;
	vm14 =	vlt.s32 v54, v2;
	v55 =	vadd.s32 s18, v8  }
0x3e7: {  	p2 =	por !p2, !p2;
	v56 =	vsel vm14, $0x1, v1;
	vm15 =	vlt.s32 v55, v2  }
0x3e8: {  	s0 =	simm.s32 @p2 $0x1;
	(v2sf) =	vpush v53, $0xF;
	v57, _, _ =	vpop (xrf0);
	(xrf0) =	vadd.scan.msk.s32 $0xffff, v56;
	v58 =	vsel vm15, $0x1, v1  }
0x3e9: {  	p5 =	sge.s32 s12, s4;
	p4 =	seq.s32 s0, $0x0;
	(v2sf) =	vpush v57, $0xF;
	(xrf0) =	vadd.scan.msk.s32 $0xffff, v58  }
0x3ea: {  	v0 =	vxor.u32 $0x80000000, v0;
	p0 =	por p0, p0;
	s11 =	sadd.s32 s11, s31;
	p3 =	por !p4, !p5  }
0x3eb: {  	p1 =	por p1, p1;
	s2 =	smov.u32 @p0 s11;
	p0 =	por !p3, !p3;
	v59, _, _ =	vpop (xrf0);
	(xrf0) =	vmax.scan.msk.u32 $0xffff, v0  }
0x3ec: {  	p1 =	por p1, p1;
	s0 =	simm.s32 @p0 $0x1  }
0x3ed: {  	p6 =	sge.s32 s14, s4;
	p4 =	seq.s32 s0, $0x0;
	s10 =	sadd.s32 s10, s15;
	(v2sf) =	vpush v59, $0xF  }
0x3ee: {  	s2 =	smov.u32 @p1 s10;
	p1 =	por !p4, !p6;
	v60, _, _ =	vpop (xrf0)  }
0x3ef: {  	p1 =	por !p1, !p1;
	(v2sf) =	vpush v60, $0xF;
	v61, _, _ =	vpop (xrf0)  }
0x3f0: {  	p2 =	por p2, p2;
	s0 =	simm.s32 @p1 $0x1;
	(v2sf) =	vpush v61, $0xF  }
0x3f1: {  	p2 =	por p2, p2;
	p6 =	seq.s32 s0, $0x0;
	v62, _, _ =	vpop (xrf0)  }
0x3f2: {  	s9 =	sadd.s32 s9, s17;
	p5 =	sge.s32 s16, s4;
	s14 =	spop (v2sf);
	(v2sf) =	vpush v62, $0xF  }
0x3f3: {  	s2 =	smov.u32 @p2 s9;
	p2 =	por !p6, !p5  }
0x3f4: {  	p0 =	por p0, p0;
	p2 =	por !p2, !p2  }
0x3f5: {  	p0 =	por p0, p0;
	s0 =	simm.s32 @p2 $0x1  }
0x3f6: {  	p1 =	por p1, p1;
	p5 =	por p2, p2;
	p6 =	seq.s32 s0, $0x0  }
0x3f7: {  	s7 =	sadd.s32 s7, s14;
	p4 =	sge.s32 s18, s4;
	s15 =	spop (v2sf)  }
0x3f8: {  	s2 =	smov.u32 @p0 s7;
	p0 =	por p1, p1;
	s17 =	spop (v2sf)  }
0x3f9: {  	p2 =	por !p6, !p4;
	s18 =	sadd.s32 s15, s18;
	s7 =	sadd.s32 s8, s17  }
0x3fa: {  	s21 =	sadd.s32 $0x80000000, s18;
	s2 =	smov.u32 @p0 s7;
	p0 =	por !p2, !p2  }
0x3fb: {  	p1 =	por p5, p5;
	p4 =	sge.s32 s21, s4;
	s0 =	simm.s32 @p0 $0x1  }
0x3fc: {  	p0 =	por p0, p0;
	p5 =	seq.s32 s0, $0x0;
	s22 =	spop (v2sf)  }
0x3fd: {  	p0 =	por p0, p0;
	p2 =	por !p5, !p4;
	s0 =	sadd.s32 s6, s22  }
0x3fe: {  	p6 =	por !p2, !p2;
	s2 =	smov.u32 @p1 s0;
	s23 =	spop (v2sf)  }
0x3ff: {  	p1 =	por p6, p6;
	s0 =	sadd.s32 s5, s23;
	s24 =	spop (v2sf)  }
0x400: {  	s2 =	smov.u32 @p0 s0;
	p0 =	por p1, p1;
	s0 =	sadd.s32 s1, s24  }
0x401: {  	s25 =	spop (v2sf);
	s2 =	smov.u32 @p0 s0  }
0x402: {  	s0 =	sshll.u32 s25, $0x10;
	s26 =	sadd.s32 s3, s2  }
0x403: {  	s0 =	sor.u32 s0, s26  }
0x404: {  	v63 =	vmov s0  }
0x405: {  	v0 =	vbroadcast v63, $0x0;
	_ =	sdelay $0x1  }
0x406: {  	s28 =	simm.s32 $0x0;
	s29 =	simm.s32 $0x1A180;
	s30 =	simm.s32 $0x3;
	[tilespmem:$0x1A180] =	vst v0  }
0x407: {  	[hbm4b:s20+s28] =	stream.linear.scatter [tilespmem:s29], [sflag:$0x3], $0x80, $0x38;
	[tilespmem:$0x1B218] =	vst v63  }
0x408: {  	_ =	swait.ge [sflag:s30], $0x80  }
0x409: {  	[sflag:s30] =	ssyncset.done $0x0  }
0x40a: {  	[sflag:s30] =	ssyncadd.s32 $0xFFFFFF80  }
0x40b: {  	_ =	sfence.sel $0x180000  }
0x40c: {  	[bflag:$0x0] =	sbarrier.arrive $0xFFFF  }
0x40d: {  	_ =	strace $0x90000047  }
0x40e: {  	s31 =	sadd.s32 $0x100000, s19;
	[bflag:$0x2] =	sbarrier.arrive $0xFFFF  }
0x40f: {  	[sflag:s31] =	ssyncadd.tile.s32 $0x1;
	_ =	shalt  }
.Lfunc_end2:
_tile_overlayer_lowered:
.L_overlay_start_2:
0x410: {  	(tag) =	ssettag $0x2  }
0x411: {  	s0 =	rddreg [dreg:$0x0];
	s2 =	stileid.u32  }
0x412: {  	s1 =	rddreg [dreg:$0x1];
	p0 =	sne.s32 s2, $0x0  }
0x413: {  	s3 =	rddreg [dreg:$0x2];
	[bflag:$0x3] =	sbarrier.arrive $0xFFFF;
	s2 =	simm.s32 @!p0 $0x1C03  }
0x414: {  	[timem:s3], [sflag:s2] =	dma.local @!p0 [hbm:s0], s1  }
0x415: {  	s0 =	simm.s32 @!p0 $0x3  }
0x416: {  	_ =	swait.ge @!p0 [sflag:s0], s1  }
0x417: {  	s1 =	ssub.s32 @!p0 $0x0, s1;
	[sflag:s0] =	ssyncset.done @!p0 $0x0  }
0x418: {  	[sflag:s0] =	ssyncadd.s32 @!p0 s1  }
0x419: {  	[bflag:$0x3] =	sbarrier.arrive $0xFFFF  }
0x41a: {  	_ =	shalt  }

</sc_bundles>
